<compile_context>
chip_gen: v7x
topology: tpu7x:2x2x1
jax: 0.10.2.dev20260603
libtpu: 0.0.44.dev20260713+nightly
codegen_flags: <defaults>
</compile_context>

<pallas_src>
import math

import jax
import jax.numpy as jnp
from jax import lax
from jax.experimental import pallas as pl
from jax.experimental.pallas import tpu as pltpu
from jax.experimental.pallas import tpu_sc as plsc

DIM = 64
SCALE = math.sqrt(DIM)
LANES = 16
CHUNK = 128
PADC = CHUNK + 5


def _make_kernel(hist: int, num_workers: int, steps: int):
    n_btiles = steps * num_workers // hist
    mesh = plsc.VectorSubcoreMesh(core_axis_name="c", subcore_axis_name="s")

    def body(idx_hbm, table_hbm, out_hbm, idx_v, g0, g1, t0, t1,
             sg0, sg1, st0, st1):
        nc = mesh.num_cores
        wid = lax.axis_index("s") * nc + lax.axis_index("c")
        beta0 = wid * steps
        gb = (g0, g1)
        tb = (t0, t1)
        sg = (sg0, sg1)
        st = (st0, st1)

        pltpu.sync_copy(idx_hbm.at[wid], idx_v)

        lane_iota = lax.iota(jnp.int32, LANES)
        scat_dg = [(lane_iota + q * LANES) // 8 for q in range(DIM // LANES)]
        scat_di = [(lane_iota + q * LANES) % 8 for q in range(DIM // LANES)]

        def start_gather(j, b):
            pltpu.async_copy(table_hbm.at[idx_v.at[j]], gb[b], sg[b])

        def transpose_scale(b):
            src = gb[b]
            dst = tb[b]

            @pl.loop(0, CHUNK, unroll=4)
            def _(t):
                t_vec = lane_iota * 0 + t
                for q in range(DIM // LANES):
                    vals = src[t, pl.ds(q * LANES, LANES)]
                    plsc.store_scatter(
                        dst, [scat_dg[q], scat_di[q], t_vec], vals * SCALE)

        def drain_out(b):
            pltpu.make_async_copy(
                tb[b].at[:, :, pl.ds(0, CHUNK)], out_hbm.at[0, :, 0],
                st[b]).wait()

        def pipe_step(j, b, *, out_wait, prefetch):
            beta = beta0 + j
            h = beta // n_btiles
            bt = beta - h * n_btiles
            pltpu.make_async_copy(table_hbm.at[idx_v.at[j]], gb[b], sg[b]).wait()
            if out_wait:
                drain_out(b)
            transpose_scale(b)
            if prefetch:
                start_gather(j + 2, b)
            pltpu.async_copy(
                tb[b].at[:, :, pl.ds(0, CHUNK)], out_hbm.at[h, :, bt], st[b])

        start_gather(0, 0)
        start_gather(1, 1)
        pipe_step(0, 0, out_wait=False, prefetch=True)
        pipe_step(1, 1, out_wait=False, prefetch=True)

        @pl.loop(1, steps // 2 - 1)
        def _(g):
            pipe_step(2 * g, 0, out_wait=True, prefetch=True)
            pipe_step(2 * g + 1, 1, out_wait=True, prefetch=True)

        pipe_step(steps - 2, 0, out_wait=True, prefetch=False)
        pipe_step(steps - 1, 1, out_wait=True, prefetch=False)
        drain_out(0)
        drain_out(1)

    kern = pl.kernel(
        body,
        out_type=jax.ShapeDtypeStruct(
            (hist, DIM // 8, n_btiles, 8, CHUNK), jnp.float32),
        mesh=mesh,
        compiler_params=pltpu.CompilerParams(
            use_tc_tiling_on_sc=False, needs_layout_passes=False),
        scratch_types=[
            pltpu.VMEM((steps, CHUNK), jnp.int32),
            pltpu.VMEM((CHUNK, DIM), jnp.float32),
            pltpu.VMEM((CHUNK, DIM), jnp.float32),
            pltpu.VMEM((DIM // 8, 8, PADC), jnp.float32),
            pltpu.VMEM((DIM // 8, 8, PADC), jnp.float32),
            pltpu.SemaphoreType.DMA,
            pltpu.SemaphoreType.DMA,
            pltpu.SemaphoreType.DMA,
            pltpu.SemaphoreType.DMA,
        ],
    )
    return kern


def kernel(x, w_embed):
    batch, hist = x.shape
    total = batch * hist
    info = plsc.get_sparse_core_info()
    num_workers = info.num_cores * info.num_subcores
    steps = total // (num_workers * CHUNK)
    assert steps * num_workers * CHUNK == total
    assert batch % CHUNK == 0
    idx = x.T.reshape(num_workers, steps, CHUNK).astype(jnp.int32)
    out5 = _make_kernel(hist, num_workers, steps)(idx, w_embed)
    out = out5.transpose(2, 4, 0, 1, 3).reshape(batch, hist, DIM)
    return out

# --- scband reference (transcript-rebuilt; emitter-appended) ---
"""Pipeline reference for scband-token-embedding-37915971289437 (READ-ONLY COPY).

The authoritative reference and input builder live on the scoring server;
editing this copy changes nothing except your own understanding.
"""

import jax, jax.numpy as jnp
import numpy as np
import math

VOCAB = 1000000
DIM = 64
BATCH = 16384
HIST = 50

def setup_inputs(seed: int = 0) -> dict:
    key = jax.random.key(seed)
    k1, k2 = jax.random.split(key)
    x = jax.random.randint(k1, (BATCH, HIST), 0, VOCAB, dtype=jnp.int64 if jax.config.jax_enable_x64 else jnp.int32)
    # Learned embedding table, TruncatedNormal(stddev=1/sqrt(embed_dim)) per hk.initializers
    w_embed = jax.random.truncated_normal(k2, -2.0, 2.0, (VOCAB, DIM), dtype=jnp.float32) * (1.0 / math.sqrt(DIM))
    return {"x": x, "w_embed": w_embed}

def reference(x, w_embed):
    # Faithful translation of TokenEmbedding.__call__ with scale_grad_by_freq=False
    embedded = jnp.take(w_embed, x, axis=0)
    return embedded * math.sqrt(DIM)

if __name__ == "__main__":
    import jax
    _d = setup_inputs()
    print(jax.jit(kernel)(*tuple(_d.values())))

</pallas_src>

<mosaic_0001>
#map = affine_map<(d0, d1) -> (0, 0, 0)>
#map1 = affine_map<(d0, d1) -> (0, 0)>
#map2 = affine_map<(d0, d1) -> (0, 0, 0, 0, 0)>
module attributes {stable_mosaic.version = 14 : i64} {
  func.func @body(%arg0: i32, %arg1: i32, %arg2: memref<32x200x128xi32, #tpu.memory_space<hbm>>, %arg3: memref<1000000x64xf32, #tpu.memory_space<hbm>>, %arg4: memref<50x8x128x8x128xf32, #tpu.memory_space<hbm>>, %arg5: memref<200x128xi32, #tpu.memory_space<vmem>>, %arg6: memref<128x64xf32, #tpu.memory_space<vmem>>, %arg7: memref<128x64xf32, #tpu.memory_space<vmem>>, %arg8: memref<8x8x133xf32, #tpu.memory_space<vmem>>, %arg9: memref<8x8x133xf32, #tpu.memory_space<vmem>>, %arg10: memref<!tpu.dma_semaphore, #tpu.memory_space<semaphore_mem>>, %arg11: memref<!tpu.dma_semaphore, #tpu.memory_space<semaphore_mem>>, %arg12: memref<!tpu.dma_semaphore, #tpu.memory_space<semaphore_mem>>, %arg13: memref<!tpu.dma_semaphore, #tpu.memory_space<semaphore_mem>>) attributes {dimension_semantics = [#tpu.dimension_semantics<core_parallel>, #tpu.dimension_semantics<subcore_parallel>], iteration_bounds = array<i64: 2, 16>, scalar_prefetch = 0 : i64, scratch_operands = 9 : i64, tpu.core_type = #tpu.core_type<sc_vector_subcore>, window_params = [{transform_indices = #map}, {transform_indices = #map1}, {transform_indices = #map2}]} {
    %mul3A = arith.constant 2 : i32
    %mul3A_0 = arith.muli %arg1, %mul3A : i32
    %add3A = arith.addi %mul3A_0, %arg0 : i32
    %mul3A_1 = arith.constant 200 : i32
    %mul3A_2 = arith.muli %add3A, %mul3A_1 : i32
    "tpu.region"() ({
      %run_scoped3A = tpu.sem_alloc : memref<!tpu.dma_semaphore, #tpu.memory_space<semaphore_mem>>
      %dma_start3A_575 = arith.constant 0 : i32
      %dma_start3A_576 = arith.constant 0 : i32
      %dma_start3A_577 = tpu.memref_slice %arg2[%add3A, %dma_start3A_575, %dma_start3A_576] : memref<32x200x128xi32, #tpu.memory_space<hbm>> -> memref<1x200x128xi32, #tpu.memory_space<hbm>>
      %dma_start3A_578 = tpu.memref_squeeze %dma_start3A_577 : memref<1x200x128xi32, #tpu.memory_space<hbm>> -> memref<200x128xi32, #tpu.memory_space<hbm>>
      %dma_start3A_579 = arith.constant 0 : i32
      %dma_start3A_580 = arith.constant 0 : i32
      %dma_start3A_581 = tpu.memref_slice %arg2[%add3A, %dma_start3A_579, %dma_start3A_580] : memref<32x200x128xi32, #tpu.memory_space<hbm>> -> memref<1x200x128xi32, #tpu.memory_space<hbm>>
      %dma_start3A_582 = tpu.memref_squeeze %dma_start3A_581 : memref<1x200x128xi32, #tpu.memory_space<hbm>> -> memref<200x128xi32, #tpu.memory_space<hbm>>
      tpu.enqueue_dma source(%dma_start3A_582 : memref<200x128xi32, #tpu.memory_space<hbm>>) target(%arg5 : memref<200x128xi32, #tpu.memory_space<vmem>>) target_semaphore(%run_scoped3A : memref<!tpu.dma_semaphore, #tpu.memory_space<semaphore_mem>>)
      %dma_wait3A_583 = arith.constant 0 : i32
      %dma_wait3A_584 = arith.constant 0 : i32
      %dma_wait3A_585 = tpu.memref_slice %arg2[%add3A, %dma_wait3A_583, %dma_wait3A_584] : memref<32x200x128xi32, #tpu.memory_space<hbm>> -> memref<1x200x128xi32, #tpu.memory_space<hbm>>
      %dma_wait3A_586 = tpu.memref_squeeze %dma_wait3A_585 : memref<1x200x128xi32, #tpu.memory_space<hbm>> -> memref<200x128xi32, #tpu.memory_space<hbm>>
      %dma_wait3A_587 = arith.constant 0 : i32
      %dma_wait3A_588 = arith.constant 0 : i32
      %dma_wait3A_589 = tpu.memref_slice %arg2[%add3A, %dma_wait3A_587, %dma_wait3A_588] : memref<32x200x128xi32, #tpu.memory_space<hbm>> -> memref<1x200x128xi32, #tpu.memory_space<hbm>>
      %dma_wait3A_590 = tpu.memref_squeeze %dma_wait3A_589 : memref<1x200x128xi32, #tpu.memory_space<hbm>> -> memref<200x128xi32, #tpu.memory_space<hbm>>
      tpu.wait_dma2 semaphore(%run_scoped3A : memref<!tpu.dma_semaphore, #tpu.memory_space<semaphore_mem>>) src(%dma_wait3A_590 : memref<200x128xi32, #tpu.memory_space<hbm>>) dst(%arg5 : memref<200x128xi32, #tpu.memory_space<vmem>>)
      tpu.yield
    }) : () -> ()
    %iota3A = tpu.iota {dimensions = array<i32: 0>} : vector<16xi32>
    %add3A_3 = arith.constant 0 : i32
    %add3A_4 = vector.broadcast %add3A_3 : i32 to vector<16xi32>
    %add3A_5 = arith.addi %iota3A, %add3A_4 : vector<16xi32>
    %jit3A = arith.constant 8 : i32
    %div3A = vector.broadcast %jit3A : i32 to vector<16xi32>
    %div3A_6 = arith.divsi %add3A_5, %div3A : vector<16xi32>
    %sign3A = arith.constant 0 : i32
    %sign3A_7 = vector.broadcast %sign3A : i32 to vector<16xi32>
    %sign3A_8 = arith.cmpi sgt, %add3A_5, %sign3A_7 : vector<16xi32>
    %sign3A_9 = arith.extui %sign3A_8 : vector<16xi1> to vector<16xi32>
    %sign3A_10 = arith.constant 0 : i32
    %sign3A_11 = vector.broadcast %sign3A_10 : i32 to vector<16xi32>
    %sign3A_12 = arith.cmpi slt, %add3A_5, %sign3A_11 : vector<16xi32>
    %sign3A_13 = arith.extui %sign3A_12 : vector<16xi1> to vector<16xi32>
    %sign3A_14 = arith.subi %sign3A_9, %sign3A_13 : vector<16xi32>
    %sign3A_15 = arith.constant 0 : i32
    %sign3A_16 = arith.cmpi sgt, %jit3A, %sign3A_15 : i32
    %sign3A_17 = arith.extui %sign3A_16 : i1 to i32
    %sign3A_18 = arith.constant 0 : i32
    %sign3A_19 = arith.cmpi slt, %jit3A, %sign3A_18 : i32
    %sign3A_20 = arith.extui %sign3A_19 : i1 to i32
    %sign3A_21 = arith.subi %sign3A_17, %sign3A_20 : i32
    %ne3A = vector.broadcast %sign3A_21 : i32 to vector<16xi32>
    %ne3A_22 = arith.cmpi ne, %sign3A_14, %ne3A : vector<16xi32>
    %rem3A = vector.broadcast %jit3A : i32 to vector<16xi32>
    %rem3A_23 = arith.remsi %add3A_5, %rem3A : vector<16xi32>
    %ne3A_24 = arith.constant 0 : i32
    %ne3A_25 = vector.broadcast %ne3A_24 : i32 to vector<16xi32>
    %ne3A_26 = arith.cmpi ne, %rem3A_23, %ne3A_25 : vector<16xi32>
    %and3A = arith.andi %ne3A_22, %ne3A_26 : vector<16xi1>
    %sub3A = arith.constant 1 : i32
    %sub3A_27 = vector.broadcast %sub3A : i32 to vector<16xi32>
    %sub3A_28 = arith.subi %div3A_6, %sub3A_27 : vector<16xi32>
    %select_n3A = arith.select %and3A, %sub3A_28, %div3A_6 : vector<16xi1>, vector<16xi32>
    %add3A_29 = arith.constant 16 : i32
    %add3A_30 = vector.broadcast %add3A_29 : i32 to vector<16xi32>
    %add3A_31 = arith.addi %iota3A, %add3A_30 : vector<16xi32>
    %jit3A_32 = arith.constant 8 : i32
    %div3A_33 = vector.broadcast %jit3A_32 : i32 to vector<16xi32>
    %div3A_34 = arith.divsi %add3A_31, %div3A_33 : vector<16xi32>
    %sign3A_35 = arith.constant 0 : i32
    %sign3A_36 = vector.broadcast %sign3A_35 : i32 to vector<16xi32>
    %sign3A_37 = arith.cmpi sgt, %add3A_31, %sign3A_36 : vector<16xi32>
    %sign3A_38 = arith.extui %sign3A_37 : vector<16xi1> to vector<16xi32>
    %sign3A_39 = arith.constant 0 : i32
    %sign3A_40 = vector.broadcast %sign3A_39 : i32 to vector<16xi32>
    %sign3A_41 = arith.cmpi slt, %add3A_31, %sign3A_40 : vector<16xi32>
    %sign3A_42 = arith.extui %sign3A_41 : vector<16xi1> to vector<16xi32>
    %sign3A_43 = arith.subi %sign3A_38, %sign3A_42 : vector<16xi32>
    %sign3A_44 = arith.constant 0 : i32
    %sign3A_45 = arith.cmpi sgt, %jit3A_32, %sign3A_44 : i32
    %sign3A_46 = arith.extui %sign3A_45 : i1 to i32
    %sign3A_47 = arith.constant 0 : i32
    %sign3A_48 = arith.cmpi slt, %jit3A_32, %sign3A_47 : i32
    %sign3A_49 = arith.extui %sign3A_48 : i1 to i32
    %sign3A_50 = arith.subi %sign3A_46, %sign3A_49 : i32
    %ne3A_51 = vector.broadcast %sign3A_50 : i32 to vector<16xi32>
    %ne3A_52 = arith.cmpi ne, %sign3A_43, %ne3A_51 : vector<16xi32>
    %rem3A_53 = vector.broadcast %jit3A_32 : i32 to vector<16xi32>
    %rem3A_54 = arith.remsi %add3A_31, %rem3A_53 : vector<16xi32>
    %ne3A_55 = arith.constant 0 : i32
    %ne3A_56 = vector.broadcast %ne3A_55 : i32 to vector<16xi32>
    %ne3A_57 = arith.cmpi ne, %rem3A_54, %ne3A_56 : vector<16xi32>
    %and3A_58 = arith.andi %ne3A_52, %ne3A_57 : vector<16xi1>
    %sub3A_59 = arith.constant 1 : i32
    %sub3A_60 = vector.broadcast %sub3A_59 : i32 to vector<16xi32>
    %sub3A_61 = arith.subi %div3A_34, %sub3A_60 : vector<16xi32>
    %select_n3A_62 = arith.select %and3A_58, %sub3A_61, %div3A_34 : vector<16xi1>, vector<16xi32>
    %add3A_63 = arith.constant 32 : i32
    %add3A_64 = vector.broadcast %add3A_63 : i32 to vector<16xi32>
    %add3A_65 = arith.addi %iota3A, %add3A_64 : vector<16xi32>
    %jit3A_66 = arith.constant 8 : i32
    %div3A_67 = vector.broadcast %jit3A_66 : i32 to vector<16xi32>
    %div3A_68 = arith.divsi %add3A_65, %div3A_67 : vector<16xi32>
    %sign3A_69 = arith.constant 0 : i32
    %sign3A_70 = vector.broadcast %sign3A_69 : i32 to vector<16xi32>
    %sign3A_71 = arith.cmpi sgt, %add3A_65, %sign3A_70 : vector<16xi32>
    %sign3A_72 = arith.extui %sign3A_71 : vector<16xi1> to vector<16xi32>
    %sign3A_73 = arith.constant 0 : i32
    %sign3A_74 = vector.broadcast %sign3A_73 : i32 to vector<16xi32>
    %sign3A_75 = arith.cmpi slt, %add3A_65, %sign3A_74 : vector<16xi32>
    %sign3A_76 = arith.extui %sign3A_75 : vector<16xi1> to vector<16xi32>
    %sign3A_77 = arith.subi %sign3A_72, %sign3A_76 : vector<16xi32>
    %sign3A_78 = arith.constant 0 : i32
    %sign3A_79 = arith.cmpi sgt, %jit3A_66, %sign3A_78 : i32
    %sign3A_80 = arith.extui %sign3A_79 : i1 to i32
    %sign3A_81 = arith.constant 0 : i32
    %sign3A_82 = arith.cmpi slt, %jit3A_66, %sign3A_81 : i32
    %sign3A_83 = arith.extui %sign3A_82 : i1 to i32
    %sign3A_84 = arith.subi %sign3A_80, %sign3A_83 : i32
    %ne3A_85 = vector.broadcast %sign3A_84 : i32 to vector<16xi32>
    %ne3A_86 = arith.cmpi ne, %sign3A_77, %ne3A_85 : vector<16xi32>
    %rem3A_87 = vector.broadcast %jit3A_66 : i32 to vector<16xi32>
    %rem3A_88 = arith.remsi %add3A_65, %rem3A_87 : vector<16xi32>
    %ne3A_89 = arith.constant 0 : i32
    %ne3A_90 = vector.broadcast %ne3A_89 : i32 to vector<16xi32>
    %ne3A_91 = arith.cmpi ne, %rem3A_88, %ne3A_90 : vector<16xi32>
    %and3A_92 = arith.andi %ne3A_86, %ne3A_91 : vector<16xi1>
    %sub3A_93 = arith.constant 1 : i32
    %sub3A_94 = vector.broadcast %sub3A_93 : i32 to vector<16xi32>
    %sub3A_95 = arith.subi %div3A_68, %sub3A_94 : vector<16xi32>
    %select_n3A_96 = arith.select %and3A_92, %sub3A_95, %div3A_68 : vector<16xi1>, vector<16xi32>
    %add3A_97 = arith.constant 48 : i32
    %add3A_98 = vector.broadcast %add3A_97 : i32 to vector<16xi32>
    %add3A_99 = arith.addi %iota3A, %add3A_98 : vector<16xi32>
    %jit3A_100 = arith.constant 8 : i32
    %div3A_101 = vector.broadcast %jit3A_100 : i32 to vector<16xi32>
    %div3A_102 = arith.divsi %add3A_99, %div3A_101 : vector<16xi32>
    %sign3A_103 = arith.constant 0 : i32
    %sign3A_104 = vector.broadcast %sign3A_103 : i32 to vector<16xi32>
    %sign3A_105 = arith.cmpi sgt, %add3A_99, %sign3A_104 : vector<16xi32>
    %sign3A_106 = arith.extui %sign3A_105 : vector<16xi1> to vector<16xi32>
    %sign3A_107 = arith.constant 0 : i32
    %sign3A_108 = vector.broadcast %sign3A_107 : i32 to vector<16xi32>
    %sign3A_109 = arith.cmpi slt, %add3A_99, %sign3A_108 : vector<16xi32>
    %sign3A_110 = arith.extui %sign3A_109 : vector<16xi1> to vector<16xi32>
    %sign3A_111 = arith.subi %sign3A_106, %sign3A_110 : vector<16xi32>
    %sign3A_112 = arith.constant 0 : i32
    %sign3A_113 = arith.cmpi sgt, %jit3A_100, %sign3A_112 : i32
    %sign3A_114 = arith.extui %sign3A_113 : i1 to i32
    %sign3A_115 = arith.constant 0 : i32
    %sign3A_116 = arith.cmpi slt, %jit3A_100, %sign3A_115 : i32
    %sign3A_117 = arith.extui %sign3A_116 : i1 to i32
    %sign3A_118 = arith.subi %sign3A_114, %sign3A_117 : i32
    %ne3A_119 = vector.broadcast %sign3A_118 : i32 to vector<16xi32>
    %ne3A_120 = arith.cmpi ne, %sign3A_111, %ne3A_119 : vector<16xi32>
    %rem3A_121 = vector.broadcast %jit3A_100 : i32 to vector<16xi32>
    %rem3A_122 = arith.remsi %add3A_99, %rem3A_121 : vector<16xi32>
    %ne3A_123 = arith.constant 0 : i32
    %ne3A_124 = vector.broadcast %ne3A_123 : i32 to vector<16xi32>
    %ne3A_125 = arith.cmpi ne, %rem3A_122, %ne3A_124 : vector<16xi32>
    %and3A_126 = arith.andi %ne3A_120, %ne3A_125 : vector<16xi1>
    %sub3A_127 = arith.constant 1 : i32
    %sub3A_128 = vector.broadcast %sub3A_127 : i32 to vector<16xi32>
    %sub3A_129 = arith.subi %div3A_102, %sub3A_128 : vector<16xi32>
    %select_n3A_130 = arith.select %and3A_126, %sub3A_129, %div3A_102 : vector<16xi1>, vector<16xi32>
    %add3A_131 = arith.constant 0 : i32
    %add3A_132 = vector.broadcast %add3A_131 : i32 to vector<16xi32>
    %add3A_133 = arith.addi %iota3A, %add3A_132 : vector<16xi32>
    %jit3A_134 = arith.constant 8 : i32
    %eq3A = arith.constant 0 : i32
    %eq3A_135 = arith.cmpi eq, %jit3A_134, %eq3A : i32
    %jit3A_136 = arith.constant 1 : i32
    %select_n3A_137 = arith.select %eq3A_135, %jit3A_136, %jit3A_134 : i32
    %rem3A_138 = vector.broadcast %select_n3A_137 : i32 to vector<16xi32>
    %rem3A_139 = arith.remsi %add3A_133, %rem3A_138 : vector<16xi32>
    %ne3A_140 = arith.constant 0 : i32
    %ne3A_141 = vector.broadcast %ne3A_140 : i32 to vector<16xi32>
    %ne3A_142 = arith.cmpi ne, %rem3A_139, %ne3A_141 : vector<16xi32>
    %lt3A = arith.constant 0 : i32
    %lt3A_143 = vector.broadcast %lt3A : i32 to vector<16xi32>
    %lt3A_144 = arith.cmpi slt, %rem3A_139, %lt3A_143 : vector<16xi32>
    %lt3A_145 = arith.constant 0 : i32
    %lt3A_146 = arith.cmpi slt, %select_n3A_137, %lt3A_145 : i32
    %ne3A_147 = vector.broadcast %lt3A_146 : i1 to vector<16xi1>
    %ne3A_148 = vector.broadcast %ne3A_147 : vector<16xi1> to vector<16xi1>
    %ne3A_149 = arith.xori %lt3A_144, %ne3A_148 : vector<16xi1>
    %and3A_150 = arith.andi %ne3A_149, %ne3A_142 : vector<16xi1>
    %add3A_151 = vector.broadcast %select_n3A_137 : i32 to vector<16xi32>
    %add3A_152 = arith.addi %rem3A_139, %add3A_151 : vector<16xi32>
    %select_n3A_153 = arith.select %and3A_150, %add3A_152, %rem3A_139 : vector<16xi1>, vector<16xi32>
    %add3A_154 = arith.constant 16 : i32
    %add3A_155 = vector.broadcast %add3A_154 : i32 to vector<16xi32>
    %add3A_156 = arith.addi %iota3A, %add3A_155 : vector<16xi32>
    %jit3A_157 = arith.constant 8 : i32
    %eq3A_158 = arith.constant 0 : i32
    %eq3A_159 = arith.cmpi eq, %jit3A_157, %eq3A_158 : i32
    %jit3A_160 = arith.constant 1 : i32
    %select_n3A_161 = arith.select %eq3A_159, %jit3A_160, %jit3A_157 : i32
    %rem3A_162 = vector.broadcast %select_n3A_161 : i32 to vector<16xi32>
    %rem3A_163 = arith.remsi %add3A_156, %rem3A_162 : vector<16xi32>
    %ne3A_164 = arith.constant 0 : i32
    %ne3A_165 = vector.broadcast %ne3A_164 : i32 to vector<16xi32>
    %ne3A_166 = arith.cmpi ne, %rem3A_163, %ne3A_165 : vector<16xi32>
    %lt3A_167 = arith.constant 0 : i32
    %lt3A_168 = vector.broadcast %lt3A_167 : i32 to vector<16xi32>
    %lt3A_169 = arith.cmpi slt, %rem3A_163, %lt3A_168 : vector<16xi32>
    %lt3A_170 = arith.constant 0 : i32
    %lt3A_171 = arith.cmpi slt, %select_n3A_161, %lt3A_170 : i32
    %ne3A_172 = vector.broadcast %lt3A_171 : i1 to vector<16xi1>
    %ne3A_173 = vector.broadcast %ne3A_172 : vector<16xi1> to vector<16xi1>
    %ne3A_174 = arith.xori %lt3A_169, %ne3A_173 : vector<16xi1>
    %and3A_175 = arith.andi %ne3A_174, %ne3A_166 : vector<16xi1>
    %add3A_176 = vector.broadcast %select_n3A_161 : i32 to vector<16xi32>
    %add3A_177 = arith.addi %rem3A_163, %add3A_176 : vector<16xi32>
    %select_n3A_178 = arith.select %and3A_175, %add3A_177, %rem3A_163 : vector<16xi1>, vector<16xi32>
    %add3A_179 = arith.constant 32 : i32
    %add3A_180 = vector.broadcast %add3A_179 : i32 to vector<16xi32>
    %add3A_181 = arith.addi %iota3A, %add3A_180 : vector<16xi32>
    %jit3A_182 = arith.constant 8 : i32
    %eq3A_183 = arith.constant 0 : i32
    %eq3A_184 = arith.cmpi eq, %jit3A_182, %eq3A_183 : i32
    %jit3A_185 = arith.constant 1 : i32
    %select_n3A_186 = arith.select %eq3A_184, %jit3A_185, %jit3A_182 : i32
    %rem3A_187 = vector.broadcast %select_n3A_186 : i32 to vector<16xi32>
    %rem3A_188 = arith.remsi %add3A_181, %rem3A_187 : vector<16xi32>
    %ne3A_189 = arith.constant 0 : i32
    %ne3A_190 = vector.broadcast %ne3A_189 : i32 to vector<16xi32>
    %ne3A_191 = arith.cmpi ne, %rem3A_188, %ne3A_190 : vector<16xi32>
    %lt3A_192 = arith.constant 0 : i32
    %lt3A_193 = vector.broadcast %lt3A_192 : i32 to vector<16xi32>
    %lt3A_194 = arith.cmpi slt, %rem3A_188, %lt3A_193 : vector<16xi32>
    %lt3A_195 = arith.constant 0 : i32
    %lt3A_196 = arith.cmpi slt, %select_n3A_186, %lt3A_195 : i32
    %ne3A_197 = vector.broadcast %lt3A_196 : i1 to vector<16xi1>
    %ne3A_198 = vector.broadcast %ne3A_197 : vector<16xi1> to vector<16xi1>
    %ne3A_199 = arith.xori %lt3A_194, %ne3A_198 : vector<16xi1>
    %and3A_200 = arith.andi %ne3A_199, %ne3A_191 : vector<16xi1>
    %add3A_201 = vector.broadcast %select_n3A_186 : i32 to vector<16xi32>
    %add3A_202 = arith.addi %rem3A_188, %add3A_201 : vector<16xi32>
    %select_n3A_203 = arith.select %and3A_200, %add3A_202, %rem3A_188 : vector<16xi1>, vector<16xi32>
    %add3A_204 = arith.constant 48 : i32
    %add3A_205 = vector.broadcast %add3A_204 : i32 to vector<16xi32>
    %add3A_206 = arith.addi %iota3A, %add3A_205 : vector<16xi32>
    %jit3A_207 = arith.constant 8 : i32
    %eq3A_208 = arith.constant 0 : i32
    %eq3A_209 = arith.cmpi eq, %jit3A_207, %eq3A_208 : i32
    %jit3A_210 = arith.constant 1 : i32
    %select_n3A_211 = arith.select %eq3A_209, %jit3A_210, %jit3A_207 : i32
    %rem3A_212 = vector.broadcast %select_n3A_211 : i32 to vector<16xi32>
    %rem3A_213 = arith.remsi %add3A_206, %rem3A_212 : vector<16xi32>
    %ne3A_214 = arith.constant 0 : i32
    %ne3A_215 = vector.broadcast %ne3A_214 : i32 to vector<16xi32>
    %ne3A_216 = arith.cmpi ne, %rem3A_213, %ne3A_215 : vector<16xi32>
    %lt3A_217 = arith.constant 0 : i32
    %lt3A_218 = vector.broadcast %lt3A_217 : i32 to vector<16xi32>
    %lt3A_219 = arith.cmpi slt, %rem3A_213, %lt3A_218 : vector<16xi32>
    %lt3A_220 = arith.constant 0 : i32
    %lt3A_221 = arith.cmpi slt, %select_n3A_211, %lt3A_220 : i32
    %ne3A_222 = vector.broadcast %lt3A_221 : i1 to vector<16xi1>
    %ne3A_223 = vector.broadcast %ne3A_222 : vector<16xi1> to vector<16xi1>
    %ne3A_224 = arith.xori %lt3A_219, %ne3A_223 : vector<16xi1>
    %and3A_225 = arith.andi %ne3A_224, %ne3A_216 : vector<16xi1>
    %add3A_226 = vector.broadcast %select_n3A_211 : i32 to vector<16xi32>
    %add3A_227 = arith.addi %rem3A_213, %add3A_226 : vector<16xi32>
    %select_n3A_228 = arith.select %and3A_225, %add3A_227, %rem3A_213 : vector<16xi1>, vector<16xi32>
    %dma_start3A = arith.constant 0 : i32
    %dma_start3A_229 = arith.constant 0 : i32
    %dma_start3A_230 = tpu.memref_slice %arg5[%dma_start3A, %dma_start3A_229] : memref<200x128xi32, #tpu.memory_space<vmem>> -> memref<1x128xi32, #tpu.memory_space<vmem>>
    %dma_start3A_231 = tpu.memref_squeeze %dma_start3A_230 : memref<1x128xi32, #tpu.memory_space<vmem>> -> memref<128xi32, #tpu.memory_space<vmem>>
    %dma_start3A_232 = arith.constant 0 : i32
    %dma_start3A_233 = arith.constant 0 : i32
    %dma_start3A_234 = tpu.memref_slice %arg3[%dma_start3A_232, %dma_start3A_233] : memref<1000000x64xf32, #tpu.memory_space<hbm>> -> memref<1000000x64xf32, #tpu.memory_space<hbm>>
    tpu.enqueue_indirect_dma source(%dma_start3A_234 : memref<1000000x64xf32, #tpu.memory_space<hbm>>) target(%arg6 : memref<128x64xf32, #tpu.memory_space<vmem>>) offsets(%dma_start3A_231 : memref<128xi32, #tpu.memory_space<vmem>>) semaphore(%arg10 : memref<!tpu.dma_semaphore, #tpu.memory_space<semaphore_mem>>)
    %dma_start3A_235 = arith.constant 1 : i32
    %dma_start3A_236 = arith.constant 0 : i32
    %dma_start3A_237 = tpu.memref_slice %arg5[%dma_start3A_235, %dma_start3A_236] : memref<200x128xi32, #tpu.memory_space<vmem>> -> memref<1x128xi32, #tpu.memory_space<vmem>>
    %dma_start3A_238 = tpu.memref_squeeze %dma_start3A_237 : memref<1x128xi32, #tpu.memory_space<vmem>> -> memref<128xi32, #tpu.memory_space<vmem>>
    %dma_start3A_239 = arith.constant 0 : i32
    %dma_start3A_240 = arith.constant 0 : i32
    %dma_start3A_241 = tpu.memref_slice %arg3[%dma_start3A_239, %dma_start3A_240] : memref<1000000x64xf32, #tpu.memory_space<hbm>> -> memref<1000000x64xf32, #tpu.memory_space<hbm>>
    tpu.enqueue_indirect_dma source(%dma_start3A_241 : memref<1000000x64xf32, #tpu.memory_space<hbm>>) target(%arg7 : memref<128x64xf32, #tpu.memory_space<vmem>>) offsets(%dma_start3A_238 : memref<128xi32, #tpu.memory_space<vmem>>) semaphore(%arg11 : memref<!tpu.dma_semaphore, #tpu.memory_space<semaphore_mem>>)
    %add3A_242 = arith.constant 0 : i32
    %add3A_243 = arith.addi %mul3A_2, %add3A_242 : i32
    %jit3A_244 = arith.constant 128 : i32
    %div3A_245 = arith.divsi %add3A_243, %jit3A_244 : i32
    %sign3A_246 = arith.constant 0 : i32
    %sign3A_247 = arith.cmpi sgt, %add3A_243, %sign3A_246 : i32
    %sign3A_248 = arith.extui %sign3A_247 : i1 to i32
    %sign3A_249 = arith.constant 0 : i32
    %sign3A_250 = arith.cmpi slt, %add3A_243, %sign3A_249 : i32
    %sign3A_251 = arith.extui %sign3A_250 : i1 to i32
    %sign3A_252 = arith.subi %sign3A_248, %sign3A_251 : i32
    %sign3A_253 = arith.constant 0 : i32
    %sign3A_254 = arith.cmpi sgt, %jit3A_244, %sign3A_253 : i32
    %sign3A_255 = arith.extui %sign3A_254 : i1 to i32
    %sign3A_256 = arith.constant 0 : i32
    %sign3A_257 = arith.cmpi slt, %jit3A_244, %sign3A_256 : i32
    %sign3A_258 = arith.extui %sign3A_257 : i1 to i32
    %sign3A_259 = arith.subi %sign3A_255, %sign3A_258 : i32
    %ne3A_260 = arith.cmpi ne, %sign3A_252, %sign3A_259 : i32
    %rem3A_261 = arith.remsi %add3A_243, %jit3A_244 : i32
    %ne3A_262 = arith.constant 0 : i32
    %ne3A_263 = arith.cmpi ne, %rem3A_261, %ne3A_262 : i32
    %and3A_264 = arith.andi %ne3A_260, %ne3A_263 : i1
    %sub3A_265 = arith.constant 1 : i32
    %sub3A_266 = arith.subi %div3A_245, %sub3A_265 : i32
    %select_n3A_267 = arith.select %and3A_264, %sub3A_266, %div3A_245 : i32
    %mul3A_268 = arith.constant 128 : i32
    %mul3A_269 = arith.muli %select_n3A_267, %mul3A_268 : i32
    %sub3A_270 = arith.subi %add3A_243, %mul3A_269 : i32
    %dma_wait3A = arith.constant 0 : i32
    %dma_wait3A_271 = arith.constant 0 : i32
    %dma_wait3A_272 = tpu.memref_slice %arg5[%dma_wait3A, %dma_wait3A_271] : memref<200x128xi32, #tpu.memory_space<vmem>> -> memref<1x128xi32, #tpu.memory_space<vmem>>
    %dma_wait3A_273 = tpu.memref_squeeze %dma_wait3A_272 : memref<1x128xi32, #tpu.memory_space<vmem>> -> memref<128xi32, #tpu.memory_space<vmem>>
    %dma_wait3A_274 = arith.constant 0 : i32
    %dma_wait3A_275 = arith.constant 0 : i32
    %dma_wait3A_276 = tpu.memref_slice %arg3[%dma_wait3A_274, %dma_wait3A_275] : memref<1000000x64xf32, #tpu.memory_space<hbm>> -> memref<1000000x64xf32, #tpu.memory_space<hbm>>
    tpu.wait_indirect_dma semaphore(%arg10 : memref<!tpu.dma_semaphore, #tpu.memory_space<semaphore_mem>>) src(%dma_wait3A_276 : memref<1000000x64xf32, #tpu.memory_space<hbm>>) dst(%arg6 : memref<128x64xf32, #tpu.memory_space<vmem>>)
    %scan3A = arith.constant 0 : i32
    %scan3A_277 = arith.constant 128 : i32
    %scan3A_278 = arith.addi %scan3A, %scan3A_277 : i32
    %scan3A_279 = arith.constant 4 : i32
    scf.for %scan3A_575 = %scan3A to %scan3A_278 step %scan3A_279  : i32 {
      %mul3A_576 = arith.constant 1 : i32
      %mul3A_577 = arith.muli %scan3A_575, %mul3A_576 : i32
      %add3A_578 = arith.constant 0 : i32
      %add3A_579 = arith.addi %add3A_578, %mul3A_577 : i32
      %mul3A_580 = arith.constant 0 : i32
      %mul3A_581 = vector.broadcast %mul3A_580 : i32 to vector<16xi32>
      %mul3A_582 = arith.muli %iota3A, %mul3A_581 : vector<16xi32>
      %add3A_583 = vector.broadcast %add3A_579 : i32 to vector<16xi32>
      %add3A_584 = arith.addi %mul3A_582, %add3A_583 : vector<16xi32>
      %get3A = arith.index_cast %add3A_579 : i32 to index
      %get3A_585 = arith.constant 0 : index
      %get3A_586 = tpu.vector_load %arg6[%get3A, %get3A_585] {strides = array<i32>} : memref<128x64xf32, #tpu.memory_space<vmem>>, vector<16xf32>,
      %mul3A_587 = arith.constant 8.000000e+00 : f32
      %mul3A_588 = vector.broadcast %mul3A_587 : f32 to vector<16xf32>
      %mul3A_589 = arith.mulf %get3A_586, %mul3A_588 : vector<16xf32>
      tpu.vector_store_idx %arg8[%select_n3A, %select_n3A_153, %add3A_584], %mul3A_589 : memref<8x8x133xf32, #tpu.memory_space<vmem>>[vector<16xi32>, vector<16xi32>, vector<16xi32>], vector<16xf32>,
      %get3A_590 = arith.index_cast %add3A_579 : i32 to index
      %get3A_591 = arith.constant 16 : index
      %get3A_592 = tpu.vector_load %arg6[%get3A_590, %get3A_591] {strides = array<i32>} : memref<128x64xf32, #tpu.memory_space<vmem>>, vector<16xf32>,
      %mul3A_593 = arith.constant 8.000000e+00 : f32
      %mul3A_594 = vector.broadcast %mul3A_593 : f32 to vector<16xf32>
      %mul3A_595 = arith.mulf %get3A_592, %mul3A_594 : vector<16xf32>
      tpu.vector_store_idx %arg8[%select_n3A_62, %select_n3A_178, %add3A_584], %mul3A_595 : memref<8x8x133xf32, #tpu.memory_space<vmem>>[vector<16xi32>, vector<16xi32>, vector<16xi32>], vector<16xf32>,
      %get3A_596 = arith.index_cast %add3A_579 : i32 to index
      %get3A_597 = arith.constant 32 : index
      %get3A_598 = tpu.vector_load %arg6[%get3A_596, %get3A_597] {strides = array<i32>} : memref<128x64xf32, #tpu.memory_space<vmem>>, vector<16xf32>,
      %mul3A_599 = arith.constant 8.000000e+00 : f32
      %mul3A_600 = vector.broadcast %mul3A_599 : f32 to vector<16xf32>
      %mul3A_601 = arith.mulf %get3A_598, %mul3A_600 : vector<16xf32>
      tpu.vector_store_idx %arg8[%select_n3A_96, %select_n3A_203, %add3A_584], %mul3A_601 : memref<8x8x133xf32, #tpu.memory_space<vmem>>[vector<16xi32>, vector<16xi32>, vector<16xi32>], vector<16xf32>,
      %get3A_602 = arith.index_cast %add3A_579 : i32 to index
      %get3A_603 = arith.constant 48 : index
      %get3A_604 = tpu.vector_load %arg6[%get3A_602, %get3A_603] {strides = array<i32>} : memref<128x64xf32, #tpu.memory_space<vmem>>, vector<16xf32>,
      %mul3A_605 = arith.constant 8.000000e+00 : f32
      %mul3A_606 = vector.broadcast %mul3A_605 : f32 to vector<16xf32>
      %mul3A_607 = arith.mulf %get3A_604, %mul3A_606 : vector<16xf32>
      tpu.vector_store_idx %arg8[%select_n3A_130, %select_n3A_228, %add3A_584], %mul3A_607 : memref<8x8x133xf32, #tpu.memory_space<vmem>>[vector<16xi32>, vector<16xi32>, vector<16xi32>], vector<16xf32>,
      %scan3A_608 = arith.constant 1 : i32
      %scan3A_609 = arith.addi %scan3A_575, %scan3A_608 : i32
      %mul3A_610 = arith.constant 1 : i32
      %mul3A_611 = arith.muli %scan3A_609, %mul3A_610 : i32
      %add3A_612 = arith.constant 0 : i32
      %add3A_613 = arith.addi %add3A_612, %mul3A_611 : i32
      %mul3A_614 = arith.constant 0 : i32
      %mul3A_615 = vector.broadcast %mul3A_614 : i32 to vector<16xi32>
      %mul3A_616 = arith.muli %iota3A, %mul3A_615 : vector<16xi32>
      %add3A_617 = vector.broadcast %add3A_613 : i32 to vector<16xi32>
      %add3A_618 = arith.addi %mul3A_616, %add3A_617 : vector<16xi32>
      %get3A_619 = arith.index_cast %add3A_613 : i32 to index
      %get3A_620 = arith.constant 0 : index
      %get3A_621 = tpu.vector_load %arg6[%get3A_619, %get3A_620] {strides = array<i32>} : memref<128x64xf32, #tpu.memory_space<vmem>>, vector<16xf32>,
      %mul3A_622 = arith.constant 8.000000e+00 : f32
      %mul3A_623 = vector.broadcast %mul3A_622 : f32 to vector<16xf32>
      %mul3A_624 = arith.mulf %get3A_621, %mul3A_623 : vector<16xf32>
      tpu.vector_store_idx %arg8[%select_n3A, %select_n3A_153, %add3A_618], %mul3A_624 : memref<8x8x133xf32, #tpu.memory_space<vmem>>[vector<16xi32>, vector<16xi32>, vector<16xi32>], vector<16xf32>,
      %get3A_625 = arith.index_cast %add3A_613 : i32 to index
      %get3A_626 = arith.constant 16 : index
      %get3A_627 = tpu.vector_load %arg6[%get3A_625, %get3A_626] {strides = array<i32>} : memref<128x64xf32, #tpu.memory_space<vmem>>, vector<16xf32>,
      %mul3A_628 = arith.constant 8.000000e+00 : f32
      %mul3A_629 = vector.broadcast %mul3A_628 : f32 to vector<16xf32>
      %mul3A_630 = arith.mulf %get3A_627, %mul3A_629 : vector<16xf32>
      tpu.vector_store_idx %arg8[%select_n3A_62, %select_n3A_178, %add3A_618], %mul3A_630 : memref<8x8x133xf32, #tpu.memory_space<vmem>>[vector<16xi32>, vector<16xi32>, vector<16xi32>], vector<16xf32>,
      %get3A_631 = arith.index_cast %add3A_613 : i32 to index
      %get3A_632 = arith.constant 32 : index
      %get3A_633 = tpu.vector_load %arg6[%get3A_631, %get3A_632] {strides = array<i32>} : memref<128x64xf32, #tpu.memory_space<vmem>>, vector<16xf32>,
      %mul3A_634 = arith.constant 8.000000e+00 : f32
      %mul3A_635 = vector.broadcast %mul3A_634 : f32 to vector<16xf32>
      %mul3A_636 = arith.mulf %get3A_633, %mul3A_635 : vector<16xf32>
      tpu.vector_store_idx %arg8[%select_n3A_96, %select_n3A_203, %add3A_618], %mul3A_636 : memref<8x8x133xf32, #tpu.memory_space<vmem>>[vector<16xi32>, vector<16xi32>, vector<16xi32>], vector<16xf32>,
      %get3A_637 = arith.index_cast %add3A_613 : i32 to index
      %get3A_638 = arith.constant 48 : index
      %get3A_639 = tpu.vector_load %arg6[%get3A_637, %get3A_638] {strides = array<i32>} : memref<128x64xf32, #tpu.memory_space<vmem>>, vector<16xf32>,
      %mul3A_640 = arith.constant 8.000000e+00 : f32
      %mul3A_641 = vector.broadcast %mul3A_640 : f32 to vector<16xf32>
      %mul3A_642 = arith.mulf %get3A_639, %mul3A_641 : vector<16xf32>
      tpu.vector_store_idx %arg8[%select_n3A_130, %select_n3A_228, %add3A_618], %mul3A_642 : memref<8x8x133xf32, #tpu.memory_space<vmem>>[vector<16xi32>, vector<16xi32>, vector<16xi32>], vector<16xf32>,
      %scan3A_643 = arith.constant 2 : i32
      %scan3A_644 = arith.addi %scan3A_575, %scan3A_643 : i32
      %mul3A_645 = arith.constant 1 : i32
      %mul3A_646 = arith.muli %scan3A_644, %mul3A_645 : i32
      %add3A_647 = arith.constant 0 : i32
      %add3A_648 = arith.addi %add3A_647, %mul3A_646 : i32
      %mul3A_649 = arith.constant 0 : i32
      %mul3A_650 = vector.broadcast %mul3A_649 : i32 to vector<16xi32>
      %mul3A_651 = arith.muli %iota3A, %mul3A_650 : vector<16xi32>
      %add3A_652 = vector.broadcast %add3A_648 : i32 to vector<16xi32>
      %add3A_653 = arith.addi %mul3A_651, %add3A_652 : vector<16xi32>
      %get3A_654 = arith.index_cast %add3A_648 : i32 to index
      %get3A_655 = arith.constant 0 : index
      %get3A_656 = tpu.vector_load %arg6[%get3A_654, %get3A_655] {strides = array<i32>} : memref<128x64xf32, #tpu.memory_space<vmem>>, vector<16xf32>,
      %mul3A_657 = arith.constant 8.000000e+00 : f32
      %mul3A_658 = vector.broadcast %mul3A_657 : f32 to vector<16xf32>
      %mul3A_659 = arith.mulf %get3A_656, %mul3A_658 : vector<16xf32>
      tpu.vector_store_idx %arg8[%select_n3A, %select_n3A_153, %add3A_653], %mul3A_659 : memref<8x8x133xf32, #tpu.memory_space<vmem>>[vector<16xi32>, vector<16xi32>, vector<16xi32>], vector<16xf32>,
      %get3A_660 = arith.index_cast %add3A_648 : i32 to index
      %get3A_661 = arith.constant 16 : index
      %get3A_662 = tpu.vector_load %arg6[%get3A_660, %get3A_661] {strides = array<i32>} : memref<128x64xf32, #tpu.memory_space<vmem>>, vector<16xf32>,
      %mul3A_663 = arith.constant 8.000000e+00 : f32
      %mul3A_664 = vector.broadcast %mul3A_663 : f32 to vector<16xf32>
      %mul3A_665 = arith.mulf %get3A_662, %mul3A_664 : vector<16xf32>
      tpu.vector_store_idx %arg8[%select_n3A_62, %select_n3A_178, %add3A_653], %mul3A_665 : memref<8x8x133xf32, #tpu.memory_space<vmem>>[vector<16xi32>, vector<16xi32>, vector<16xi32>], vector<16xf32>,
      %get3A_666 = arith.index_cast %add3A_648 : i32 to index
      %get3A_667 = arith.constant 32 : index
      %get3A_668 = tpu.vector_load %arg6[%get3A_666, %get3A_667] {strides = array<i32>} : memref<128x64xf32, #tpu.memory_space<vmem>>, vector<16xf32>,
      %mul3A_669 = arith.constant 8.000000e+00 : f32
      %mul3A_670 = vector.broadcast %mul3A_669 : f32 to vector<16xf32>
      %mul3A_671 = arith.mulf %get3A_668, %mul3A_670 : vector<16xf32>
      tpu.vector_store_idx %arg8[%select_n3A_96, %select_n3A_203, %add3A_653], %mul3A_671 : memref<8x8x133xf32, #tpu.memory_space<vmem>>[vector<16xi32>, vector<16xi32>, vector<16xi32>], vector<16xf32>,
      %get3A_672 = arith.index_cast %add3A_648 : i32 to index
      %get3A_673 = arith.constant 48 : index
      %get3A_674 = tpu.vector_load %arg6[%get3A_672, %get3A_673] {strides = array<i32>} : memref<128x64xf32, #tpu.memory_space<vmem>>, vector<16xf32>,
      %mul3A_675 = arith.constant 8.000000e+00 : f32
      %mul3A_676 = vector.broadcast %mul3A_675 : f32 to vector<16xf32>
      %mul3A_677 = arith.mulf %get3A_674, %mul3A_676 : vector<16xf32>
      tpu.vector_store_idx %arg8[%select_n3A_130, %select_n3A_228, %add3A_653], %mul3A_677 : memref<8x8x133xf32, #tpu.memory_space<vmem>>[vector<16xi32>, vector<16xi32>, vector<16xi32>], vector<16xf32>,
      %scan3A_678 = arith.constant 3 : i32
      %scan3A_679 = arith.addi %scan3A_575, %scan3A_678 : i32
      %mul3A_680 = arith.constant 1 : i32
      %mul3A_681 = arith.muli %scan3A_679, %mul3A_680 : i32
      %add3A_682 = arith.constant 0 : i32
      %add3A_683 = arith.addi %add3A_682, %mul3A_681 : i32
      %mul3A_684 = arith.constant 0 : i32
      %mul3A_685 = vector.broadcast %mul3A_684 : i32 to vector<16xi32>
      %mul3A_686 = arith.muli %iota3A, %mul3A_685 : vector<16xi32>
      %add3A_687 = vector.broadcast %add3A_683 : i32 to vector<16xi32>
      %add3A_688 = arith.addi %mul3A_686, %add3A_687 : vector<16xi32>
      %get3A_689 = arith.index_cast %add3A_683 : i32 to index
      %get3A_690 = arith.constant 0 : index
      %get3A_691 = tpu.vector_load %arg6[%get3A_689, %get3A_690] {strides = array<i32>} : memref<128x64xf32, #tpu.memory_space<vmem>>, vector<16xf32>,
      %mul3A_692 = arith.constant 8.000000e+00 : f32
      %mul3A_693 = vector.broadcast %mul3A_692 : f32 to vector<16xf32>
      %mul3A_694 = arith.mulf %get3A_691, %mul3A_693 : vector<16xf32>
      tpu.vector_store_idx %arg8[%select_n3A, %select_n3A_153, %add3A_688], %mul3A_694 : memref<8x8x133xf32, #tpu.memory_space<vmem>>[vector<16xi32>, vector<16xi32>, vector<16xi32>], vector<16xf32>,
      %get3A_695 = arith.index_cast %add3A_683 : i32 to index
      %get3A_696 = arith.constant 16 : index
      %get3A_697 = tpu.vector_load %arg6[%get3A_695, %get3A_696] {strides = array<i32>} : memref<128x64xf32, #tpu.memory_space<vmem>>, vector<16xf32>,
      %mul3A_698 = arith.constant 8.000000e+00 : f32
      %mul3A_699 = vector.broadcast %mul3A_698 : f32 to vector<16xf32>
      %mul3A_700 = arith.mulf %get3A_697, %mul3A_699 : vector<16xf32>
      tpu.vector_store_idx %arg8[%select_n3A_62, %select_n3A_178, %add3A_688], %mul3A_700 : memref<8x8x133xf32, #tpu.memory_space<vmem>>[vector<16xi32>, vector<16xi32>, vector<16xi32>], vector<16xf32>,
      %get3A_701 = arith.index_cast %add3A_683 : i32 to index
      %get3A_702 = arith.constant 32 : index
      %get3A_703 = tpu.vector_load %arg6[%get3A_701, %get3A_702] {strides = array<i32>} : memref<128x64xf32, #tpu.memory_space<vmem>>, vector<16xf32>,
      %mul3A_704 = arith.constant 8.000000e+00 : f32
      %mul3A_705 = vector.broadcast %mul3A_704 : f32 to vector<16xf32>
      %mul3A_706 = arith.mulf %get3A_703, %mul3A_705 : vector<16xf32>
      tpu.vector_store_idx %arg8[%select_n3A_96, %select_n3A_203, %add3A_688], %mul3A_706 : memref<8x8x133xf32, #tpu.memory_space<vmem>>[vector<16xi32>, vector<16xi32>, vector<16xi32>], vector<16xf32>,
      %get3A_707 = arith.index_cast %add3A_683 : i32 to index
      %get3A_708 = arith.constant 48 : index
      %get3A_709 = tpu.vector_load %arg6[%get3A_707, %get3A_708] {strides = array<i32>} : memref<128x64xf32, #tpu.memory_space<vmem>>, vector<16xf32>,
      %mul3A_710 = arith.constant 8.000000e+00 : f32
      %mul3A_711 = vector.broadcast %mul3A_710 : f32 to vector<16xf32>
      %mul3A_712 = arith.mulf %get3A_709, %mul3A_711 : vector<16xf32>
      tpu.vector_store_idx %arg8[%select_n3A_130, %select_n3A_228, %add3A_688], %mul3A_712 : memref<8x8x133xf32, #tpu.memory_space<vmem>>[vector<16xi32>, vector<16xi32>, vector<16xi32>], vector<16xf32>,
    }
    %scan3A_280 = arith.constant 128 : i32
    %dma_start3A_281 = arith.constant 2 : i32
    %dma_start3A_282 = arith.constant 0 : i32
    %dma_start3A_283 = tpu.memref_slice %arg5[%dma_start3A_281, %dma_start3A_282] : memref<200x128xi32, #tpu.memory_space<vmem>> -> memref<1x128xi32, #tpu.memory_space<vmem>>
    %dma_start3A_284 = tpu.memref_squeeze %dma_start3A_283 : memref<1x128xi32, #tpu.memory_space<vmem>> -> memref<128xi32, #tpu.memory_space<vmem>>
    %dma_start3A_285 = arith.constant 0 : i32
    %dma_start3A_286 = arith.constant 0 : i32
    %dma_start3A_287 = tpu.memref_slice %arg3[%dma_start3A_285, %dma_start3A_286] : memref<1000000x64xf32, #tpu.memory_space<hbm>> -> memref<1000000x64xf32, #tpu.memory_space<hbm>>
    tpu.enqueue_indirect_dma source(%dma_start3A_287 : memref<1000000x64xf32, #tpu.memory_space<hbm>>) target(%arg6 : memref<128x64xf32, #tpu.memory_space<vmem>>) offsets(%dma_start3A_284 : memref<128xi32, #tpu.memory_space<vmem>>) semaphore(%arg10 : memref<!tpu.dma_semaphore, #tpu.memory_space<semaphore_mem>>)
    %dma_start3A_288 = arith.constant 0 : i32
    %dma_start3A_289 = arith.constant 0 : i32
    %dma_start3A_290 = arith.constant 0 : i32
    %dma_start3A_291 = tpu.memref_slice %arg8[%dma_start3A_288, %dma_start3A_289, %dma_start3A_290] : memref<8x8x133xf32, #tpu.memory_space<vmem>> -> memref<8x8x128xf32, #tpu.memory_space<vmem>>
    %dma_start3A_292 = arith.constant 0 : i32
    %dma_start3A_293 = arith.constant 0 : i32
    %dma_start3A_294 = arith.constant 0 : i32
    %dma_start3A_295 = tpu.memref_slice %arg4[%select_n3A_267, %dma_start3A_292, %sub3A_270, %dma_start3A_293, %dma_start3A_294] : memref<50x8x128x8x128xf32, #tpu.memory_space<hbm>> -> memref<1x8x1x8x128xf32, #tpu.memory_space<hbm>>
    %dma_start3A_296 = tpu.memref_squeeze %dma_start3A_295 : memref<1x8x1x8x128xf32, #tpu.memory_space<hbm>> -> memref<8x8x128xf32, #tpu.memory_space<hbm>>
    %dma_start3A_297 = arith.constant 0 : i32
    %dma_start3A_298 = arith.constant 0 : i32
    %dma_start3A_299 = arith.constant 0 : i32
    %dma_start3A_300 = tpu.memref_slice %arg4[%select_n3A_267, %dma_start3A_297, %sub3A_270, %dma_start3A_298, %dma_start3A_299] : memref<50x8x128x8x128xf32, #tpu.memory_space<hbm>> -> memref<1x8x1x8x128xf32, #tpu.memory_space<hbm>>
    %dma_start3A_301 = tpu.memref_squeeze %dma_start3A_300 : memref<1x8x1x8x128xf32, #tpu.memory_space<hbm>> -> memref<8x8x128xf32, #tpu.memory_space<hbm>>
    %dma_start3A_302 = arith.constant 0 : i32
    %dma_start3A_303 = arith.constant 0 : i32
    %dma_start3A_304 = arith.constant 0 : i32
    %dma_start3A_305 = tpu.memref_slice %arg8[%dma_start3A_302, %dma_start3A_303, %dma_start3A_304] : memref<8x8x133xf32, #tpu.memory_space<vmem>> -> memref<8x8x128xf32, #tpu.memory_space<vmem>>
    tpu.enqueue_dma source(%dma_start3A_305 : memref<8x8x128xf32, #tpu.memory_space<vmem>>) target(%dma_start3A_301 : memref<8x8x128xf32, #tpu.memory_space<hbm>>) target_semaphore(%arg12 : memref<!tpu.dma_semaphore, #tpu.memory_space<semaphore_mem>>)
    %add3A_306 = arith.constant 1 : i32
    %add3A_307 = arith.addi %mul3A_2, %add3A_306 : i32
    %jit3A_308 = arith.constant 128 : i32
    %div3A_309 = arith.divsi %add3A_307, %jit3A_308 : i32
    %sign3A_310 = arith.constant 0 : i32
    %sign3A_311 = arith.cmpi sgt, %add3A_307, %sign3A_310 : i32
    %sign3A_312 = arith.extui %sign3A_311 : i1 to i32
    %sign3A_313 = arith.constant 0 : i32
    %sign3A_314 = arith.cmpi slt, %add3A_307, %sign3A_313 : i32
    %sign3A_315 = arith.extui %sign3A_314 : i1 to i32
    %sign3A_316 = arith.subi %sign3A_312, %sign3A_315 : i32
    %sign3A_317 = arith.constant 0 : i32
    %sign3A_318 = arith.cmpi sgt, %jit3A_308, %sign3A_317 : i32
    %sign3A_319 = arith.extui %sign3A_318 : i1 to i32
    %sign3A_320 = arith.constant 0 : i32
    %sign3A_321 = arith.cmpi slt, %jit3A_308, %sign3A_320 : i32
    %sign3A_322 = arith.extui %sign3A_321 : i1 to i32
    %sign3A_323 = arith.subi %sign3A_319, %sign3A_322 : i32
    %ne3A_324 = arith.cmpi ne, %sign3A_316, %sign3A_323 : i32
    %rem3A_325 = arith.remsi %add3A_307, %jit3A_308 : i32
    %ne3A_326 = arith.constant 0 : i32
    %ne3A_327 = arith.cmpi ne, %rem3A_325, %ne3A_326 : i32
    %and3A_328 = arith.andi %ne3A_324, %ne3A_327 : i1
    %sub3A_329 = arith.constant 1 : i32
    %sub3A_330 = arith.subi %div3A_309, %sub3A_329 : i32
    %select_n3A_331 = arith.select %and3A_328, %sub3A_330, %div3A_309 : i32
    %mul3A_332 = arith.constant 128 : i32
    %mul3A_333 = arith.muli %select_n3A_331, %mul3A_332 : i32
    %sub3A_334 = arith.subi %add3A_307, %mul3A_333 : i32
    %dma_wait3A_335 = arith.constant 1 : i32
    %dma_wait3A_336 = arith.constant 0 : i32
    %dma_wait3A_337 = tpu.memref_slice %arg5[%dma_wait3A_335, %dma_wait3A_336] : memref<200x128xi32, #tpu.memory_space<vmem>> -> memref<1x128xi32, #tpu.memory_space<vmem>>
    %dma_wait3A_338 = tpu.memref_squeeze %dma_wait3A_337 : memref<1x128xi32, #tpu.memory_space<vmem>> -> memref<128xi32, #tpu.memory_space<vmem>>
    %dma_wait3A_339 = arith.constant 0 : i32
    %dma_wait3A_340 = arith.constant 0 : i32
    %dma_wait3A_341 = tpu.memref_slice %arg3[%dma_wait3A_339, %dma_wait3A_340] : memref<1000000x64xf32, #tpu.memory_space<hbm>> -> memref<1000000x64xf32, #tpu.memory_space<hbm>>
    tpu.wait_indirect_dma semaphore(%arg11 : memref<!tpu.dma_semaphore, #tpu.memory_space<semaphore_mem>>) src(%dma_wait3A_341 : memref<1000000x64xf32, #tpu.memory_space<hbm>>) dst(%arg7 : memref<128x64xf32, #tpu.memory_space<vmem>>)
    %scan3A_342 = arith.constant 0 : i32
    %scan3A_343 = arith.constant 128 : i32
    %scan3A_344 = arith.addi %scan3A_342, %scan3A_343 : i32
    %scan3A_345 = arith.constant 4 : i32
    scf.for %scan3A_575 = %scan3A_342 to %scan3A_344 step %scan3A_345  : i32 {
      %mul3A_576 = arith.constant 1 : i32
      %mul3A_577 = arith.muli %scan3A_575, %mul3A_576 : i32
      %add3A_578 = arith.constant 0 : i32
      %add3A_579 = arith.addi %add3A_578, %mul3A_577 : i32
      %mul3A_580 = arith.constant 0 : i32
      %mul3A_581 = vector.broadcast %mul3A_580 : i32 to vector<16xi32>
      %mul3A_582 = arith.muli %iota3A, %mul3A_581 : vector<16xi32>
      %add3A_583 = vector.broadcast %add3A_579 : i32 to vector<16xi32>
      %add3A_584 = arith.addi %mul3A_582, %add3A_583 : vector<16xi32>
      %get3A = arith.index_cast %add3A_579 : i32 to index
      %get3A_585 = arith.constant 0 : index
      %get3A_586 = tpu.vector_load %arg7[%get3A, %get3A_585] {strides = array<i32>} : memref<128x64xf32, #tpu.memory_space<vmem>>, vector<16xf32>,
      %mul3A_587 = arith.constant 8.000000e+00 : f32
      %mul3A_588 = vector.broadcast %mul3A_587 : f32 to vector<16xf32>
      %mul3A_589 = arith.mulf %get3A_586, %mul3A_588 : vector<16xf32>
      tpu.vector_store_idx %arg9[%select_n3A, %select_n3A_153, %add3A_584], %mul3A_589 : memref<8x8x133xf32, #tpu.memory_space<vmem>>[vector<16xi32>, vector<16xi32>, vector<16xi32>], vector<16xf32>,
      %get3A_590 = arith.index_cast %add3A_579 : i32 to index
      %get3A_591 = arith.constant 16 : index
      %get3A_592 = tpu.vector_load %arg7[%get3A_590, %get3A_591] {strides = array<i32>} : memref<128x64xf32, #tpu.memory_space<vmem>>, vector<16xf32>,
      %mul3A_593 = arith.constant 8.000000e+00 : f32
      %mul3A_594 = vector.broadcast %mul3A_593 : f32 to vector<16xf32>
      %mul3A_595 = arith.mulf %get3A_592, %mul3A_594 : vector<16xf32>
      tpu.vector_store_idx %arg9[%select_n3A_62, %select_n3A_178, %add3A_584], %mul3A_595 : memref<8x8x133xf32, #tpu.memory_space<vmem>>[vector<16xi32>, vector<16xi32>, vector<16xi32>], vector<16xf32>,
      %get3A_596 = arith.index_cast %add3A_579 : i32 to index
      %get3A_597 = arith.constant 32 : index
      %get3A_598 = tpu.vector_load %arg7[%get3A_596, %get3A_597] {strides = array<i32>} : memref<128x64xf32, #tpu.memory_space<vmem>>, vector<16xf32>,
      %mul3A_599 = arith.constant 8.000000e+00 : f32
      %mul3A_600 = vector.broadcast %mul3A_599 : f32 to vector<16xf32>
      %mul3A_601 = arith.mulf %get3A_598, %mul3A_600 : vector<16xf32>
      tpu.vector_store_idx %arg9[%select_n3A_96, %select_n3A_203, %add3A_584], %mul3A_601 : memref<8x8x133xf32, #tpu.memory_space<vmem>>[vector<16xi32>, vector<16xi32>, vector<16xi32>], vector<16xf32>,
      %get3A_602 = arith.index_cast %add3A_579 : i32 to index
      %get3A_603 = arith.constant 48 : index
      %get3A_604 = tpu.vector_load %arg7[%get3A_602, %get3A_603] {strides = array<i32>} : memref<128x64xf32, #tpu.memory_space<vmem>>, vector<16xf32>,
      %mul3A_605 = arith.constant 8.000000e+00 : f32
      %mul3A_606 = vector.broadcast %mul3A_605 : f32 to vector<16xf32>
      %mul3A_607 = arith.mulf %get3A_604, %mul3A_606 : vector<16xf32>
      tpu.vector_store_idx %arg9[%select_n3A_130, %select_n3A_228, %add3A_584], %mul3A_607 : memref<8x8x133xf32, #tpu.memory_space<vmem>>[vector<16xi32>, vector<16xi32>, vector<16xi32>], vector<16xf32>,
      %scan3A_608 = arith.constant 1 : i32
      %scan3A_609 = arith.addi %scan3A_575, %scan3A_608 : i32
      %mul3A_610 = arith.constant 1 : i32
      %mul3A_611 = arith.muli %scan3A_609, %mul3A_610 : i32
      %add3A_612 = arith.constant 0 : i32
      %add3A_613 = arith.addi %add3A_612, %mul3A_611 : i32
      %mul3A_614 = arith.constant 0 : i32
      %mul3A_615 = vector.broadcast %mul3A_614 : i32 to vector<16xi32>
      %mul3A_616 = arith.muli %iota3A, %mul3A_615 : vector<16xi32>
      %add3A_617 = vector.broadcast %add3A_613 : i32 to vector<16xi32>
      %add3A_618 = arith.addi %mul3A_616, %add3A_617 : vector<16xi32>
      %get3A_619 = arith.index_cast %add3A_613 : i32 to index
      %get3A_620 = arith.constant 0 : index
      %get3A_621 = tpu.vector_load %arg7[%get3A_619, %get3A_620] {strides = array<i32>} : memref<128x64xf32, #tpu.memory_space<vmem>>, vector<16xf32>,
      %mul3A_622 = arith.constant 8.000000e+00 : f32
      %mul3A_623 = vector.broadcast %mul3A_622 : f32 to vector<16xf32>
      %mul3A_624 = arith.mulf %get3A_621, %mul3A_623 : vector<16xf32>
      tpu.vector_store_idx %arg9[%select_n3A, %select_n3A_153, %add3A_618], %mul3A_624 : memref<8x8x133xf32, #tpu.memory_space<vmem>>[vector<16xi32>, vector<16xi32>, vector<16xi32>], vector<16xf32>,
      %get3A_625 = arith.index_cast %add3A_613 : i32 to index
      %get3A_626 = arith.constant 16 : index
      %get3A_627 = tpu.vector_load %arg7[%get3A_625, %get3A_626] {strides = array<i32>} : memref<128x64xf32, #tpu.memory_space<vmem>>, vector<16xf32>,
      %mul3A_628 = arith.constant 8.000000e+00 : f32
      %mul3A_629 = vector.broadcast %mul3A_628 : f32 to vector<16xf32>
      %mul3A_630 = arith.mulf %get3A_627, %mul3A_629 : vector<16xf32>
      tpu.vector_store_idx %arg9[%select_n3A_62, %select_n3A_178, %add3A_618], %mul3A_630 : memref<8x8x133xf32, #tpu.memory_space<vmem>>[vector<16xi32>, vector<16xi32>, vector<16xi32>], vector<16xf32>,
      %get3A_631 = arith.index_cast %add3A_613 : i32 to index
      %get3A_632 = arith.constant 32 : index
      %get3A_633 = tpu.vector_load %arg7[%get3A_631, %get3A_632] {strides = array<i32>} : memref<128x64xf32, #tpu.memory_space<vmem>>, vector<16xf32>,
      %mul3A_634 = arith.constant 8.000000e+00 : f32
      %mul3A_635 = vector.broadcast %mul3A_634 : f32 to vector<16xf32>
      %mul3A_636 = arith.mulf %get3A_633, %mul3A_635 : vector<16xf32>
      tpu.vector_store_idx %arg9[%select_n3A_96, %select_n3A_203, %add3A_618], %mul3A_636 : memref<8x8x133xf32, #tpu.memory_space<vmem>>[vector<16xi32>, vector<16xi32>, vector<16xi32>], vector<16xf32>,
      %get3A_637 = arith.index_cast %add3A_613 : i32 to index
      %get3A_638 = arith.constant 48 : index
      %get3A_639 = tpu.vector_load %arg7[%get3A_637, %get3A_638] {strides = array<i32>} : memref<128x64xf32, #tpu.memory_space<vmem>>, vector<16xf32>,
      %mul3A_640 = arith.constant 8.000000e+00 : f32
      %mul3A_641 = vector.broadcast %mul3A_640 : f32 to vector<16xf32>
      %mul3A_642 = arith.mulf %get3A_639, %mul3A_641 : vector<16xf32>
      tpu.vector_store_idx %arg9[%select_n3A_130, %select_n3A_228, %add3A_618], %mul3A_642 : memref<8x8x133xf32, #tpu.memory_space<vmem>>[vector<16xi32>, vector<16xi32>, vector<16xi32>], vector<16xf32>,
      %scan3A_643 = arith.constant 2 : i32
      %scan3A_644 = arith.addi %scan3A_575, %scan3A_643 : i32
      %mul3A_645 = arith.constant 1 : i32
      %mul3A_646 = arith.muli %scan3A_644, %mul3A_645 : i32
      %add3A_647 = arith.constant 0 : i32
      %add3A_648 = arith.addi %add3A_647, %mul3A_646 : i32
      %mul3A_649 = arith.constant 0 : i32
      %mul3A_650 = vector.broadcast %mul3A_649 : i32 to vector<16xi32>
      %mul3A_651 = arith.muli %iota3A, %mul3A_650 : vector<16xi32>
      %add3A_652 = vector.broadcast %add3A_648 : i32 to vector<16xi32>
      %add3A_653 = arith.addi %mul3A_651, %add3A_652 : vector<16xi32>
      %get3A_654 = arith.index_cast %add3A_648 : i32 to index
      %get3A_655 = arith.constant 0 : index
      %get3A_656 = tpu.vector_load %arg7[%get3A_654, %get3A_655] {strides = array<i32>} : memref<128x64xf32, #tpu.memory_space<vmem>>, vector<16xf32>,
      %mul3A_657 = arith.constant 8.000000e+00 : f32
      %mul3A_658 = vector.broadcast %mul3A_657 : f32 to vector<16xf32>
      %mul3A_659 = arith.mulf %get3A_656, %mul3A_658 : vector<16xf32>
      tpu.vector_store_idx %arg9[%select_n3A, %select_n3A_153, %add3A_653], %mul3A_659 : memref<8x8x133xf32, #tpu.memory_space<vmem>>[vector<16xi32>, vector<16xi32>, vector<16xi32>], vector<16xf32>,
      %get3A_660 = arith.index_cast %add3A_648 : i32 to index
      %get3A_661 = arith.constant 16 : index
      %get3A_662 = tpu.vector_load %arg7[%get3A_660, %get3A_661] {strides = array<i32>} : memref<128x64xf32, #tpu.memory_space<vmem>>, vector<16xf32>,
      %mul3A_663 = arith.constant 8.000000e+00 : f32
      %mul3A_664 = vector.broadcast %mul3A_663 : f32 to vector<16xf32>
      %mul3A_665 = arith.mulf %get3A_662, %mul3A_664 : vector<16xf32>
      tpu.vector_store_idx %arg9[%select_n3A_62, %select_n3A_178, %add3A_653], %mul3A_665 : memref<8x8x133xf32, #tpu.memory_space<vmem>>[vector<16xi32>, vector<16xi32>, vector<16xi32>], vector<16xf32>,
      %get3A_666 = arith.index_cast %add3A_648 : i32 to index
      %get3A_667 = arith.constant 32 : index
      %get3A_668 = tpu.vector_load %arg7[%get3A_666, %get3A_667] {strides = array<i32>} : memref<128x64xf32, #tpu.memory_space<vmem>>, vector<16xf32>,
      %mul3A_669 = arith.constant 8.000000e+00 : f32
      %mul3A_670 = vector.broadcast %mul3A_669 : f32 to vector<16xf32>
      %mul3A_671 = arith.mulf %get3A_668, %mul3A_670 : vector<16xf32>
      tpu.vector_store_idx %arg9[%select_n3A_96, %select_n3A_203, %add3A_653], %mul3A_671 : memref<8x8x133xf32, #tpu.memory_space<vmem>>[vector<16xi32>, vector<16xi32>, vector<16xi32>], vector<16xf32>,
      %get3A_672 = arith.index_cast %add3A_648 : i32 to index
      %get3A_673 = arith.constant 48 : index
      %get3A_674 = tpu.vector_load %arg7[%get3A_672, %get3A_673] {strides = array<i32>} : memref<128x64xf32, #tpu.memory_space<vmem>>, vector<16xf32>,
      %mul3A_675 = arith.constant 8.000000e+00 : f32
      %mul3A_676 = vector.broadcast %mul3A_675 : f32 to vector<16xf32>
      %mul3A_677 = arith.mulf %get3A_674, %mul3A_676 : vector<16xf32>
      tpu.vector_store_idx %arg9[%select_n3A_130, %select_n3A_228, %add3A_653], %mul3A_677 : memref<8x8x133xf32, #tpu.memory_space<vmem>>[vector<16xi32>, vector<16xi32>, vector<16xi32>], vector<16xf32>,
      %scan3A_678 = arith.constant 3 : i32
      %scan3A_679 = arith.addi %scan3A_575, %scan3A_678 : i32
      %mul3A_680 = arith.constant 1 : i32
      %mul3A_681 = arith.muli %scan3A_679, %mul3A_680 : i32
      %add3A_682 = arith.constant 0 : i32
      %add3A_683 = arith.addi %add3A_682, %mul3A_681 : i32
      %mul3A_684 = arith.constant 0 : i32
      %mul3A_685 = vector.broadcast %mul3A_684 : i32 to vector<16xi32>
      %mul3A_686 = arith.muli %iota3A, %mul3A_685 : vector<16xi32>
      %add3A_687 = vector.broadcast %add3A_683 : i32 to vector<16xi32>
      %add3A_688 = arith.addi %mul3A_686, %add3A_687 : vector<16xi32>
      %get3A_689 = arith.index_cast %add3A_683 : i32 to index
      %get3A_690 = arith.constant 0 : index
      %get3A_691 = tpu.vector_load %arg7[%get3A_689, %get3A_690] {strides = array<i32>} : memref<128x64xf32, #tpu.memory_space<vmem>>, vector<16xf32>,
      %mul3A_692 = arith.constant 8.000000e+00 : f32
      %mul3A_693 = vector.broadcast %mul3A_692 : f32 to vector<16xf32>
      %mul3A_694 = arith.mulf %get3A_691, %mul3A_693 : vector<16xf32>
      tpu.vector_store_idx %arg9[%select_n3A, %select_n3A_153, %add3A_688], %mul3A_694 : memref<8x8x133xf32, #tpu.memory_space<vmem>>[vector<16xi32>, vector<16xi32>, vector<16xi32>], vector<16xf32>,
      %get3A_695 = arith.index_cast %add3A_683 : i32 to index
      %get3A_696 = arith.constant 16 : index
      %get3A_697 = tpu.vector_load %arg7[%get3A_695, %get3A_696] {strides = array<i32>} : memref<128x64xf32, #tpu.memory_space<vmem>>, vector<16xf32>,
      %mul3A_698 = arith.constant 8.000000e+00 : f32
      %mul3A_699 = vector.broadcast %mul3A_698 : f32 to vector<16xf32>
      %mul3A_700 = arith.mulf %get3A_697, %mul3A_699 : vector<16xf32>
      tpu.vector_store_idx %arg9[%select_n3A_62, %select_n3A_178, %add3A_688], %mul3A_700 : memref<8x8x133xf32, #tpu.memory_space<vmem>>[vector<16xi32>, vector<16xi32>, vector<16xi32>], vector<16xf32>,
      %get3A_701 = arith.index_cast %add3A_683 : i32 to index
      %get3A_702 = arith.constant 32 : index
      %get3A_703 = tpu.vector_load %arg7[%get3A_701, %get3A_702] {strides = array<i32>} : memref<128x64xf32, #tpu.memory_space<vmem>>, vector<16xf32>,
      %mul3A_704 = arith.constant 8.000000e+00 : f32
      %mul3A_705 = vector.broadcast %mul3A_704 : f32 to vector<16xf32>
      %mul3A_706 = arith.mulf %get3A_703, %mul3A_705 : vector<16xf32>
      tpu.vector_store_idx %arg9[%select_n3A_96, %select_n3A_203, %add3A_688], %mul3A_706 : memref<8x8x133xf32, #tpu.memory_space<vmem>>[vector<16xi32>, vector<16xi32>, vector<16xi32>], vector<16xf32>,
      %get3A_707 = arith.index_cast %add3A_683 : i32 to index
      %get3A_708 = arith.constant 48 : index
      %get3A_709 = tpu.vector_load %arg7[%get3A_707, %get3A_708] {strides = array<i32>} : memref<128x64xf32, #tpu.memory_space<vmem>>, vector<16xf32>,
      %mul3A_710 = arith.constant 8.000000e+00 : f32
      %mul3A_711 = vector.broadcast %mul3A_710 : f32 to vector<16xf32>
      %mul3A_712 = arith.mulf %get3A_709, %mul3A_711 : vector<16xf32>
      tpu.vector_store_idx %arg9[%select_n3A_130, %select_n3A_228, %add3A_688], %mul3A_712 : memref<8x8x133xf32, #tpu.memory_space<vmem>>[vector<16xi32>, vector<16xi32>, vector<16xi32>], vector<16xf32>,
    }
    %scan3A_346 = arith.constant 128 : i32
    %dma_start3A_347 = arith.constant 3 : i32
    %dma_start3A_348 = arith.constant 0 : i32
    %dma_start3A_349 = tpu.memref_slice %arg5[%dma_start3A_347, %dma_start3A_348] : memref<200x128xi32, #tpu.memory_space<vmem>> -> memref<1x128xi32, #tpu.memory_space<vmem>>
    %dma_start3A_350 = tpu.memref_squeeze %dma_start3A_349 : memref<1x128xi32, #tpu.memory_space<vmem>> -> memref<128xi32, #tpu.memory_space<vmem>>
    %dma_start3A_351 = arith.constant 0 : i32
    %dma_start3A_352 = arith.constant 0 : i32
    %dma_start3A_353 = tpu.memref_slice %arg3[%dma_start3A_351, %dma_start3A_352] : memref<1000000x64xf32, #tpu.memory_space<hbm>> -> memref<1000000x64xf32, #tpu.memory_space<hbm>>
    tpu.enqueue_indirect_dma source(%dma_start3A_353 : memref<1000000x64xf32, #tpu.memory_space<hbm>>) target(%arg7 : memref<128x64xf32, #tpu.memory_space<vmem>>) offsets(%dma_start3A_350 : memref<128xi32, #tpu.memory_space<vmem>>) semaphore(%arg11 : memref<!tpu.dma_semaphore, #tpu.memory_space<semaphore_mem>>)
    %dma_start3A_354 = arith.constant 0 : i32
    %dma_start3A_355 = arith.constant 0 : i32
    %dma_start3A_356 = arith.constant 0 : i32
    %dma_start3A_357 = tpu.memref_slice %arg9[%dma_start3A_354, %dma_start3A_355, %dma_start3A_356] : memref<8x8x133xf32, #tpu.memory_space<vmem>> -> memref<8x8x128xf32, #tpu.memory_space<vmem>>
    %dma_start3A_358 = arith.constant 0 : i32
    %dma_start3A_359 = arith.constant 0 : i32
    %dma_start3A_360 = arith.constant 0 : i32
    %dma_start3A_361 = tpu.memref_slice %arg4[%select_n3A_331, %dma_start3A_358, %sub3A_334, %dma_start3A_359, %dma_start3A_360] : memref<50x8x128x8x128xf32, #tpu.memory_space<hbm>> -> memref<1x8x1x8x128xf32, #tpu.memory_space<hbm>>
    %dma_start3A_362 = tpu.memref_squeeze %dma_start3A_361 : memref<1x8x1x8x128xf32, #tpu.memory_space<hbm>> -> memref<8x8x128xf32, #tpu.memory_space<hbm>>
    %dma_start3A_363 = arith.constant 0 : i32
    %dma_start3A_364 = arith.constant 0 : i32
    %dma_start3A_365 = arith.constant 0 : i32
    %dma_start3A_366 = tpu.memref_slice %arg4[%select_n3A_331, %dma_start3A_363, %sub3A_334, %dma_start3A_364, %dma_start3A_365] : memref<50x8x128x8x128xf32, #tpu.memory_space<hbm>> -> memref<1x8x1x8x128xf32, #tpu.memory_space<hbm>>
    %dma_start3A_367 = tpu.memref_squeeze %dma_start3A_366 : memref<1x8x1x8x128xf32, #tpu.memory_space<hbm>> -> memref<8x8x128xf32, #tpu.memory_space<hbm>>
    %dma_start3A_368 = arith.constant 0 : i32
    %dma_start3A_369 = arith.constant 0 : i32
    %dma_start3A_370 = arith.constant 0 : i32
    %dma_start3A_371 = tpu.memref_slice %arg9[%dma_start3A_368, %dma_start3A_369, %dma_start3A_370] : memref<8x8x133xf32, #tpu.memory_space<vmem>> -> memref<8x8x128xf32, #tpu.memory_space<vmem>>
    tpu.enqueue_dma source(%dma_start3A_371 : memref<8x8x128xf32, #tpu.memory_space<vmem>>) target(%dma_start3A_367 : memref<8x8x128xf32, #tpu.memory_space<hbm>>) target_semaphore(%arg13 : memref<!tpu.dma_semaphore, #tpu.memory_space<semaphore_mem>>)
    %scan3A_372 = arith.constant 0 : i32
    %scan3A_373 = arith.constant 98 : i32
    %scan3A_374 = arith.addi %scan3A_372, %scan3A_373 : i32
    %scan3A_375 = arith.constant 1 : i32
    scf.for %scan3A_575 = %scan3A_372 to %scan3A_374 step %scan3A_375  : i32 {
      %mul3A_576 = arith.constant 1 : i32
      %mul3A_577 = arith.muli %scan3A_575, %mul3A_576 : i32
      %add3A_578 = arith.constant 1 : i32
      %add3A_579 = arith.addi %add3A_578, %mul3A_577 : i32
      %mul3A_580 = arith.constant 2 : i32
      %mul3A_581 = arith.muli %mul3A_580, %add3A_579 : i32
      %add3A_582 = arith.addi %mul3A_2, %mul3A_581 : i32
      %jit3A_583 = arith.constant 128 : i32
      %div3A_584 = arith.divsi %add3A_582, %jit3A_583 : i32
      %sign3A_585 = arith.constant 0 : i32
      %sign3A_586 = arith.cmpi sgt, %add3A_582, %sign3A_585 : i32
      %sign3A_587 = arith.extui %sign3A_586 : i1 to i32
      %sign3A_588 = arith.constant 0 : i32
      %sign3A_589 = arith.cmpi slt, %add3A_582, %sign3A_588 : i32
      %sign3A_590 = arith.extui %sign3A_589 : i1 to i32
      %sign3A_591 = arith.subi %sign3A_587, %sign3A_590 : i32
      %sign3A_592 = arith.constant 0 : i32
      %sign3A_593 = arith.cmpi sgt, %jit3A_583, %sign3A_592 : i32
      %sign3A_594 = arith.extui %sign3A_593 : i1 to i32
      %sign3A_595 = arith.constant 0 : i32
      %sign3A_596 = arith.cmpi slt, %jit3A_583, %sign3A_595 : i32
      %sign3A_597 = arith.extui %sign3A_596 : i1 to i32
      %sign3A_598 = arith.subi %sign3A_594, %sign3A_597 : i32
      %ne3A_599 = arith.cmpi ne, %sign3A_591, %sign3A_598 : i32
      %rem3A_600 = arith.remsi %add3A_582, %jit3A_583 : i32
      %ne3A_601 = arith.constant 0 : i32
      %ne3A_602 = arith.cmpi ne, %rem3A_600, %ne3A_601 : i32
      %and3A_603 = arith.andi %ne3A_599, %ne3A_602 : i1
      %sub3A_604 = arith.constant 1 : i32
      %sub3A_605 = arith.subi %div3A_584, %sub3A_604 : i32
      %select_n3A_606 = arith.select %and3A_603, %sub3A_605, %div3A_584 : i32
      %mul3A_607 = arith.constant 128 : i32
      %mul3A_608 = arith.muli %select_n3A_606, %mul3A_607 : i32
      %sub3A_609 = arith.subi %add3A_582, %mul3A_608 : i32
      %dma_wait3A_610 = arith.constant 0 : i32
      %dma_wait3A_611 = tpu.memref_slice %arg5[%mul3A_581, %dma_wait3A_610] : memref<200x128xi32, #tpu.memory_space<vmem>> -> memref<1x128xi32, #tpu.memory_space<vmem>>
      %dma_wait3A_612 = tpu.memref_squeeze %dma_wait3A_611 : memref<1x128xi32, #tpu.memory_space<vmem>> -> memref<128xi32, #tpu.memory_space<vmem>>
      %dma_wait3A_613 = arith.constant 0 : i32
      %dma_wait3A_614 = arith.constant 0 : i32
      %dma_wait3A_615 = tpu.memref_slice %arg3[%dma_wait3A_613, %dma_wait3A_614] : memref<1000000x64xf32, #tpu.memory_space<hbm>> -> memref<1000000x64xf32, #tpu.memory_space<hbm>>
      tpu.wait_indirect_dma semaphore(%arg10 : memref<!tpu.dma_semaphore, #tpu.memory_space<semaphore_mem>>) src(%dma_wait3A_615 : memref<1000000x64xf32, #tpu.memory_space<hbm>>) dst(%arg6 : memref<128x64xf32, #tpu.memory_space<vmem>>)
      %dma_wait3A_616 = arith.constant 0 : i32
      %dma_wait3A_617 = arith.constant 0 : i32
      %dma_wait3A_618 = arith.constant 0 : i32
      %dma_wait3A_619 = arith.constant 0 : i32
      %dma_wait3A_620 = arith.constant 0 : i32
      %dma_wait3A_621 = tpu.memref_slice %arg8[%dma_wait3A_618, %dma_wait3A_619, %dma_wait3A_620] : memref<8x8x133xf32, #tpu.memory_space<vmem>> -> memref<8x8x128xf32, #tpu.memory_space<vmem>>
      %dma_wait3A_622 = arith.constant 0 : i32
      %dma_wait3A_623 = arith.constant 0 : i32
      %dma_wait3A_624 = arith.constant 0 : i32
      %dma_wait3A_625 = tpu.memref_slice %arg4[%dma_wait3A_616, %dma_wait3A_622, %dma_wait3A_617, %dma_wait3A_623, %dma_wait3A_624] : memref<50x8x128x8x128xf32, #tpu.memory_space<hbm>> -> memref<1x8x1x8x128xf32, #tpu.memory_space<hbm>>
      %dma_wait3A_626 = tpu.memref_squeeze %dma_wait3A_625 : memref<1x8x1x8x128xf32, #tpu.memory_space<hbm>> -> memref<8x8x128xf32, #tpu.memory_space<hbm>>
      %dma_wait3A_627 = arith.constant 0 : i32
      %dma_wait3A_628 = arith.constant 0 : i32
      %dma_wait3A_629 = arith.constant 0 : i32
      %dma_wait3A_630 = tpu.memref_slice %arg4[%dma_wait3A_616, %dma_wait3A_627, %dma_wait3A_617, %dma_wait3A_628, %dma_wait3A_629] : memref<50x8x128x8x128xf32, #tpu.memory_space<hbm>> -> memref<1x8x1x8x128xf32, #tpu.memory_space<hbm>>
      %dma_wait3A_631 = tpu.memref_squeeze %dma_wait3A_630 : memref<1x8x1x8x128xf32, #tpu.memory_space<hbm>> -> memref<8x8x128xf32, #tpu.memory_space<hbm>>
      %dma_wait3A_632 = arith.constant 0 : i32
      %dma_wait3A_633 = arith.constant 0 : i32
      %dma_wait3A_634 = arith.constant 0 : i32
      %dma_wait3A_635 = tpu.memref_slice %arg8[%dma_wait3A_632, %dma_wait3A_633, %dma_wait3A_634] : memref<8x8x133xf32, #tpu.memory_space<vmem>> -> memref<8x8x128xf32, #tpu.memory_space<vmem>>
      tpu.wait_dma2 semaphore(%arg12 : memref<!tpu.dma_semaphore, #tpu.memory_space<semaphore_mem>>) src(%dma_wait3A_635 : memref<8x8x128xf32, #tpu.memory_space<vmem>>) dst(%dma_wait3A_631 : memref<8x8x128xf32, #tpu.memory_space<hbm>>)
      %scan3A_636 = arith.constant 0 : i32
      %scan3A_637 = arith.constant 128 : i32
      %scan3A_638 = arith.addi %scan3A_636, %scan3A_637 : i32
      %scan3A_639 = arith.constant 4 : i32
      scf.for %scan3A_756 = %scan3A_636 to %scan3A_638 step %scan3A_639  : i32 {
        %mul3A_757 = arith.constant 1 : i32
        %mul3A_758 = arith.muli %scan3A_756, %mul3A_757 : i32
        %add3A_759 = arith.constant 0 : i32
        %add3A_760 = arith.addi %add3A_759, %mul3A_758 : i32
        %mul3A_761 = arith.constant 0 : i32
        %mul3A_762 = vector.broadcast %mul3A_761 : i32 to vector<16xi32>
        %mul3A_763 = arith.muli %iota3A, %mul3A_762 : vector<16xi32>
        %add3A_764 = vector.broadcast %add3A_760 : i32 to vector<16xi32>
        %add3A_765 = arith.addi %mul3A_763, %add3A_764 : vector<16xi32>
        %get3A = arith.index_cast %add3A_760 : i32 to index
        %get3A_766 = arith.constant 0 : index
        %get3A_767 = tpu.vector_load %arg6[%get3A, %get3A_766] {strides = array<i32>} : memref<128x64xf32, #tpu.memory_space<vmem>>, vector<16xf32>,
        %mul3A_768 = arith.constant 8.000000e+00 : f32
        %mul3A_769 = vector.broadcast %mul3A_768 : f32 to vector<16xf32>
        %mul3A_770 = arith.mulf %get3A_767, %mul3A_769 : vector<16xf32>
        tpu.vector_store_idx %arg8[%select_n3A, %select_n3A_153, %add3A_765], %mul3A_770 : memref<8x8x133xf32, #tpu.memory_space<vmem>>[vector<16xi32>, vector<16xi32>, vector<16xi32>], vector<16xf32>,
        %get3A_771 = arith.index_cast %add3A_760 : i32 to index
        %get3A_772 = arith.constant 16 : index
        %get3A_773 = tpu.vector_load %arg6[%get3A_771, %get3A_772] {strides = array<i32>} : memref<128x64xf32, #tpu.memory_space<vmem>>, vector<16xf32>,
        %mul3A_774 = arith.constant 8.000000e+00 : f32
        %mul3A_775 = vector.broadcast %mul3A_774 : f32 to vector<16xf32>
        %mul3A_776 = arith.mulf %get3A_773, %mul3A_775 : vector<16xf32>
        tpu.vector_store_idx %arg8[%select_n3A_62, %select_n3A_178, %add3A_765], %mul3A_776 : memref<8x8x133xf32, #tpu.memory_space<vmem>>[vector<16xi32>, vector<16xi32>, vector<16xi32>], vector<16xf32>,
        %get3A_777 = arith.index_cast %add3A_760 : i32 to index
        %get3A_778 = arith.constant 32 : index
        %get3A_779 = tpu.vector_load %arg6[%get3A_777, %get3A_778] {strides = array<i32>} : memref<128x64xf32, #tpu.memory_space<vmem>>, vector<16xf32>,
        %mul3A_780 = arith.constant 8.000000e+00 : f32
        %mul3A_781 = vector.broadcast %mul3A_780 : f32 to vector<16xf32>
        %mul3A_782 = arith.mulf %get3A_779, %mul3A_781 : vector<16xf32>
        tpu.vector_store_idx %arg8[%select_n3A_96, %select_n3A_203, %add3A_765], %mul3A_782 : memref<8x8x133xf32, #tpu.memory_space<vmem>>[vector<16xi32>, vector<16xi32>, vector<16xi32>], vector<16xf32>,
        %get3A_783 = arith.index_cast %add3A_760 : i32 to index
        %get3A_784 = arith.constant 48 : index
        %get3A_785 = tpu.vector_load %arg6[%get3A_783, %get3A_784] {strides = array<i32>} : memref<128x64xf32, #tpu.memory_space<vmem>>, vector<16xf32>,
        %mul3A_786 = arith.constant 8.000000e+00 : f32
        %mul3A_787 = vector.broadcast %mul3A_786 : f32 to vector<16xf32>
        %mul3A_788 = arith.mulf %get3A_785, %mul3A_787 : vector<16xf32>
        tpu.vector_store_idx %arg8[%select_n3A_130, %select_n3A_228, %add3A_765], %mul3A_788 : memref<8x8x133xf32, #tpu.memory_space<vmem>>[vector<16xi32>, vector<16xi32>, vector<16xi32>], vector<16xf32>,
        %scan3A_789 = arith.constant 1 : i32
        %scan3A_790 = arith.addi %scan3A_756, %scan3A_789 : i32
        %mul3A_791 = arith.constant 1 : i32
        %mul3A_792 = arith.muli %scan3A_790, %mul3A_791 : i32
        %add3A_793 = arith.constant 0 : i32
        %add3A_794 = arith.addi %add3A_793, %mul3A_792 : i32
        %mul3A_795 = arith.constant 0 : i32
        %mul3A_796 = vector.broadcast %mul3A_795 : i32 to vector<16xi32>
        %mul3A_797 = arith.muli %iota3A, %mul3A_796 : vector<16xi32>
        %add3A_798 = vector.broadcast %add3A_794 : i32 to vector<16xi32>
        %add3A_799 = arith.addi %mul3A_797, %add3A_798 : vector<16xi32>
        %get3A_800 = arith.index_cast %add3A_794 : i32 to index
        %get3A_801 = arith.constant 0 : index
        %get3A_802 = tpu.vector_load %arg6[%get3A_800, %get3A_801] {strides = array<i32>} : memref<128x64xf32, #tpu.memory_space<vmem>>, vector<16xf32>,
        %mul3A_803 = arith.constant 8.000000e+00 : f32
        %mul3A_804 = vector.broadcast %mul3A_803 : f32 to vector<16xf32>
        %mul3A_805 = arith.mulf %get3A_802, %mul3A_804 : vector<16xf32>
        tpu.vector_store_idx %arg8[%select_n3A, %select_n3A_153, %add3A_799], %mul3A_805 : memref<8x8x133xf32, #tpu.memory_space<vmem>>[vector<16xi32>, vector<16xi32>, vector<16xi32>], vector<16xf32>,
        %get3A_806 = arith.index_cast %add3A_794 : i32 to index
        %get3A_807 = arith.constant 16 : index
        %get3A_808 = tpu.vector_load %arg6[%get3A_806, %get3A_807] {strides = array<i32>} : memref<128x64xf32, #tpu.memory_space<vmem>>, vector<16xf32>,
        %mul3A_809 = arith.constant 8.000000e+00 : f32
        %mul3A_810 = vector.broadcast %mul3A_809 : f32 to vector<16xf32>
        %mul3A_811 = arith.mulf %get3A_808, %mul3A_810 : vector<16xf32>
        tpu.vector_store_idx %arg8[%select_n3A_62, %select_n3A_178, %add3A_799], %mul3A_811 : memref<8x8x133xf32, #tpu.memory_space<vmem>>[vector<16xi32>, vector<16xi32>, vector<16xi32>], vector<16xf32>,
        %get3A_812 = arith.index_cast %add3A_794 : i32 to index
        %get3A_813 = arith.constant 32 : index
        %get3A_814 = tpu.vector_load %arg6[%get3A_812, %get3A_813] {strides = array<i32>} : memref<128x64xf32, #tpu.memory_space<vmem>>, vector<16xf32>,
        %mul3A_815 = arith.constant 8.000000e+00 : f32
        %mul3A_816 = vector.broadcast %mul3A_815 : f32 to vector<16xf32>
        %mul3A_817 = arith.mulf %get3A_814, %mul3A_816 : vector<16xf32>
        tpu.vector_store_idx %arg8[%select_n3A_96, %select_n3A_203, %add3A_799], %mul3A_817 : memref<8x8x133xf32, #tpu.memory_space<vmem>>[vector<16xi32>, vector<16xi32>, vector<16xi32>], vector<16xf32>,
        %get3A_818 = arith.index_cast %add3A_794 : i32 to index
        %get3A_819 = arith.constant 48 : index
        %get3A_820 = tpu.vector_load %arg6[%get3A_818, %get3A_819] {strides = array<i32>} : memref<128x64xf32, #tpu.memory_space<vmem>>, vector<16xf32>,
        %mul3A_821 = arith.constant 8.000000e+00 : f32
        %mul3A_822 = vector.broadcast %mul3A_821 : f32 to vector<16xf32>
        %mul3A_823 = arith.mulf %get3A_820, %mul3A_822 : vector<16xf32>
        tpu.vector_store_idx %arg8[%select_n3A_130, %select_n3A_228, %add3A_799], %mul3A_823 : memref<8x8x133xf32, #tpu.memory_space<vmem>>[vector<16xi32>, vector<16xi32>, vector<16xi32>], vector<16xf32>,
        %scan3A_824 = arith.constant 2 : i32
        %scan3A_825 = arith.addi %scan3A_756, %scan3A_824 : i32
        %mul3A_826 = arith.constant 1 : i32
        %mul3A_827 = arith.muli %scan3A_825, %mul3A_826 : i32
        %add3A_828 = arith.constant 0 : i32
        %add3A_829 = arith.addi %add3A_828, %mul3A_827 : i32
        %mul3A_830 = arith.constant 0 : i32
        %mul3A_831 = vector.broadcast %mul3A_830 : i32 to vector<16xi32>
        %mul3A_832 = arith.muli %iota3A, %mul3A_831 : vector<16xi32>
        %add3A_833 = vector.broadcast %add3A_829 : i32 to vector<16xi32>
        %add3A_834 = arith.addi %mul3A_832, %add3A_833 : vector<16xi32>
        %get3A_835 = arith.index_cast %add3A_829 : i32 to index
        %get3A_836 = arith.constant 0 : index
        %get3A_837 = tpu.vector_load %arg6[%get3A_835, %get3A_836] {strides = array<i32>} : memref<128x64xf32, #tpu.memory_space<vmem>>, vector<16xf32>,
        %mul3A_838 = arith.constant 8.000000e+00 : f32
        %mul3A_839 = vector.broadcast %mul3A_838 : f32 to vector<16xf32>
        %mul3A_840 = arith.mulf %get3A_837, %mul3A_839 : vector<16xf32>
        tpu.vector_store_idx %arg8[%select_n3A, %select_n3A_153, %add3A_834], %mul3A_840 : memref<8x8x133xf32, #tpu.memory_space<vmem>>[vector<16xi32>, vector<16xi32>, vector<16xi32>], vector<16xf32>,
        %get3A_841 = arith.index_cast %add3A_829 : i32 to index
        %get3A_842 = arith.constant 16 : index
        %get3A_843 = tpu.vector_load %arg6[%get3A_841, %get3A_842] {strides = array<i32>} : memref<128x64xf32, #tpu.memory_space<vmem>>, vector<16xf32>,
        %mul3A_844 = arith.constant 8.000000e+00 : f32
        %mul3A_845 = vector.broadcast %mul3A_844 : f32 to vector<16xf32>
        %mul3A_846 = arith.mulf %get3A_843, %mul3A_845 : vector<16xf32>
        tpu.vector_store_idx %arg8[%select_n3A_62, %select_n3A_178, %add3A_834], %mul3A_846 : memref<8x8x133xf32, #tpu.memory_space<vmem>>[vector<16xi32>, vector<16xi32>, vector<16xi32>], vector<16xf32>,
        %get3A_847 = arith.index_cast %add3A_829 : i32 to index
        %get3A_848 = arith.constant 32 : index
        %get3A_849 = tpu.vector_load %arg6[%get3A_847, %get3A_848] {strides = array<i32>} : memref<128x64xf32, #tpu.memory_space<vmem>>, vector<16xf32>,
        %mul3A_850 = arith.constant 8.000000e+00 : f32
        %mul3A_851 = vector.broadcast %mul3A_850 : f32 to vector<16xf32>
        %mul3A_852 = arith.mulf %get3A_849, %mul3A_851 : vector<16xf32>
        tpu.vector_store_idx %arg8[%select_n3A_96, %select_n3A_203, %add3A_834], %mul3A_852 : memref<8x8x133xf32, #tpu.memory_space<vmem>>[vector<16xi32>, vector<16xi32>, vector<16xi32>], vector<16xf32>,
        %get3A_853 = arith.index_cast %add3A_829 : i32 to index
        %get3A_854 = arith.constant 48 : index
        %get3A_855 = tpu.vector_load %arg6[%get3A_853, %get3A_854] {strides = array<i32>} : memref<128x64xf32, #tpu.memory_space<vmem>>, vector<16xf32>,
        %mul3A_856 = arith.constant 8.000000e+00 : f32
        %mul3A_857 = vector.broadcast %mul3A_856 : f32 to vector<16xf32>
        %mul3A_858 = arith.mulf %get3A_855, %mul3A_857 : vector<16xf32>
        tpu.vector_store_idx %arg8[%select_n3A_130, %select_n3A_228, %add3A_834], %mul3A_858 : memref<8x8x133xf32, #tpu.memory_space<vmem>>[vector<16xi32>, vector<16xi32>, vector<16xi32>], vector<16xf32>,
        %scan3A_859 = arith.constant 3 : i32
        %scan3A_860 = arith.addi %scan3A_756, %scan3A_859 : i32
        %mul3A_861 = arith.constant 1 : i32
        %mul3A_862 = arith.muli %scan3A_860, %mul3A_861 : i32
        %add3A_863 = arith.constant 0 : i32
        %add3A_864 = arith.addi %add3A_863, %mul3A_862 : i32
        %mul3A_865 = arith.constant 0 : i32
        %mul3A_866 = vector.broadcast %mul3A_865 : i32 to vector<16xi32>
        %mul3A_867 = arith.muli %iota3A, %mul3A_866 : vector<16xi32>
        %add3A_868 = vector.broadcast %add3A_864 : i32 to vector<16xi32>
        %add3A_869 = arith.addi %mul3A_867, %add3A_868 : vector<16xi32>
        %get3A_870 = arith.index_cast %add3A_864 : i32 to index
        %get3A_871 = arith.constant 0 : index
        %get3A_872 = tpu.vector_load %arg6[%get3A_870, %get3A_871] {strides = array<i32>} : memref<128x64xf32, #tpu.memory_space<vmem>>, vector<16xf32>,
        %mul3A_873 = arith.constant 8.000000e+00 : f32
        %mul3A_874 = vector.broadcast %mul3A_873 : f32 to vector<16xf32>
        %mul3A_875 = arith.mulf %get3A_872, %mul3A_874 : vector<16xf32>
        tpu.vector_store_idx %arg8[%select_n3A, %select_n3A_153, %add3A_869], %mul3A_875 : memref<8x8x133xf32, #tpu.memory_space<vmem>>[vector<16xi32>, vector<16xi32>, vector<16xi32>], vector<16xf32>,
        %get3A_876 = arith.index_cast %add3A_864 : i32 to index
        %get3A_877 = arith.constant 16 : index
        %get3A_878 = tpu.vector_load %arg6[%get3A_876, %get3A_877] {strides = array<i32>} : memref<128x64xf32, #tpu.memory_space<vmem>>, vector<16xf32>,
        %mul3A_879 = arith.constant 8.000000e+00 : f32
        %mul3A_880 = vector.broadcast %mul3A_879 : f32 to vector<16xf32>
        %mul3A_881 = arith.mulf %get3A_878, %mul3A_880 : vector<16xf32>
        tpu.vector_store_idx %arg8[%select_n3A_62, %select_n3A_178, %add3A_869], %mul3A_881 : memref<8x8x133xf32, #tpu.memory_space<vmem>>[vector<16xi32>, vector<16xi32>, vector<16xi32>], vector<16xf32>,
        %get3A_882 = arith.index_cast %add3A_864 : i32 to index
        %get3A_883 = arith.constant 32 : index
        %get3A_884 = tpu.vector_load %arg6[%get3A_882, %get3A_883] {strides = array<i32>} : memref<128x64xf32, #tpu.memory_space<vmem>>, vector<16xf32>,
        %mul3A_885 = arith.constant 8.000000e+00 : f32
        %mul3A_886 = vector.broadcast %mul3A_885 : f32 to vector<16xf32>
        %mul3A_887 = arith.mulf %get3A_884, %mul3A_886 : vector<16xf32>
        tpu.vector_store_idx %arg8[%select_n3A_96, %select_n3A_203, %add3A_869], %mul3A_887 : memref<8x8x133xf32, #tpu.memory_space<vmem>>[vector<16xi32>, vector<16xi32>, vector<16xi32>], vector<16xf32>,
        %get3A_888 = arith.index_cast %add3A_864 : i32 to index
        %get3A_889 = arith.constant 48 : index
        %get3A_890 = tpu.vector_load %arg6[%get3A_888, %get3A_889] {strides = array<i32>} : memref<128x64xf32, #tpu.memory_space<vmem>>, vector<16xf32>,
        %mul3A_891 = arith.constant 8.000000e+00 : f32
        %mul3A_892 = vector.broadcast %mul3A_891 : f32 to vector<16xf32>
        %mul3A_893 = arith.mulf %get3A_890, %mul3A_892 : vector<16xf32>
        tpu.vector_store_idx %arg8[%select_n3A_130, %select_n3A_228, %add3A_869], %mul3A_893 : memref<8x8x133xf32, #tpu.memory_space<vmem>>[vector<16xi32>, vector<16xi32>, vector<16xi32>], vector<16xf32>,
      }
      %scan3A_640 = arith.constant 128 : i32
      %add3A_641 = arith.constant 2 : i32
      %add3A_642 = arith.addi %mul3A_581, %add3A_641 : i32
      %dma_start3A_643 = arith.constant 0 : i32
      %dma_start3A_644 = tpu.memref_slice %arg5[%add3A_642, %dma_start3A_643] : memref<200x128xi32, #tpu.memory_space<vmem>> -> memref<1x128xi32, #tpu.memory_space<vmem>>
      %dma_start3A_645 = tpu.memref_squeeze %dma_start3A_644 : memref<1x128xi32, #tpu.memory_space<vmem>> -> memref<128xi32, #tpu.memory_space<vmem>>
      %dma_start3A_646 = arith.constant 0 : i32
      %dma_start3A_647 = arith.constant 0 : i32
      %dma_start3A_648 = tpu.memref_slice %arg3[%dma_start3A_646, %dma_start3A_647] : memref<1000000x64xf32, #tpu.memory_space<hbm>> -> memref<1000000x64xf32, #tpu.memory_space<hbm>>
      tpu.enqueue_indirect_dma source(%dma_start3A_648 : memref<1000000x64xf32, #tpu.memory_space<hbm>>) target(%arg6 : memref<128x64xf32, #tpu.memory_space<vmem>>) offsets(%dma_start3A_645 : memref<128xi32, #tpu.memory_space<vmem>>) semaphore(%arg10 : memref<!tpu.dma_semaphore, #tpu.memory_space<semaphore_mem>>)
      %dma_start3A_649 = arith.constant 0 : i32
      %dma_start3A_650 = arith.constant 0 : i32
      %dma_start3A_651 = arith.constant 0 : i32
      %dma_start3A_652 = tpu.memref_slice %arg8[%dma_start3A_649, %dma_start3A_650, %dma_start3A_651] : memref<8x8x133xf32, #tpu.memory_space<vmem>> -> memref<8x8x128xf32, #tpu.memory_space<vmem>>
      %dma_start3A_653 = arith.constant 0 : i32
      %dma_start3A_654 = arith.constant 0 : i32
      %dma_start3A_655 = arith.constant 0 : i32
      %dma_start3A_656 = tpu.memref_slice %arg4[%select_n3A_606, %dma_start3A_653, %sub3A_609, %dma_start3A_654, %dma_start3A_655] : memref<50x8x128x8x128xf32, #tpu.memory_space<hbm>> -> memref<1x8x1x8x128xf32, #tpu.memory_space<hbm>>
      %dma_start3A_657 = tpu.memref_squeeze %dma_start3A_656 : memref<1x8x1x8x128xf32, #tpu.memory_space<hbm>> -> memref<8x8x128xf32, #tpu.memory_space<hbm>>
      %dma_start3A_658 = arith.constant 0 : i32
      %dma_start3A_659 = arith.constant 0 : i32
      %dma_start3A_660 = arith.constant 0 : i32
      %dma_start3A_661 = tpu.memref_slice %arg4[%select_n3A_606, %dma_start3A_658, %sub3A_609, %dma_start3A_659, %dma_start3A_660] : memref<50x8x128x8x128xf32, #tpu.memory_space<hbm>> -> memref<1x8x1x8x128xf32, #tpu.memory_space<hbm>>
      %dma_start3A_662 = tpu.memref_squeeze %dma_start3A_661 : memref<1x8x1x8x128xf32, #tpu.memory_space<hbm>> -> memref<8x8x128xf32, #tpu.memory_space<hbm>>
      %dma_start3A_663 = arith.constant 0 : i32
      %dma_start3A_664 = arith.constant 0 : i32
      %dma_start3A_665 = arith.constant 0 : i32
      %dma_start3A_666 = tpu.memref_slice %arg8[%dma_start3A_663, %dma_start3A_664, %dma_start3A_665] : memref<8x8x133xf32, #tpu.memory_space<vmem>> -> memref<8x8x128xf32, #tpu.memory_space<vmem>>
      tpu.enqueue_dma source(%dma_start3A_666 : memref<8x8x128xf32, #tpu.memory_space<vmem>>) target(%dma_start3A_662 : memref<8x8x128xf32, #tpu.memory_space<hbm>>) target_semaphore(%arg12 : memref<!tpu.dma_semaphore, #tpu.memory_space<semaphore_mem>>)
      %mul3A_667 = arith.constant 2 : i32
      %mul3A_668 = arith.muli %mul3A_667, %add3A_579 : i32
      %add3A_669 = arith.constant 1 : i32
      %add3A_670 = arith.addi %mul3A_668, %add3A_669 : i32
      %add3A_671 = arith.addi %mul3A_2, %add3A_670 : i32
      %jit3A_672 = arith.constant 128 : i32
      %div3A_673 = arith.divsi %add3A_671, %jit3A_672 : i32
      %sign3A_674 = arith.constant 0 : i32
      %sign3A_675 = arith.cmpi sgt, %add3A_671, %sign3A_674 : i32
      %sign3A_676 = arith.extui %sign3A_675 : i1 to i32
      %sign3A_677 = arith.constant 0 : i32
      %sign3A_678 = arith.cmpi slt, %add3A_671, %sign3A_677 : i32
      %sign3A_679 = arith.extui %sign3A_678 : i1 to i32
      %sign3A_680 = arith.subi %sign3A_676, %sign3A_679 : i32
      %sign3A_681 = arith.constant 0 : i32
      %sign3A_682 = arith.cmpi sgt, %jit3A_672, %sign3A_681 : i32
      %sign3A_683 = arith.extui %sign3A_682 : i1 to i32
      %sign3A_684 = arith.constant 0 : i32
      %sign3A_685 = arith.cmpi slt, %jit3A_672, %sign3A_684 : i32
      %sign3A_686 = arith.extui %sign3A_685 : i1 to i32
      %sign3A_687 = arith.subi %sign3A_683, %sign3A_686 : i32
      %ne3A_688 = arith.cmpi ne, %sign3A_680, %sign3A_687 : i32
      %rem3A_689 = arith.remsi %add3A_671, %jit3A_672 : i32
      %ne3A_690 = arith.constant 0 : i32
      %ne3A_691 = arith.cmpi ne, %rem3A_689, %ne3A_690 : i32
      %and3A_692 = arith.andi %ne3A_688, %ne3A_691 : i1
      %sub3A_693 = arith.constant 1 : i32
      %sub3A_694 = arith.subi %div3A_673, %sub3A_693 : i32
      %select_n3A_695 = arith.select %and3A_692, %sub3A_694, %div3A_673 : i32
      %mul3A_696 = arith.constant 128 : i32
      %mul3A_697 = arith.muli %select_n3A_695, %mul3A_696 : i32
      %sub3A_698 = arith.subi %add3A_671, %mul3A_697 : i32
      %dma_wait3A_699 = arith.constant 0 : i32
      %dma_wait3A_700 = tpu.memref_slice %arg5[%add3A_670, %dma_wait3A_699] : memref<200x128xi32, #tpu.memory_space<vmem>> -> memref<1x128xi32, #tpu.memory_space<vmem>>
      %dma_wait3A_701 = tpu.memref_squeeze %dma_wait3A_700 : memref<1x128xi32, #tpu.memory_space<vmem>> -> memref<128xi32, #tpu.memory_space<vmem>>
      %dma_wait3A_702 = arith.constant 0 : i32
      %dma_wait3A_703 = arith.constant 0 : i32
      %dma_wait3A_704 = tpu.memref_slice %arg3[%dma_wait3A_702, %dma_wait3A_703] : memref<1000000x64xf32, #tpu.memory_space<hbm>> -> memref<1000000x64xf32, #tpu.memory_space<hbm>>
      tpu.wait_indirect_dma semaphore(%arg11 : memref<!tpu.dma_semaphore, #tpu.memory_space<semaphore_mem>>) src(%dma_wait3A_704 : memref<1000000x64xf32, #tpu.memory_space<hbm>>) dst(%arg7 : memref<128x64xf32, #tpu.memory_space<vmem>>)
      %dma_wait3A_705 = arith.constant 0 : i32
      %dma_wait3A_706 = arith.constant 0 : i32
      %dma_wait3A_707 = arith.constant 0 : i32
      %dma_wait3A_708 = arith.constant 0 : i32
      %dma_wait3A_709 = arith.constant 0 : i32
      %dma_wait3A_710 = tpu.memref_slice %arg9[%dma_wait3A_707, %dma_wait3A_708, %dma_wait3A_709] : memref<8x8x133xf32, #tpu.memory_space<vmem>> -> memref<8x8x128xf32, #tpu.memory_space<vmem>>
      %dma_wait3A_711 = arith.constant 0 : i32
      %dma_wait3A_712 = arith.constant 0 : i32
      %dma_wait3A_713 = arith.constant 0 : i32
      %dma_wait3A_714 = tpu.memref_slice %arg4[%dma_wait3A_705, %dma_wait3A_711, %dma_wait3A_706, %dma_wait3A_712, %dma_wait3A_713] : memref<50x8x128x8x128xf32, #tpu.memory_space<hbm>> -> memref<1x8x1x8x128xf32, #tpu.memory_space<hbm>>
      %dma_wait3A_715 = tpu.memref_squeeze %dma_wait3A_714 : memref<1x8x1x8x128xf32, #tpu.memory_space<hbm>> -> memref<8x8x128xf32, #tpu.memory_space<hbm>>
      %dma_wait3A_716 = arith.constant 0 : i32
      %dma_wait3A_717 = arith.constant 0 : i32
      %dma_wait3A_718 = arith.constant 0 : i32
      %dma_wait3A_719 = tpu.memref_slice %arg4[%dma_wait3A_705, %dma_wait3A_716, %dma_wait3A_706, %dma_wait3A_717, %dma_wait3A_718] : memref<50x8x128x8x128xf32, #tpu.memory_space<hbm>> -> memref<1x8x1x8x128xf32, #tpu.memory_space<hbm>>
      %dma_wait3A_720 = tpu.memref_squeeze %dma_wait3A_719 : memref<1x8x1x8x128xf32, #tpu.memory_space<hbm>> -> memref<8x8x128xf32, #tpu.memory_space<hbm>>
      %dma_wait3A_721 = arith.constant 0 : i32
      %dma_wait3A_722 = arith.constant 0 : i32
      %dma_wait3A_723 = arith.constant 0 : i32
      %dma_wait3A_724 = tpu.memref_slice %arg9[%dma_wait3A_721, %dma_wait3A_722, %dma_wait3A_723] : memref<8x8x133xf32, #tpu.memory_space<vmem>> -> memref<8x8x128xf32, #tpu.memory_space<vmem>>
      tpu.wait_dma2 semaphore(%arg13 : memref<!tpu.dma_semaphore, #tpu.memory_space<semaphore_mem>>) src(%dma_wait3A_724 : memref<8x8x128xf32, #tpu.memory_space<vmem>>) dst(%dma_wait3A_720 : memref<8x8x128xf32, #tpu.memory_space<hbm>>)
      %scan3A_725 = arith.constant 0 : i32
      %scan3A_726 = arith.constant 128 : i32
      %scan3A_727 = arith.addi %scan3A_725, %scan3A_726 : i32
      %scan3A_728 = arith.constant 4 : i32
      scf.for %scan3A_756 = %scan3A_725 to %scan3A_727 step %scan3A_728  : i32 {
        %mul3A_757 = arith.constant 1 : i32
        %mul3A_758 = arith.muli %scan3A_756, %mul3A_757 : i32
        %add3A_759 = arith.constant 0 : i32
        %add3A_760 = arith.addi %add3A_759, %mul3A_758 : i32
        %mul3A_761 = arith.constant 0 : i32
        %mul3A_762 = vector.broadcast %mul3A_761 : i32 to vector<16xi32>
        %mul3A_763 = arith.muli %iota3A, %mul3A_762 : vector<16xi32>
        %add3A_764 = vector.broadcast %add3A_760 : i32 to vector<16xi32>
        %add3A_765 = arith.addi %mul3A_763, %add3A_764 : vector<16xi32>
        %get3A = arith.index_cast %add3A_760 : i32 to index
        %get3A_766 = arith.constant 0 : index
        %get3A_767 = tpu.vector_load %arg7[%get3A, %get3A_766] {strides = array<i32>} : memref<128x64xf32, #tpu.memory_space<vmem>>, vector<16xf32>,
        %mul3A_768 = arith.constant 8.000000e+00 : f32
        %mul3A_769 = vector.broadcast %mul3A_768 : f32 to vector<16xf32>
        %mul3A_770 = arith.mulf %get3A_767, %mul3A_769 : vector<16xf32>
        tpu.vector_store_idx %arg9[%select_n3A, %select_n3A_153, %add3A_765], %mul3A_770 : memref<8x8x133xf32, #tpu.memory_space<vmem>>[vector<16xi32>, vector<16xi32>, vector<16xi32>], vector<16xf32>,
        %get3A_771 = arith.index_cast %add3A_760 : i32 to index
        %get3A_772 = arith.constant 16 : index
        %get3A_773 = tpu.vector_load %arg7[%get3A_771, %get3A_772] {strides = array<i32>} : memref<128x64xf32, #tpu.memory_space<vmem>>, vector<16xf32>,
        %mul3A_774 = arith.constant 8.000000e+00 : f32
        %mul3A_775 = vector.broadcast %mul3A_774 : f32 to vector<16xf32>
        %mul3A_776 = arith.mulf %get3A_773, %mul3A_775 : vector<16xf32>
        tpu.vector_store_idx %arg9[%select_n3A_62, %select_n3A_178, %add3A_765], %mul3A_776 : memref<8x8x133xf32, #tpu.memory_space<vmem>>[vector<16xi32>, vector<16xi32>, vector<16xi32>], vector<16xf32>,
        %get3A_777 = arith.index_cast %add3A_760 : i32 to index
        %get3A_778 = arith.constant 32 : index
        %get3A_779 = tpu.vector_load %arg7[%get3A_777, %get3A_778] {strides = array<i32>} : memref<128x64xf32, #tpu.memory_space<vmem>>, vector<16xf32>,
        %mul3A_780 = arith.constant 8.000000e+00 : f32
        %mul3A_781 = vector.broadcast %mul3A_780 : f32 to vector<16xf32>
        %mul3A_782 = arith.mulf %get3A_779, %mul3A_781 : vector<16xf32>
        tpu.vector_store_idx %arg9[%select_n3A_96, %select_n3A_203, %add3A_765], %mul3A_782 : memref<8x8x133xf32, #tpu.memory_space<vmem>>[vector<16xi32>, vector<16xi32>, vector<16xi32>], vector<16xf32>,
        %get3A_783 = arith.index_cast %add3A_760 : i32 to index
        %get3A_784 = arith.constant 48 : index
        %get3A_785 = tpu.vector_load %arg7[%get3A_783, %get3A_784] {strides = array<i32>} : memref<128x64xf32, #tpu.memory_space<vmem>>, vector<16xf32>,
        %mul3A_786 = arith.constant 8.000000e+00 : f32
        %mul3A_787 = vector.broadcast %mul3A_786 : f32 to vector<16xf32>
        %mul3A_788 = arith.mulf %get3A_785, %mul3A_787 : vector<16xf32>
        tpu.vector_store_idx %arg9[%select_n3A_130, %select_n3A_228, %add3A_765], %mul3A_788 : memref<8x8x133xf32, #tpu.memory_space<vmem>>[vector<16xi32>, vector<16xi32>, vector<16xi32>], vector<16xf32>,
        %scan3A_789 = arith.constant 1 : i32
        %scan3A_790 = arith.addi %scan3A_756, %scan3A_789 : i32
        %mul3A_791 = arith.constant 1 : i32
        %mul3A_792 = arith.muli %scan3A_790, %mul3A_791 : i32
        %add3A_793 = arith.constant 0 : i32
        %add3A_794 = arith.addi %add3A_793, %mul3A_792 : i32
        %mul3A_795 = arith.constant 0 : i32
        %mul3A_796 = vector.broadcast %mul3A_795 : i32 to vector<16xi32>
        %mul3A_797 = arith.muli %iota3A, %mul3A_796 : vector<16xi32>
        %add3A_798 = vector.broadcast %add3A_794 : i32 to vector<16xi32>
        %add3A_799 = arith.addi %mul3A_797, %add3A_798 : vector<16xi32>
        %get3A_800 = arith.index_cast %add3A_794 : i32 to index
        %get3A_801 = arith.constant 0 : index
        %get3A_802 = tpu.vector_load %arg7[%get3A_800, %get3A_801] {strides = array<i32>} : memref<128x64xf32, #tpu.memory_space<vmem>>, vector<16xf32>,
        %mul3A_803 = arith.constant 8.000000e+00 : f32
        %mul3A_804 = vector.broadcast %mul3A_803 : f32 to vector<16xf32>
        %mul3A_805 = arith.mulf %get3A_802, %mul3A_804 : vector<16xf32>
        tpu.vector_store_idx %arg9[%select_n3A, %select_n3A_153, %add3A_799], %mul3A_805 : memref<8x8x133xf32, #tpu.memory_space<vmem>>[vector<16xi32>, vector<16xi32>, vector<16xi32>], vector<16xf32>,
        %get3A_806 = arith.index_cast %add3A_794 : i32 to index
        %get3A_807 = arith.constant 16 : index
        %get3A_808 = tpu.vector_load %arg7[%get3A_806, %get3A_807] {strides = array<i32>} : memref<128x64xf32, #tpu.memory_space<vmem>>, vector<16xf32>,
        %mul3A_809 = arith.constant 8.000000e+00 : f32
        %mul3A_810 = vector.broadcast %mul3A_809 : f32 to vector<16xf32>
        %mul3A_811 = arith.mulf %get3A_808, %mul3A_810 : vector<16xf32>
        tpu.vector_store_idx %arg9[%select_n3A_62, %select_n3A_178, %add3A_799], %mul3A_811 : memref<8x8x133xf32, #tpu.memory_space<vmem>>[vector<16xi32>, vector<16xi32>, vector<16xi32>], vector<16xf32>,
        %get3A_812 = arith.index_cast %add3A_794 : i32 to index
        %get3A_813 = arith.constant 32 : index
        %get3A_814 = tpu.vector_load %arg7[%get3A_812, %get3A_813] {strides = array<i32>} : memref<128x64xf32, #tpu.memory_space<vmem>>, vector<16xf32>,
        %mul3A_815 = arith.constant 8.000000e+00 : f32
        %mul3A_816 = vector.broadcast %mul3A_815 : f32 to vector<16xf32>
        %mul3A_817 = arith.mulf %get3A_814, %mul3A_816 : vector<16xf32>
        tpu.vector_store_idx %arg9[%select_n3A_96, %select_n3A_203, %add3A_799], %mul3A_817 : memref<8x8x133xf32, #tpu.memory_space<vmem>>[vector<16xi32>, vector<16xi32>, vector<16xi32>], vector<16xf32>,
        %get3A_818 = arith.index_cast %add3A_794 : i32 to index
        %get3A_819 = arith.constant 48 : index
        %get3A_820 = tpu.vector_load %arg7[%get3A_818, %get3A_819] {strides = array<i32>} : memref<128x64xf32, #tpu.memory_space<vmem>>, vector<16xf32>,
        %mul3A_821 = arith.constant 8.000000e+00 : f32
        %mul3A_822 = vector.broadcast %mul3A_821 : f32 to vector<16xf32>
        %mul3A_823 = arith.mulf %get3A_820, %mul3A_822 : vector<16xf32>
        tpu.vector_store_idx %arg9[%select_n3A_130, %select_n3A_228, %add3A_799], %mul3A_823 : memref<8x8x133xf32, #tpu.memory_space<vmem>>[vector<16xi32>, vector<16xi32>, vector<16xi32>], vector<16xf32>,
        %scan3A_824 = arith.constant 2 : i32
        %scan3A_825 = arith.addi %scan3A_756, %scan3A_824 : i32
        %mul3A_826 = arith.constant 1 : i32
        %mul3A_827 = arith.muli %scan3A_825, %mul3A_826 : i32
        %add3A_828 = arith.constant 0 : i32
        %add3A_829 = arith.addi %add3A_828, %mul3A_827 : i32
        %mul3A_830 = arith.constant 0 : i32
        %mul3A_831 = vector.broadcast %mul3A_830 : i32 to vector<16xi32>
        %mul3A_832 = arith.muli %iota3A, %mul3A_831 : vector<16xi32>
        %add3A_833 = vector.broadcast %add3A_829 : i32 to vector<16xi32>
        %add3A_834 = arith.addi %mul3A_832, %add3A_833 : vector<16xi32>
        %get3A_835 = arith.index_cast %add3A_829 : i32 to index
        %get3A_836 = arith.constant 0 : index
        %get3A_837 = tpu.vector_load %arg7[%get3A_835, %get3A_836] {strides = array<i32>} : memref<128x64xf32, #tpu.memory_space<vmem>>, vector<16xf32>,
        %mul3A_838 = arith.constant 8.000000e+00 : f32
        %mul3A_839 = vector.broadcast %mul3A_838 : f32 to vector<16xf32>
        %mul3A_840 = arith.mulf %get3A_837, %mul3A_839 : vector<16xf32>
        tpu.vector_store_idx %arg9[%select_n3A, %select_n3A_153, %add3A_834], %mul3A_840 : memref<8x8x133xf32, #tpu.memory_space<vmem>>[vector<16xi32>, vector<16xi32>, vector<16xi32>], vector<16xf32>,
        %get3A_841 = arith.index_cast %add3A_829 : i32 to index
        %get3A_842 = arith.constant 16 : index
        %get3A_843 = tpu.vector_load %arg7[%get3A_841, %get3A_842] {strides = array<i32>} : memref<128x64xf32, #tpu.memory_space<vmem>>, vector<16xf32>,
        %mul3A_844 = arith.constant 8.000000e+00 : f32
        %mul3A_845 = vector.broadcast %mul3A_844 : f32 to vector<16xf32>
        %mul3A_846 = arith.mulf %get3A_843, %mul3A_845 : vector<16xf32>
        tpu.vector_store_idx %arg9[%select_n3A_62, %select_n3A_178, %add3A_834], %mul3A_846 : memref<8x8x133xf32, #tpu.memory_space<vmem>>[vector<16xi32>, vector<16xi32>, vector<16xi32>], vector<16xf32>,
        %get3A_847 = arith.index_cast %add3A_829 : i32 to index
        %get3A_848 = arith.constant 32 : index
        %get3A_849 = tpu.vector_load %arg7[%get3A_847, %get3A_848] {strides = array<i32>} : memref<128x64xf32, #tpu.memory_space<vmem>>, vector<16xf32>,
        %mul3A_850 = arith.constant 8.000000e+00 : f32
        %mul3A_851 = vector.broadcast %mul3A_850 : f32 to vector<16xf32>
        %mul3A_852 = arith.mulf %get3A_849, %mul3A_851 : vector<16xf32>
        tpu.vector_store_idx %arg9[%select_n3A_96, %select_n3A_203, %add3A_834], %mul3A_852 : memref<8x8x133xf32, #tpu.memory_space<vmem>>[vector<16xi32>, vector<16xi32>, vector<16xi32>], vector<16xf32>,
        %get3A_853 = arith.index_cast %add3A_829 : i32 to index
        %get3A_854 = arith.constant 48 : index
        %get3A_855 = tpu.vector_load %arg7[%get3A_853, %get3A_854] {strides = array<i32>} : memref<128x64xf32, #tpu.memory_space<vmem>>, vector<16xf32>,
        %mul3A_856 = arith.constant 8.000000e+00 : f32
        %mul3A_857 = vector.broadcast %mul3A_856 : f32 to vector<16xf32>
        %mul3A_858 = arith.mulf %get3A_855, %mul3A_857 : vector<16xf32>
        tpu.vector_store_idx %arg9[%select_n3A_130, %select_n3A_228, %add3A_834], %mul3A_858 : memref<8x8x133xf32, #tpu.memory_space<vmem>>[vector<16xi32>, vector<16xi32>, vector<16xi32>], vector<16xf32>,
        %scan3A_859 = arith.constant 3 : i32
        %scan3A_860 = arith.addi %scan3A_756, %scan3A_859 : i32
        %mul3A_861 = arith.constant 1 : i32
        %mul3A_862 = arith.muli %scan3A_860, %mul3A_861 : i32
        %add3A_863 = arith.constant 0 : i32
        %add3A_864 = arith.addi %add3A_863, %mul3A_862 : i32
        %mul3A_865 = arith.constant 0 : i32
        %mul3A_866 = vector.broadcast %mul3A_865 : i32 to vector<16xi32>
        %mul3A_867 = arith.muli %iota3A, %mul3A_866 : vector<16xi32>
        %add3A_868 = vector.broadcast %add3A_864 : i32 to vector<16xi32>
        %add3A_869 = arith.addi %mul3A_867, %add3A_868 : vector<16xi32>
        %get3A_870 = arith.index_cast %add3A_864 : i32 to index
        %get3A_871 = arith.constant 0 : index
        %get3A_872 = tpu.vector_load %arg7[%get3A_870, %get3A_871] {strides = array<i32>} : memref<128x64xf32, #tpu.memory_space<vmem>>, vector<16xf32>,
        %mul3A_873 = arith.constant 8.000000e+00 : f32
        %mul3A_874 = vector.broadcast %mul3A_873 : f32 to vector<16xf32>
        %mul3A_875 = arith.mulf %get3A_872, %mul3A_874 : vector<16xf32>
        tpu.vector_store_idx %arg9[%select_n3A, %select_n3A_153, %add3A_869], %mul3A_875 : memref<8x8x133xf32, #tpu.memory_space<vmem>>[vector<16xi32>, vector<16xi32>, vector<16xi32>], vector<16xf32>,
        %get3A_876 = arith.index_cast %add3A_864 : i32 to index
        %get3A_877 = arith.constant 16 : index
        %get3A_878 = tpu.vector_load %arg7[%get3A_876, %get3A_877] {strides = array<i32>} : memref<128x64xf32, #tpu.memory_space<vmem>>, vector<16xf32>,
        %mul3A_879 = arith.constant 8.000000e+00 : f32
        %mul3A_880 = vector.broadcast %mul3A_879 : f32 to vector<16xf32>
        %mul3A_881 = arith.mulf %get3A_878, %mul3A_880 : vector<16xf32>
        tpu.vector_store_idx %arg9[%select_n3A_62, %select_n3A_178, %add3A_869], %mul3A_881 : memref<8x8x133xf32, #tpu.memory_space<vmem>>[vector<16xi32>, vector<16xi32>, vector<16xi32>], vector<16xf32>,
        %get3A_882 = arith.index_cast %add3A_864 : i32 to index
        %get3A_883 = arith.constant 32 : index
        %get3A_884 = tpu.vector_load %arg7[%get3A_882, %get3A_883] {strides = array<i32>} : memref<128x64xf32, #tpu.memory_space<vmem>>, vector<16xf32>,
        %mul3A_885 = arith.constant 8.000000e+00 : f32
        %mul3A_886 = vector.broadcast %mul3A_885 : f32 to vector<16xf32>
        %mul3A_887 = arith.mulf %get3A_884, %mul3A_886 : vector<16xf32>
        tpu.vector_store_idx %arg9[%select_n3A_96, %select_n3A_203, %add3A_869], %mul3A_887 : memref<8x8x133xf32, #tpu.memory_space<vmem>>[vector<16xi32>, vector<16xi32>, vector<16xi32>], vector<16xf32>,
        %get3A_888 = arith.index_cast %add3A_864 : i32 to index
        %get3A_889 = arith.constant 48 : index
        %get3A_890 = tpu.vector_load %arg7[%get3A_888, %get3A_889] {strides = array<i32>} : memref<128x64xf32, #tpu.memory_space<vmem>>, vector<16xf32>,
        %mul3A_891 = arith.constant 8.000000e+00 : f32
        %mul3A_892 = vector.broadcast %mul3A_891 : f32 to vector<16xf32>
        %mul3A_893 = arith.mulf %get3A_890, %mul3A_892 : vector<16xf32>
        tpu.vector_store_idx %arg9[%select_n3A_130, %select_n3A_228, %add3A_869], %mul3A_893 : memref<8x8x133xf32, #tpu.memory_space<vmem>>[vector<16xi32>, vector<16xi32>, vector<16xi32>], vector<16xf32>,
      }
      %scan3A_729 = arith.constant 128 : i32
      %add3A_730 = arith.constant 2 : i32
      %add3A_731 = arith.addi %add3A_670, %add3A_730 : i32
      %dma_start3A_732 = arith.constant 0 : i32
      %dma_start3A_733 = tpu.memref_slice %arg5[%add3A_731, %dma_start3A_732] : memref<200x128xi32, #tpu.memory_space<vmem>> -> memref<1x128xi32, #tpu.memory_space<vmem>>
      %dma_start3A_734 = tpu.memref_squeeze %dma_start3A_733 : memref<1x128xi32, #tpu.memory_space<vmem>> -> memref<128xi32, #tpu.memory_space<vmem>>
      %dma_start3A_735 = arith.constant 0 : i32
      %dma_start3A_736 = arith.constant 0 : i32
      %dma_start3A_737 = tpu.memref_slice %arg3[%dma_start3A_735, %dma_start3A_736] : memref<1000000x64xf32, #tpu.memory_space<hbm>> -> memref<1000000x64xf32, #tpu.memory_space<hbm>>
      tpu.enqueue_indirect_dma source(%dma_start3A_737 : memref<1000000x64xf32, #tpu.memory_space<hbm>>) target(%arg7 : memref<128x64xf32, #tpu.memory_space<vmem>>) offsets(%dma_start3A_734 : memref<128xi32, #tpu.memory_space<vmem>>) semaphore(%arg11 : memref<!tpu.dma_semaphore, #tpu.memory_space<semaphore_mem>>)
      %dma_start3A_738 = arith.constant 0 : i32
      %dma_start3A_739 = arith.constant 0 : i32
      %dma_start3A_740 = arith.constant 0 : i32
      %dma_start3A_741 = tpu.memref_slice %arg9[%dma_start3A_738, %dma_start3A_739, %dma_start3A_740] : memref<8x8x133xf32, #tpu.memory_space<vmem>> -> memref<8x8x128xf32, #tpu.memory_space<vmem>>
      %dma_start3A_742 = arith.constant 0 : i32
      %dma_start3A_743 = arith.constant 0 : i32
      %dma_start3A_744 = arith.constant 0 : i32
      %dma_start3A_745 = tpu.memref_slice %arg4[%select_n3A_695, %dma_start3A_742, %sub3A_698, %dma_start3A_743, %dma_start3A_744] : memref<50x8x128x8x128xf32, #tpu.memory_space<hbm>> -> memref<1x8x1x8x128xf32, #tpu.memory_space<hbm>>
      %dma_start3A_746 = tpu.memref_squeeze %dma_start3A_745 : memref<1x8x1x8x128xf32, #tpu.memory_space<hbm>> -> memref<8x8x128xf32, #tpu.memory_space<hbm>>
      %dma_start3A_747 = arith.constant 0 : i32
      %dma_start3A_748 = arith.constant 0 : i32
      %dma_start3A_749 = arith.constant 0 : i32
      %dma_start3A_750 = tpu.memref_slice %arg4[%select_n3A_695, %dma_start3A_747, %sub3A_698, %dma_start3A_748, %dma_start3A_749] : memref<50x8x128x8x128xf32, #tpu.memory_space<hbm>> -> memref<1x8x1x8x128xf32, #tpu.memory_space<hbm>>
      %dma_start3A_751 = tpu.memref_squeeze %dma_start3A_750 : memref<1x8x1x8x128xf32, #tpu.memory_space<hbm>> -> memref<8x8x128xf32, #tpu.memory_space<hbm>>
      %dma_start3A_752 = arith.constant 0 : i32
      %dma_start3A_753 = arith.constant 0 : i32
      %dma_start3A_754 = arith.constant 0 : i32
      %dma_start3A_755 = tpu.memref_slice %arg9[%dma_start3A_752, %dma_start3A_753, %dma_start3A_754] : memref<8x8x133xf32, #tpu.memory_space<vmem>> -> memref<8x8x128xf32, #tpu.memory_space<vmem>>
      tpu.enqueue_dma source(%dma_start3A_755 : memref<8x8x128xf32, #tpu.memory_space<vmem>>) target(%dma_start3A_751 : memref<8x8x128xf32, #tpu.memory_space<hbm>>) target_semaphore(%arg13 : memref<!tpu.dma_semaphore, #tpu.memory_space<semaphore_mem>>)
    }
    %scan3A_376 = arith.constant 98 : i32
    %add3A_377 = arith.constant 198 : i32
    %add3A_378 = arith.addi %mul3A_2, %add3A_377 : i32
    %jit3A_379 = arith.constant 128 : i32
    %div3A_380 = arith.divsi %add3A_378, %jit3A_379 : i32
    %sign3A_381 = arith.constant 0 : i32
    %sign3A_382 = arith.cmpi sgt, %add3A_378, %sign3A_381 : i32
    %sign3A_383 = arith.extui %sign3A_382 : i1 to i32
    %sign3A_384 = arith.constant 0 : i32
    %sign3A_385 = arith.cmpi slt, %add3A_378, %sign3A_384 : i32
    %sign3A_386 = arith.extui %sign3A_385 : i1 to i32
    %sign3A_387 = arith.subi %sign3A_383, %sign3A_386 : i32
    %sign3A_388 = arith.constant 0 : i32
    %sign3A_389 = arith.cmpi sgt, %jit3A_379, %sign3A_388 : i32
    %sign3A_390 = arith.extui %sign3A_389 : i1 to i32
    %sign3A_391 = arith.constant 0 : i32
    %sign3A_392 = arith.cmpi slt, %jit3A_379, %sign3A_391 : i32
    %sign3A_393 = arith.extui %sign3A_392 : i1 to i32
    %sign3A_394 = arith.subi %sign3A_390, %sign3A_393 : i32
    %ne3A_395 = arith.cmpi ne, %sign3A_387, %sign3A_394 : i32
    %rem3A_396 = arith.remsi %add3A_378, %jit3A_379 : i32
    %ne3A_397 = arith.constant 0 : i32
    %ne3A_398 = arith.cmpi ne, %rem3A_396, %ne3A_397 : i32
    %and3A_399 = arith.andi %ne3A_395, %ne3A_398 : i1
    %sub3A_400 = arith.constant 1 : i32
    %sub3A_401 = arith.subi %div3A_380, %sub3A_400 : i32
    %select_n3A_402 = arith.select %and3A_399, %sub3A_401, %div3A_380 : i32
    %mul3A_403 = arith.constant 128 : i32
    %mul3A_404 = arith.muli %select_n3A_402, %mul3A_403 : i32
    %sub3A_405 = arith.subi %add3A_378, %mul3A_404 : i32
    %dma_wait3A_406 = arith.constant 198 : i32
    %dma_wait3A_407 = arith.constant 0 : i32
    %dma_wait3A_408 = tpu.memref_slice %arg5[%dma_wait3A_406, %dma_wait3A_407] : memref<200x128xi32, #tpu.memory_space<vmem>> -> memref<1x128xi32, #tpu.memory_space<vmem>>
    %dma_wait3A_409 = tpu.memref_squeeze %dma_wait3A_408 : memref<1x128xi32, #tpu.memory_space<vmem>> -> memref<128xi32, #tpu.memory_space<vmem>>
    %dma_wait3A_410 = arith.constant 0 : i32
    %dma_wait3A_411 = arith.constant 0 : i32
    %dma_wait3A_412 = tpu.memref_slice %arg3[%dma_wait3A_410, %dma_wait3A_411] : memref<1000000x64xf32, #tpu.memory_space<hbm>> -> memref<1000000x64xf32, #tpu.memory_space<hbm>>
    tpu.wait_indirect_dma semaphore(%arg10 : memref<!tpu.dma_semaphore, #tpu.memory_space<semaphore_mem>>) src(%dma_wait3A_412 : memref<1000000x64xf32, #tpu.memory_space<hbm>>) dst(%arg6 : memref<128x64xf32, #tpu.memory_space<vmem>>)
    %dma_wait3A_413 = arith.constant 0 : i32
    %dma_wait3A_414 = arith.constant 0 : i32
    %dma_wait3A_415 = arith.constant 0 : i32
    %dma_wait3A_416 = arith.constant 0 : i32
    %dma_wait3A_417 = arith.constant 0 : i32
    %dma_wait3A_418 = tpu.memref_slice %arg8[%dma_wait3A_415, %dma_wait3A_416, %dma_wait3A_417] : memref<8x8x133xf32, #tpu.memory_space<vmem>> -> memref<8x8x128xf32, #tpu.memory_space<vmem>>
    %dma_wait3A_419 = arith.constant 0 : i32
    %dma_wait3A_420 = arith.constant 0 : i32
    %dma_wait3A_421 = arith.constant 0 : i32
    %dma_wait3A_422 = tpu.memref_slice %arg4[%dma_wait3A_413, %dma_wait3A_419, %dma_wait3A_414, %dma_wait3A_420, %dma_wait3A_421] : memref<50x8x128x8x128xf32, #tpu.memory_space<hbm>> -> memref<1x8x1x8x128xf32, #tpu.memory_space<hbm>>
    %dma_wait3A_423 = tpu.memref_squeeze %dma_wait3A_422 : memref<1x8x1x8x128xf32, #tpu.memory_space<hbm>> -> memref<8x8x128xf32, #tpu.memory_space<hbm>>
    %dma_wait3A_424 = arith.constant 0 : i32
    %dma_wait3A_425 = arith.constant 0 : i32
    %dma_wait3A_426 = arith.constant 0 : i32
    %dma_wait3A_427 = tpu.memref_slice %arg4[%dma_wait3A_413, %dma_wait3A_424, %dma_wait3A_414, %dma_wait3A_425, %dma_wait3A_426] : memref<50x8x128x8x128xf32, #tpu.memory_space<hbm>> -> memref<1x8x1x8x128xf32, #tpu.memory_space<hbm>>
    %dma_wait3A_428 = tpu.memref_squeeze %dma_wait3A_427 : memref<1x8x1x8x128xf32, #tpu.memory_space<hbm>> -> memref<8x8x128xf32, #tpu.memory_space<hbm>>
    %dma_wait3A_429 = arith.constant 0 : i32
    %dma_wait3A_430 = arith.constant 0 : i32
    %dma_wait3A_431 = arith.constant 0 : i32
    %dma_wait3A_432 = tpu.memref_slice %arg8[%dma_wait3A_429, %dma_wait3A_430, %dma_wait3A_431] : memref<8x8x133xf32, #tpu.memory_space<vmem>> -> memref<8x8x128xf32, #tpu.memory_space<vmem>>
    tpu.wait_dma2 semaphore(%arg12 : memref<!tpu.dma_semaphore, #tpu.memory_space<semaphore_mem>>) src(%dma_wait3A_432 : memref<8x8x128xf32, #tpu.memory_space<vmem>>) dst(%dma_wait3A_428 : memref<8x8x128xf32, #tpu.memory_space<hbm>>)
    %scan3A_433 = arith.constant 0 : i32
    %scan3A_434 = arith.constant 128 : i32
    %scan3A_435 = arith.addi %scan3A_433, %scan3A_434 : i32
    %scan3A_436 = arith.constant 4 : i32
    scf.for %scan3A_575 = %scan3A_433 to %scan3A_435 step %scan3A_436  : i32 {
      %mul3A_576 = arith.constant 1 : i32
      %mul3A_577 = arith.muli %scan3A_575, %mul3A_576 : i32
      %add3A_578 = arith.constant 0 : i32
      %add3A_579 = arith.addi %add3A_578, %mul3A_577 : i32
      %mul3A_580 = arith.constant 0 : i32
      %mul3A_581 = vector.broadcast %mul3A_580 : i32 to vector<16xi32>
      %mul3A_582 = arith.muli %iota3A, %mul3A_581 : vector<16xi32>
      %add3A_583 = vector.broadcast %add3A_579 : i32 to vector<16xi32>
      %add3A_584 = arith.addi %mul3A_582, %add3A_583 : vector<16xi32>
      %get3A = arith.index_cast %add3A_579 : i32 to index
      %get3A_585 = arith.constant 0 : index
      %get3A_586 = tpu.vector_load %arg6[%get3A, %get3A_585] {strides = array<i32>} : memref<128x64xf32, #tpu.memory_space<vmem>>, vector<16xf32>,
      %mul3A_587 = arith.constant 8.000000e+00 : f32
      %mul3A_588 = vector.broadcast %mul3A_587 : f32 to vector<16xf32>
      %mul3A_589 = arith.mulf %get3A_586, %mul3A_588 : vector<16xf32>
      tpu.vector_store_idx %arg8[%select_n3A, %select_n3A_153, %add3A_584], %mul3A_589 : memref<8x8x133xf32, #tpu.memory_space<vmem>>[vector<16xi32>, vector<16xi32>, vector<16xi32>], vector<16xf32>,
      %get3A_590 = arith.index_cast %add3A_579 : i32 to index
      %get3A_591 = arith.constant 16 : index
      %get3A_592 = tpu.vector_load %arg6[%get3A_590, %get3A_591] {strides = array<i32>} : memref<128x64xf32, #tpu.memory_space<vmem>>, vector<16xf32>,
      %mul3A_593 = arith.constant 8.000000e+00 : f32
      %mul3A_594 = vector.broadcast %mul3A_593 : f32 to vector<16xf32>
      %mul3A_595 = arith.mulf %get3A_592, %mul3A_594 : vector<16xf32>
      tpu.vector_store_idx %arg8[%select_n3A_62, %select_n3A_178, %add3A_584], %mul3A_595 : memref<8x8x133xf32, #tpu.memory_space<vmem>>[vector<16xi32>, vector<16xi32>, vector<16xi32>], vector<16xf32>,
      %get3A_596 = arith.index_cast %add3A_579 : i32 to index
      %get3A_597 = arith.constant 32 : index
      %get3A_598 = tpu.vector_load %arg6[%get3A_596, %get3A_597] {strides = array<i32>} : memref<128x64xf32, #tpu.memory_space<vmem>>, vector<16xf32>,
      %mul3A_599 = arith.constant 8.000000e+00 : f32
      %mul3A_600 = vector.broadcast %mul3A_599 : f32 to vector<16xf32>
      %mul3A_601 = arith.mulf %get3A_598, %mul3A_600 : vector<16xf32>
      tpu.vector_store_idx %arg8[%select_n3A_96, %select_n3A_203, %add3A_584], %mul3A_601 : memref<8x8x133xf32, #tpu.memory_space<vmem>>[vector<16xi32>, vector<16xi32>, vector<16xi32>], vector<16xf32>,
      %get3A_602 = arith.index_cast %add3A_579 : i32 to index
      %get3A_603 = arith.constant 48 : index
      %get3A_604 = tpu.vector_load %arg6[%get3A_602, %get3A_603] {strides = array<i32>} : memref<128x64xf32, #tpu.memory_space<vmem>>, vector<16xf32>,
      %mul3A_605 = arith.constant 8.000000e+00 : f32
      %mul3A_606 = vector.broadcast %mul3A_605 : f32 to vector<16xf32>
      %mul3A_607 = arith.mulf %get3A_604, %mul3A_606 : vector<16xf32>
      tpu.vector_store_idx %arg8[%select_n3A_130, %select_n3A_228, %add3A_584], %mul3A_607 : memref<8x8x133xf32, #tpu.memory_space<vmem>>[vector<16xi32>, vector<16xi32>, vector<16xi32>], vector<16xf32>,
      %scan3A_608 = arith.constant 1 : i32
      %scan3A_609 = arith.addi %scan3A_575, %scan3A_608 : i32
      %mul3A_610 = arith.constant 1 : i32
      %mul3A_611 = arith.muli %scan3A_609, %mul3A_610 : i32
      %add3A_612 = arith.constant 0 : i32
      %add3A_613 = arith.addi %add3A_612, %mul3A_611 : i32
      %mul3A_614 = arith.constant 0 : i32
      %mul3A_615 = vector.broadcast %mul3A_614 : i32 to vector<16xi32>
      %mul3A_616 = arith.muli %iota3A, %mul3A_615 : vector<16xi32>
      %add3A_617 = vector.broadcast %add3A_613 : i32 to vector<16xi32>
      %add3A_618 = arith.addi %mul3A_616, %add3A_617 : vector<16xi32>
      %get3A_619 = arith.index_cast %add3A_613 : i32 to index
      %get3A_620 = arith.constant 0 : index
      %get3A_621 = tpu.vector_load %arg6[%get3A_619, %get3A_620] {strides = array<i32>} : memref<128x64xf32, #tpu.memory_space<vmem>>, vector<16xf32>,
      %mul3A_622 = arith.constant 8.000000e+00 : f32
      %mul3A_623 = vector.broadcast %mul3A_622 : f32 to vector<16xf32>
      %mul3A_624 = arith.mulf %get3A_621, %mul3A_623 : vector<16xf32>
      tpu.vector_store_idx %arg8[%select_n3A, %select_n3A_153, %add3A_618], %mul3A_624 : memref<8x8x133xf32, #tpu.memory_space<vmem>>[vector<16xi32>, vector<16xi32>, vector<16xi32>], vector<16xf32>,
      %get3A_625 = arith.index_cast %add3A_613 : i32 to index
      %get3A_626 = arith.constant 16 : index
      %get3A_627 = tpu.vector_load %arg6[%get3A_625, %get3A_626] {strides = array<i32>} : memref<128x64xf32, #tpu.memory_space<vmem>>, vector<16xf32>,
      %mul3A_628 = arith.constant 8.000000e+00 : f32
      %mul3A_629 = vector.broadcast %mul3A_628 : f32 to vector<16xf32>
      %mul3A_630 = arith.mulf %get3A_627, %mul3A_629 : vector<16xf32>
      tpu.vector_store_idx %arg8[%select_n3A_62, %select_n3A_178, %add3A_618], %mul3A_630 : memref<8x8x133xf32, #tpu.memory_space<vmem>>[vector<16xi32>, vector<16xi32>, vector<16xi32>], vector<16xf32>,
      %get3A_631 = arith.index_cast %add3A_613 : i32 to index
      %get3A_632 = arith.constant 32 : index
      %get3A_633 = tpu.vector_load %arg6[%get3A_631, %get3A_632] {strides = array<i32>} : memref<128x64xf32, #tpu.memory_space<vmem>>, vector<16xf32>,
      %mul3A_634 = arith.constant 8.000000e+00 : f32
      %mul3A_635 = vector.broadcast %mul3A_634 : f32 to vector<16xf32>
      %mul3A_636 = arith.mulf %get3A_633, %mul3A_635 : vector<16xf32>
      tpu.vector_store_idx %arg8[%select_n3A_96, %select_n3A_203, %add3A_618], %mul3A_636 : memref<8x8x133xf32, #tpu.memory_space<vmem>>[vector<16xi32>, vector<16xi32>, vector<16xi32>], vector<16xf32>,
      %get3A_637 = arith.index_cast %add3A_613 : i32 to index
      %get3A_638 = arith.constant 48 : index
      %get3A_639 = tpu.vector_load %arg6[%get3A_637, %get3A_638] {strides = array<i32>} : memref<128x64xf32, #tpu.memory_space<vmem>>, vector<16xf32>,
      %mul3A_640 = arith.constant 8.000000e+00 : f32
      %mul3A_641 = vector.broadcast %mul3A_640 : f32 to vector<16xf32>
      %mul3A_642 = arith.mulf %get3A_639, %mul3A_641 : vector<16xf32>
      tpu.vector_store_idx %arg8[%select_n3A_130, %select_n3A_228, %add3A_618], %mul3A_642 : memref<8x8x133xf32, #tpu.memory_space<vmem>>[vector<16xi32>, vector<16xi32>, vector<16xi32>], vector<16xf32>,
      %scan3A_643 = arith.constant 2 : i32
      %scan3A_644 = arith.addi %scan3A_575, %scan3A_643 : i32
      %mul3A_645 = arith.constant 1 : i32
      %mul3A_646 = arith.muli %scan3A_644, %mul3A_645 : i32
      %add3A_647 = arith.constant 0 : i32
      %add3A_648 = arith.addi %add3A_647, %mul3A_646 : i32
      %mul3A_649 = arith.constant 0 : i32
      %mul3A_650 = vector.broadcast %mul3A_649 : i32 to vector<16xi32>
      %mul3A_651 = arith.muli %iota3A, %mul3A_650 : vector<16xi32>
      %add3A_652 = vector.broadcast %add3A_648 : i32 to vector<16xi32>
      %add3A_653 = arith.addi %mul3A_651, %add3A_652 : vector<16xi32>
      %get3A_654 = arith.index_cast %add3A_648 : i32 to index
      %get3A_655 = arith.constant 0 : index
      %get3A_656 = tpu.vector_load %arg6[%get3A_654, %get3A_655] {strides = array<i32>} : memref<128x64xf32, #tpu.memory_space<vmem>>, vector<16xf32>,
      %mul3A_657 = arith.constant 8.000000e+00 : f32
      %mul3A_658 = vector.broadcast %mul3A_657 : f32 to vector<16xf32>
      %mul3A_659 = arith.mulf %get3A_656, %mul3A_658 : vector<16xf32>
      tpu.vector_store_idx %arg8[%select_n3A, %select_n3A_153, %add3A_653], %mul3A_659 : memref<8x8x133xf32, #tpu.memory_space<vmem>>[vector<16xi32>, vector<16xi32>, vector<16xi32>], vector<16xf32>,
      %get3A_660 = arith.index_cast %add3A_648 : i32 to index
      %get3A_661 = arith.constant 16 : index
      %get3A_662 = tpu.vector_load %arg6[%get3A_660, %get3A_661] {strides = array<i32>} : memref<128x64xf32, #tpu.memory_space<vmem>>, vector<16xf32>,
      %mul3A_663 = arith.constant 8.000000e+00 : f32
      %mul3A_664 = vector.broadcast %mul3A_663 : f32 to vector<16xf32>
      %mul3A_665 = arith.mulf %get3A_662, %mul3A_664 : vector<16xf32>
      tpu.vector_store_idx %arg8[%select_n3A_62, %select_n3A_178, %add3A_653], %mul3A_665 : memref<8x8x133xf32, #tpu.memory_space<vmem>>[vector<16xi32>, vector<16xi32>, vector<16xi32>], vector<16xf32>,
      %get3A_666 = arith.index_cast %add3A_648 : i32 to index
      %get3A_667 = arith.constant 32 : index
      %get3A_668 = tpu.vector_load %arg6[%get3A_666, %get3A_667] {strides = array<i32>} : memref<128x64xf32, #tpu.memory_space<vmem>>, vector<16xf32>,
      %mul3A_669 = arith.constant 8.000000e+00 : f32
      %mul3A_670 = vector.broadcast %mul3A_669 : f32 to vector<16xf32>
      %mul3A_671 = arith.mulf %get3A_668, %mul3A_670 : vector<16xf32>
      tpu.vector_store_idx %arg8[%select_n3A_96, %select_n3A_203, %add3A_653], %mul3A_671 : memref<8x8x133xf32, #tpu.memory_space<vmem>>[vector<16xi32>, vector<16xi32>, vector<16xi32>], vector<16xf32>,
      %get3A_672 = arith.index_cast %add3A_648 : i32 to index
      %get3A_673 = arith.constant 48 : index
      %get3A_674 = tpu.vector_load %arg6[%get3A_672, %get3A_673] {strides = array<i32>} : memref<128x64xf32, #tpu.memory_space<vmem>>, vector<16xf32>,
      %mul3A_675 = arith.constant 8.000000e+00 : f32
      %mul3A_676 = vector.broadcast %mul3A_675 : f32 to vector<16xf32>
      %mul3A_677 = arith.mulf %get3A_674, %mul3A_676 : vector<16xf32>
      tpu.vector_store_idx %arg8[%select_n3A_130, %select_n3A_228, %add3A_653], %mul3A_677 : memref<8x8x133xf32, #tpu.memory_space<vmem>>[vector<16xi32>, vector<16xi32>, vector<16xi32>], vector<16xf32>,
      %scan3A_678 = arith.constant 3 : i32
      %scan3A_679 = arith.addi %scan3A_575, %scan3A_678 : i32
      %mul3A_680 = arith.constant 1 : i32
      %mul3A_681 = arith.muli %scan3A_679, %mul3A_680 : i32
      %add3A_682 = arith.constant 0 : i32
      %add3A_683 = arith.addi %add3A_682, %mul3A_681 : i32
      %mul3A_684 = arith.constant 0 : i32
      %mul3A_685 = vector.broadcast %mul3A_684 : i32 to vector<16xi32>
      %mul3A_686 = arith.muli %iota3A, %mul3A_685 : vector<16xi32>
      %add3A_687 = vector.broadcast %add3A_683 : i32 to vector<16xi32>
      %add3A_688 = arith.addi %mul3A_686, %add3A_687 : vector<16xi32>
      %get3A_689 = arith.index_cast %add3A_683 : i32 to index
      %get3A_690 = arith.constant 0 : index
      %get3A_691 = tpu.vector_load %arg6[%get3A_689, %get3A_690] {strides = array<i32>} : memref<128x64xf32, #tpu.memory_space<vmem>>, vector<16xf32>,
      %mul3A_692 = arith.constant 8.000000e+00 : f32
      %mul3A_693 = vector.broadcast %mul3A_692 : f32 to vector<16xf32>
      %mul3A_694 = arith.mulf %get3A_691, %mul3A_693 : vector<16xf32>
      tpu.vector_store_idx %arg8[%select_n3A, %select_n3A_153, %add3A_688], %mul3A_694 : memref<8x8x133xf32, #tpu.memory_space<vmem>>[vector<16xi32>, vector<16xi32>, vector<16xi32>], vector<16xf32>,
      %get3A_695 = arith.index_cast %add3A_683 : i32 to index
      %get3A_696 = arith.constant 16 : index
      %get3A_697 = tpu.vector_load %arg6[%get3A_695, %get3A_696] {strides = array<i32>} : memref<128x64xf32, #tpu.memory_space<vmem>>, vector<16xf32>,
      %mul3A_698 = arith.constant 8.000000e+00 : f32
      %mul3A_699 = vector.broadcast %mul3A_698 : f32 to vector<16xf32>
      %mul3A_700 = arith.mulf %get3A_697, %mul3A_699 : vector<16xf32>
      tpu.vector_store_idx %arg8[%select_n3A_62, %select_n3A_178, %add3A_688], %mul3A_700 : memref<8x8x133xf32, #tpu.memory_space<vmem>>[vector<16xi32>, vector<16xi32>, vector<16xi32>], vector<16xf32>,
      %get3A_701 = arith.index_cast %add3A_683 : i32 to index
      %get3A_702 = arith.constant 32 : index
      %get3A_703 = tpu.vector_load %arg6[%get3A_701, %get3A_702] {strides = array<i32>} : memref<128x64xf32, #tpu.memory_space<vmem>>, vector<16xf32>,
      %mul3A_704 = arith.constant 8.000000e+00 : f32
      %mul3A_705 = vector.broadcast %mul3A_704 : f32 to vector<16xf32>
      %mul3A_706 = arith.mulf %get3A_703, %mul3A_705 : vector<16xf32>
      tpu.vector_store_idx %arg8[%select_n3A_96, %select_n3A_203, %add3A_688], %mul3A_706 : memref<8x8x133xf32, #tpu.memory_space<vmem>>[vector<16xi32>, vector<16xi32>, vector<16xi32>], vector<16xf32>,
      %get3A_707 = arith.index_cast %add3A_683 : i32 to index
      %get3A_708 = arith.constant 48 : index
      %get3A_709 = tpu.vector_load %arg6[%get3A_707, %get3A_708] {strides = array<i32>} : memref<128x64xf32, #tpu.memory_space<vmem>>, vector<16xf32>,
      %mul3A_710 = arith.constant 8.000000e+00 : f32
      %mul3A_711 = vector.broadcast %mul3A_710 : f32 to vector<16xf32>
      %mul3A_712 = arith.mulf %get3A_709, %mul3A_711 : vector<16xf32>
      tpu.vector_store_idx %arg8[%select_n3A_130, %select_n3A_228, %add3A_688], %mul3A_712 : memref<8x8x133xf32, #tpu.memory_space<vmem>>[vector<16xi32>, vector<16xi32>, vector<16xi32>], vector<16xf32>,
    }
    %scan3A_437 = arith.constant 128 : i32
    %dma_start3A_438 = arith.constant 0 : i32
    %dma_start3A_439 = arith.constant 0 : i32
    %dma_start3A_440 = arith.constant 0 : i32
    %dma_start3A_441 = tpu.memref_slice %arg8[%dma_start3A_438, %dma_start3A_439, %dma_start3A_440] : memref<8x8x133xf32, #tpu.memory_space<vmem>> -> memref<8x8x128xf32, #tpu.memory_space<vmem>>
    %dma_start3A_442 = arith.constant 0 : i32
    %dma_start3A_443 = arith.constant 0 : i32
    %dma_start3A_444 = arith.constant 0 : i32
    %dma_start3A_445 = tpu.memref_slice %arg4[%select_n3A_402, %dma_start3A_442, %sub3A_405, %dma_start3A_443, %dma_start3A_444] : memref<50x8x128x8x128xf32, #tpu.memory_space<hbm>> -> memref<1x8x1x8x128xf32, #tpu.memory_space<hbm>>
    %dma_start3A_446 = tpu.memref_squeeze %dma_start3A_445 : memref<1x8x1x8x128xf32, #tpu.memory_space<hbm>> -> memref<8x8x128xf32, #tpu.memory_space<hbm>>
    %dma_start3A_447 = arith.constant 0 : i32
    %dma_start3A_448 = arith.constant 0 : i32
    %dma_start3A_449 = arith.constant 0 : i32
    %dma_start3A_450 = tpu.memref_slice %arg4[%select_n3A_402, %dma_start3A_447, %sub3A_405, %dma_start3A_448, %dma_start3A_449] : memref<50x8x128x8x128xf32, #tpu.memory_space<hbm>> -> memref<1x8x1x8x128xf32, #tpu.memory_space<hbm>>
    %dma_start3A_451 = tpu.memref_squeeze %dma_start3A_450 : memref<1x8x1x8x128xf32, #tpu.memory_space<hbm>> -> memref<8x8x128xf32, #tpu.memory_space<hbm>>
    %dma_start3A_452 = arith.constant 0 : i32
    %dma_start3A_453 = arith.constant 0 : i32
    %dma_start3A_454 = arith.constant 0 : i32
    %dma_start3A_455 = tpu.memref_slice %arg8[%dma_start3A_452, %dma_start3A_453, %dma_start3A_454] : memref<8x8x133xf32, #tpu.memory_space<vmem>> -> memref<8x8x128xf32, #tpu.memory_space<vmem>>
    tpu.enqueue_dma source(%dma_start3A_455 : memref<8x8x128xf32, #tpu.memory_space<vmem>>) target(%dma_start3A_451 : memref<8x8x128xf32, #tpu.memory_space<hbm>>) target_semaphore(%arg12 : memref<!tpu.dma_semaphore, #tpu.memory_space<semaphore_mem>>)
    %add3A_456 = arith.constant 199 : i32
    %add3A_457 = arith.addi %mul3A_2, %add3A_456 : i32
    %jit3A_458 = arith.constant 128 : i32
    %div3A_459 = arith.divsi %add3A_457, %jit3A_458 : i32
    %sign3A_460 = arith.constant 0 : i32
    %sign3A_461 = arith.cmpi sgt, %add3A_457, %sign3A_460 : i32
    %sign3A_462 = arith.extui %sign3A_461 : i1 to i32
    %sign3A_463 = arith.constant 0 : i32
    %sign3A_464 = arith.cmpi slt, %add3A_457, %sign3A_463 : i32
    %sign3A_465 = arith.extui %sign3A_464 : i1 to i32
    %sign3A_466 = arith.subi %sign3A_462, %sign3A_465 : i32
    %sign3A_467 = arith.constant 0 : i32
    %sign3A_468 = arith.cmpi sgt, %jit3A_458, %sign3A_467 : i32
    %sign3A_469 = arith.extui %sign3A_468 : i1 to i32
    %sign3A_470 = arith.constant 0 : i32
    %sign3A_471 = arith.cmpi slt, %jit3A_458, %sign3A_470 : i32
    %sign3A_472 = arith.extui %sign3A_471 : i1 to i32
    %sign3A_473 = arith.subi %sign3A_469, %sign3A_472 : i32
    %ne3A_474 = arith.cmpi ne, %sign3A_466, %sign3A_473 : i32
    %rem3A_475 = arith.remsi %add3A_457, %jit3A_458 : i32
    %ne3A_476 = arith.constant 0 : i32
    %ne3A_477 = arith.cmpi ne, %rem3A_475, %ne3A_476 : i32
    %and3A_478 = arith.andi %ne3A_474, %ne3A_477 : i1
    %sub3A_479 = arith.constant 1 : i32
    %sub3A_480 = arith.subi %div3A_459, %sub3A_479 : i32
    %select_n3A_481 = arith.select %and3A_478, %sub3A_480, %div3A_459 : i32
    %mul3A_482 = arith.constant 128 : i32
    %mul3A_483 = arith.muli %select_n3A_481, %mul3A_482 : i32
    %sub3A_484 = arith.subi %add3A_457, %mul3A_483 : i32
    %dma_wait3A_485 = arith.constant 199 : i32
    %dma_wait3A_486 = arith.constant 0 : i32
    %dma_wait3A_487 = tpu.memref_slice %arg5[%dma_wait3A_485, %dma_wait3A_486] : memref<200x128xi32, #tpu.memory_space<vmem>> -> memref<1x128xi32, #tpu.memory_space<vmem>>
    %dma_wait3A_488 = tpu.memref_squeeze %dma_wait3A_487 : memref<1x128xi32, #tpu.memory_space<vmem>> -> memref<128xi32, #tpu.memory_space<vmem>>
    %dma_wait3A_489 = arith.constant 0 : i32
    %dma_wait3A_490 = arith.constant 0 : i32
    %dma_wait3A_491 = tpu.memref_slice %arg3[%dma_wait3A_489, %dma_wait3A_490] : memref<1000000x64xf32, #tpu.memory_space<hbm>> -> memref<1000000x64xf32, #tpu.memory_space<hbm>>
    tpu.wait_indirect_dma semaphore(%arg11 : memref<!tpu.dma_semaphore, #tpu.memory_space<semaphore_mem>>) src(%dma_wait3A_491 : memref<1000000x64xf32, #tpu.memory_space<hbm>>) dst(%arg7 : memref<128x64xf32, #tpu.memory_space<vmem>>)
    %dma_wait3A_492 = arith.constant 0 : i32
    %dma_wait3A_493 = arith.constant 0 : i32
    %dma_wait3A_494 = arith.constant 0 : i32
    %dma_wait3A_495 = arith.constant 0 : i32
    %dma_wait3A_496 = arith.constant 0 : i32
    %dma_wait3A_497 = tpu.memref_slice %arg9[%dma_wait3A_494, %dma_wait3A_495, %dma_wait3A_496] : memref<8x8x133xf32, #tpu.memory_space<vmem>> -> memref<8x8x128xf32, #tpu.memory_space<vmem>>
    %dma_wait3A_498 = arith.constant 0 : i32
    %dma_wait3A_499 = arith.constant 0 : i32
    %dma_wait3A_500 = arith.constant 0 : i32
    %dma_wait3A_501 = tpu.memref_slice %arg4[%dma_wait3A_492, %dma_wait3A_498, %dma_wait3A_493, %dma_wait3A_499, %dma_wait3A_500] : memref<50x8x128x8x128xf32, #tpu.memory_space<hbm>> -> memref<1x8x1x8x128xf32, #tpu.memory_space<hbm>>
    %dma_wait3A_502 = tpu.memref_squeeze %dma_wait3A_501 : memref<1x8x1x8x128xf32, #tpu.memory_space<hbm>> -> memref<8x8x128xf32, #tpu.memory_space<hbm>>
    %dma_wait3A_503 = arith.constant 0 : i32
    %dma_wait3A_504 = arith.constant 0 : i32
    %dma_wait3A_505 = arith.constant 0 : i32
    %dma_wait3A_506 = tpu.memref_slice %arg4[%dma_wait3A_492, %dma_wait3A_503, %dma_wait3A_493, %dma_wait3A_504, %dma_wait3A_505] : memref<50x8x128x8x128xf32, #tpu.memory_space<hbm>> -> memref<1x8x1x8x128xf32, #tpu.memory_space<hbm>>
    %dma_wait3A_507 = tpu.memref_squeeze %dma_wait3A_506 : memref<1x8x1x8x128xf32, #tpu.memory_space<hbm>> -> memref<8x8x128xf32, #tpu.memory_space<hbm>>
    %dma_wait3A_508 = arith.constant 0 : i32
    %dma_wait3A_509 = arith.constant 0 : i32
    %dma_wait3A_510 = arith.constant 0 : i32
    %dma_wait3A_511 = tpu.memref_slice %arg9[%dma_wait3A_508, %dma_wait3A_509, %dma_wait3A_510] : memref<8x8x133xf32, #tpu.memory_space<vmem>> -> memref<8x8x128xf32, #tpu.memory_space<vmem>>
    tpu.wait_dma2 semaphore(%arg13 : memref<!tpu.dma_semaphore, #tpu.memory_space<semaphore_mem>>) src(%dma_wait3A_511 : memref<8x8x128xf32, #tpu.memory_space<vmem>>) dst(%dma_wait3A_507 : memref<8x8x128xf32, #tpu.memory_space<hbm>>)
    %scan3A_512 = arith.constant 0 : i32
    %scan3A_513 = arith.constant 128 : i32
    %scan3A_514 = arith.addi %scan3A_512, %scan3A_513 : i32
    %scan3A_515 = arith.constant 4 : i32
    scf.for %scan3A_575 = %scan3A_512 to %scan3A_514 step %scan3A_515  : i32 {
      %mul3A_576 = arith.constant 1 : i32
      %mul3A_577 = arith.muli %scan3A_575, %mul3A_576 : i32
      %add3A_578 = arith.constant 0 : i32
      %add3A_579 = arith.addi %add3A_578, %mul3A_577 : i32
      %mul3A_580 = arith.constant 0 : i32
      %mul3A_581 = vector.broadcast %mul3A_580 : i32 to vector<16xi32>
      %mul3A_582 = arith.muli %iota3A, %mul3A_581 : vector<16xi32>
      %add3A_583 = vector.broadcast %add3A_579 : i32 to vector<16xi32>
      %add3A_584 = arith.addi %mul3A_582, %add3A_583 : vector<16xi32>
      %get3A = arith.index_cast %add3A_579 : i32 to index
      %get3A_585 = arith.constant 0 : index
      %get3A_586 = tpu.vector_load %arg7[%get3A, %get3A_585] {strides = array<i32>} : memref<128x64xf32, #tpu.memory_space<vmem>>, vector<16xf32>,
      %mul3A_587 = arith.constant 8.000000e+00 : f32
      %mul3A_588 = vector.broadcast %mul3A_587 : f32 to vector<16xf32>
      %mul3A_589 = arith.mulf %get3A_586, %mul3A_588 : vector<16xf32>
      tpu.vector_store_idx %arg9[%select_n3A, %select_n3A_153, %add3A_584], %mul3A_589 : memref<8x8x133xf32, #tpu.memory_space<vmem>>[vector<16xi32>, vector<16xi32>, vector<16xi32>], vector<16xf32>,
      %get3A_590 = arith.index_cast %add3A_579 : i32 to index
      %get3A_591 = arith.constant 16 : index
      %get3A_592 = tpu.vector_load %arg7[%get3A_590, %get3A_591] {strides = array<i32>} : memref<128x64xf32, #tpu.memory_space<vmem>>, vector<16xf32>,
      %mul3A_593 = arith.constant 8.000000e+00 : f32
      %mul3A_594 = vector.broadcast %mul3A_593 : f32 to vector<16xf32>
      %mul3A_595 = arith.mulf %get3A_592, %mul3A_594 : vector<16xf32>
      tpu.vector_store_idx %arg9[%select_n3A_62, %select_n3A_178, %add3A_584], %mul3A_595 : memref<8x8x133xf32, #tpu.memory_space<vmem>>[vector<16xi32>, vector<16xi32>, vector<16xi32>], vector<16xf32>,
      %get3A_596 = arith.index_cast %add3A_579 : i32 to index
      %get3A_597 = arith.constant 32 : index
      %get3A_598 = tpu.vector_load %arg7[%get3A_596, %get3A_597] {strides = array<i32>} : memref<128x64xf32, #tpu.memory_space<vmem>>, vector<16xf32>,
      %mul3A_599 = arith.constant 8.000000e+00 : f32
      %mul3A_600 = vector.broadcast %mul3A_599 : f32 to vector<16xf32>
      %mul3A_601 = arith.mulf %get3A_598, %mul3A_600 : vector<16xf32>
      tpu.vector_store_idx %arg9[%select_n3A_96, %select_n3A_203, %add3A_584], %mul3A_601 : memref<8x8x133xf32, #tpu.memory_space<vmem>>[vector<16xi32>, vector<16xi32>, vector<16xi32>], vector<16xf32>,
      %get3A_602 = arith.index_cast %add3A_579 : i32 to index
      %get3A_603 = arith.constant 48 : index
      %get3A_604 = tpu.vector_load %arg7[%get3A_602, %get3A_603] {strides = array<i32>} : memref<128x64xf32, #tpu.memory_space<vmem>>, vector<16xf32>,
      %mul3A_605 = arith.constant 8.000000e+00 : f32
      %mul3A_606 = vector.broadcast %mul3A_605 : f32 to vector<16xf32>
      %mul3A_607 = arith.mulf %get3A_604, %mul3A_606 : vector<16xf32>
      tpu.vector_store_idx %arg9[%select_n3A_130, %select_n3A_228, %add3A_584], %mul3A_607 : memref<8x8x133xf32, #tpu.memory_space<vmem>>[vector<16xi32>, vector<16xi32>, vector<16xi32>], vector<16xf32>,
      %scan3A_608 = arith.constant 1 : i32
      %scan3A_609 = arith.addi %scan3A_575, %scan3A_608 : i32
      %mul3A_610 = arith.constant 1 : i32
      %mul3A_611 = arith.muli %scan3A_609, %mul3A_610 : i32
      %add3A_612 = arith.constant 0 : i32
      %add3A_613 = arith.addi %add3A_612, %mul3A_611 : i32
      %mul3A_614 = arith.constant 0 : i32
      %mul3A_615 = vector.broadcast %mul3A_614 : i32 to vector<16xi32>
      %mul3A_616 = arith.muli %iota3A, %mul3A_615 : vector<16xi32>
      %add3A_617 = vector.broadcast %add3A_613 : i32 to vector<16xi32>
      %add3A_618 = arith.addi %mul3A_616, %add3A_617 : vector<16xi32>
      %get3A_619 = arith.index_cast %add3A_613 : i32 to index
      %get3A_620 = arith.constant 0 : index
      %get3A_621 = tpu.vector_load %arg7[%get3A_619, %get3A_620] {strides = array<i32>} : memref<128x64xf32, #tpu.memory_space<vmem>>, vector<16xf32>,
      %mul3A_622 = arith.constant 8.000000e+00 : f32
      %mul3A_623 = vector.broadcast %mul3A_622 : f32 to vector<16xf32>
      %mul3A_624 = arith.mulf %get3A_621, %mul3A_623 : vector<16xf32>
      tpu.vector_store_idx %arg9[%select_n3A, %select_n3A_153, %add3A_618], %mul3A_624 : memref<8x8x133xf32, #tpu.memory_space<vmem>>[vector<16xi32>, vector<16xi32>, vector<16xi32>], vector<16xf32>,
      %get3A_625 = arith.index_cast %add3A_613 : i32 to index
      %get3A_626 = arith.constant 16 : index
      %get3A_627 = tpu.vector_load %arg7[%get3A_625, %get3A_626] {strides = array<i32>} : memref<128x64xf32, #tpu.memory_space<vmem>>, vector<16xf32>,
      %mul3A_628 = arith.constant 8.000000e+00 : f32
      %mul3A_629 = vector.broadcast %mul3A_628 : f32 to vector<16xf32>
      %mul3A_630 = arith.mulf %get3A_627, %mul3A_629 : vector<16xf32>
      tpu.vector_store_idx %arg9[%select_n3A_62, %select_n3A_178, %add3A_618], %mul3A_630 : memref<8x8x133xf32, #tpu.memory_space<vmem>>[vector<16xi32>, vector<16xi32>, vector<16xi32>], vector<16xf32>,
      %get3A_631 = arith.index_cast %add3A_613 : i32 to index
      %get3A_632 = arith.constant 32 : index
      %get3A_633 = tpu.vector_load %arg7[%get3A_631, %get3A_632] {strides = array<i32>} : memref<128x64xf32, #tpu.memory_space<vmem>>, vector<16xf32>,
      %mul3A_634 = arith.constant 8.000000e+00 : f32
      %mul3A_635 = vector.broadcast %mul3A_634 : f32 to vector<16xf32>
      %mul3A_636 = arith.mulf %get3A_633, %mul3A_635 : vector<16xf32>
      tpu.vector_store_idx %arg9[%select_n3A_96, %select_n3A_203, %add3A_618], %mul3A_636 : memref<8x8x133xf32, #tpu.memory_space<vmem>>[vector<16xi32>, vector<16xi32>, vector<16xi32>], vector<16xf32>,
      %get3A_637 = arith.index_cast %add3A_613 : i32 to index
      %get3A_638 = arith.constant 48 : index
      %get3A_639 = tpu.vector_load %arg7[%get3A_637, %get3A_638] {strides = array<i32>} : memref<128x64xf32, #tpu.memory_space<vmem>>, vector<16xf32>,
      %mul3A_640 = arith.constant 8.000000e+00 : f32
      %mul3A_641 = vector.broadcast %mul3A_640 : f32 to vector<16xf32>
      %mul3A_642 = arith.mulf %get3A_639, %mul3A_641 : vector<16xf32>
      tpu.vector_store_idx %arg9[%select_n3A_130, %select_n3A_228, %add3A_618], %mul3A_642 : memref<8x8x133xf32, #tpu.memory_space<vmem>>[vector<16xi32>, vector<16xi32>, vector<16xi32>], vector<16xf32>,
      %scan3A_643 = arith.constant 2 : i32
      %scan3A_644 = arith.addi %scan3A_575, %scan3A_643 : i32
      %mul3A_645 = arith.constant 1 : i32
      %mul3A_646 = arith.muli %scan3A_644, %mul3A_645 : i32
      %add3A_647 = arith.constant 0 : i32
      %add3A_648 = arith.addi %add3A_647, %mul3A_646 : i32
      %mul3A_649 = arith.constant 0 : i32
      %mul3A_650 = vector.broadcast %mul3A_649 : i32 to vector<16xi32>
      %mul3A_651 = arith.muli %iota3A, %mul3A_650 : vector<16xi32>
      %add3A_652 = vector.broadcast %add3A_648 : i32 to vector<16xi32>
      %add3A_653 = arith.addi %mul3A_651, %add3A_652 : vector<16xi32>
      %get3A_654 = arith.index_cast %add3A_648 : i32 to index
      %get3A_655 = arith.constant 0 : index
      %get3A_656 = tpu.vector_load %arg7[%get3A_654, %get3A_655] {strides = array<i32>} : memref<128x64xf32, #tpu.memory_space<vmem>>, vector<16xf32>,
      %mul3A_657 = arith.constant 8.000000e+00 : f32
      %mul3A_658 = vector.broadcast %mul3A_657 : f32 to vector<16xf32>
      %mul3A_659 = arith.mulf %get3A_656, %mul3A_658 : vector<16xf32>
      tpu.vector_store_idx %arg9[%select_n3A, %select_n3A_153, %add3A_653], %mul3A_659 : memref<8x8x133xf32, #tpu.memory_space<vmem>>[vector<16xi32>, vector<16xi32>, vector<16xi32>], vector<16xf32>,
      %get3A_660 = arith.index_cast %add3A_648 : i32 to index
      %get3A_661 = arith.constant 16 : index
      %get3A_662 = tpu.vector_load %arg7[%get3A_660, %get3A_661] {strides = array<i32>} : memref<128x64xf32, #tpu.memory_space<vmem>>, vector<16xf32>,
      %mul3A_663 = arith.constant 8.000000e+00 : f32
      %mul3A_664 = vector.broadcast %mul3A_663 : f32 to vector<16xf32>
      %mul3A_665 = arith.mulf %get3A_662, %mul3A_664 : vector<16xf32>
      tpu.vector_store_idx %arg9[%select_n3A_62, %select_n3A_178, %add3A_653], %mul3A_665 : memref<8x8x133xf32, #tpu.memory_space<vmem>>[vector<16xi32>, vector<16xi32>, vector<16xi32>], vector<16xf32>,
      %get3A_666 = arith.index_cast %add3A_648 : i32 to index
      %get3A_667 = arith.constant 32 : index
      %get3A_668 = tpu.vector_load %arg7[%get3A_666, %get3A_667] {strides = array<i32>} : memref<128x64xf32, #tpu.memory_space<vmem>>, vector<16xf32>,
      %mul3A_669 = arith.constant 8.000000e+00 : f32
      %mul3A_670 = vector.broadcast %mul3A_669 : f32 to vector<16xf32>
      %mul3A_671 = arith.mulf %get3A_668, %mul3A_670 : vector<16xf32>
      tpu.vector_store_idx %arg9[%select_n3A_96, %select_n3A_203, %add3A_653], %mul3A_671 : memref<8x8x133xf32, #tpu.memory_space<vmem>>[vector<16xi32>, vector<16xi32>, vector<16xi32>], vector<16xf32>,
      %get3A_672 = arith.index_cast %add3A_648 : i32 to index
      %get3A_673 = arith.constant 48 : index
      %get3A_674 = tpu.vector_load %arg7[%get3A_672, %get3A_673] {strides = array<i32>} : memref<128x64xf32, #tpu.memory_space<vmem>>, vector<16xf32>,
      %mul3A_675 = arith.constant 8.000000e+00 : f32
      %mul3A_676 = vector.broadcast %mul3A_675 : f32 to vector<16xf32>
      %mul3A_677 = arith.mulf %get3A_674, %mul3A_676 : vector<16xf32>
      tpu.vector_store_idx %arg9[%select_n3A_130, %select_n3A_228, %add3A_653], %mul3A_677 : memref<8x8x133xf32, #tpu.memory_space<vmem>>[vector<16xi32>, vector<16xi32>, vector<16xi32>], vector<16xf32>,
      %scan3A_678 = arith.constant 3 : i32
      %scan3A_679 = arith.addi %scan3A_575, %scan3A_678 : i32
      %mul3A_680 = arith.constant 1 : i32
      %mul3A_681 = arith.muli %scan3A_679, %mul3A_680 : i32
      %add3A_682 = arith.constant 0 : i32
      %add3A_683 = arith.addi %add3A_682, %mul3A_681 : i32
      %mul3A_684 = arith.constant 0 : i32
      %mul3A_685 = vector.broadcast %mul3A_684 : i32 to vector<16xi32>
      %mul3A_686 = arith.muli %iota3A, %mul3A_685 : vector<16xi32>
      %add3A_687 = vector.broadcast %add3A_683 : i32 to vector<16xi32>
      %add3A_688 = arith.addi %mul3A_686, %add3A_687 : vector<16xi32>
      %get3A_689 = arith.index_cast %add3A_683 : i32 to index
      %get3A_690 = arith.constant 0 : index
      %get3A_691 = tpu.vector_load %arg7[%get3A_689, %get3A_690] {strides = array<i32>} : memref<128x64xf32, #tpu.memory_space<vmem>>, vector<16xf32>,
      %mul3A_692 = arith.constant 8.000000e+00 : f32
      %mul3A_693 = vector.broadcast %mul3A_692 : f32 to vector<16xf32>
      %mul3A_694 = arith.mulf %get3A_691, %mul3A_693 : vector<16xf32>
      tpu.vector_store_idx %arg9[%select_n3A, %select_n3A_153, %add3A_688], %mul3A_694 : memref<8x8x133xf32, #tpu.memory_space<vmem>>[vector<16xi32>, vector<16xi32>, vector<16xi32>], vector<16xf32>,
      %get3A_695 = arith.index_cast %add3A_683 : i32 to index
      %get3A_696 = arith.constant 16 : index
      %get3A_697 = tpu.vector_load %arg7[%get3A_695, %get3A_696] {strides = array<i32>} : memref<128x64xf32, #tpu.memory_space<vmem>>, vector<16xf32>,
      %mul3A_698 = arith.constant 8.000000e+00 : f32
      %mul3A_699 = vector.broadcast %mul3A_698 : f32 to vector<16xf32>
      %mul3A_700 = arith.mulf %get3A_697, %mul3A_699 : vector<16xf32>
      tpu.vector_store_idx %arg9[%select_n3A_62, %select_n3A_178, %add3A_688], %mul3A_700 : memref<8x8x133xf32, #tpu.memory_space<vmem>>[vector<16xi32>, vector<16xi32>, vector<16xi32>], vector<16xf32>,
      %get3A_701 = arith.index_cast %add3A_683 : i32 to index
      %get3A_702 = arith.constant 32 : index
      %get3A_703 = tpu.vector_load %arg7[%get3A_701, %get3A_702] {strides = array<i32>} : memref<128x64xf32, #tpu.memory_space<vmem>>, vector<16xf32>,
      %mul3A_704 = arith.constant 8.000000e+00 : f32
      %mul3A_705 = vector.broadcast %mul3A_704 : f32 to vector<16xf32>
      %mul3A_706 = arith.mulf %get3A_703, %mul3A_705 : vector<16xf32>
      tpu.vector_store_idx %arg9[%select_n3A_96, %select_n3A_203, %add3A_688], %mul3A_706 : memref<8x8x133xf32, #tpu.memory_space<vmem>>[vector<16xi32>, vector<16xi32>, vector<16xi32>], vector<16xf32>,
      %get3A_707 = arith.index_cast %add3A_683 : i32 to index
      %get3A_708 = arith.constant 48 : index
      %get3A_709 = tpu.vector_load %arg7[%get3A_707, %get3A_708] {strides = array<i32>} : memref<128x64xf32, #tpu.memory_space<vmem>>, vector<16xf32>,
      %mul3A_710 = arith.constant 8.000000e+00 : f32
      %mul3A_711 = vector.broadcast %mul3A_710 : f32 to vector<16xf32>
      %mul3A_712 = arith.mulf %get3A_709, %mul3A_711 : vector<16xf32>
      tpu.vector_store_idx %arg9[%select_n3A_130, %select_n3A_228, %add3A_688], %mul3A_712 : memref<8x8x133xf32, #tpu.memory_space<vmem>>[vector<16xi32>, vector<16xi32>, vector<16xi32>], vector<16xf32>,
    }
    %scan3A_516 = arith.constant 128 : i32
    %dma_start3A_517 = arith.constant 0 : i32
    %dma_start3A_518 = arith.constant 0 : i32
    %dma_start3A_519 = arith.constant 0 : i32
    %dma_start3A_520 = tpu.memref_slice %arg9[%dma_start3A_517, %dma_start3A_518, %dma_start3A_519] : memref<8x8x133xf32, #tpu.memory_space<vmem>> -> memref<8x8x128xf32, #tpu.memory_space<vmem>>
    %dma_start3A_521 = arith.constant 0 : i32
    %dma_start3A_522 = arith.constant 0 : i32
    %dma_start3A_523 = arith.constant 0 : i32
    %dma_start3A_524 = tpu.memref_slice %arg4[%select_n3A_481, %dma_start3A_521, %sub3A_484, %dma_start3A_522, %dma_start3A_523] : memref<50x8x128x8x128xf32, #tpu.memory_space<hbm>> -> memref<1x8x1x8x128xf32, #tpu.memory_space<hbm>>
    %dma_start3A_525 = tpu.memref_squeeze %dma_start3A_524 : memref<1x8x1x8x128xf32, #tpu.memory_space<hbm>> -> memref<8x8x128xf32, #tpu.memory_space<hbm>>
    %dma_start3A_526 = arith.constant 0 : i32
    %dma_start3A_527 = arith.constant 0 : i32
    %dma_start3A_528 = arith.constant 0 : i32
    %dma_start3A_529 = tpu.memref_slice %arg4[%select_n3A_481, %dma_start3A_526, %sub3A_484, %dma_start3A_527, %dma_start3A_528] : memref<50x8x128x8x128xf32, #tpu.memory_space<hbm>> -> memref<1x8x1x8x128xf32, #tpu.memory_space<hbm>>
    %dma_start3A_530 = tpu.memref_squeeze %dma_start3A_529 : memref<1x8x1x8x128xf32, #tpu.memory_space<hbm>> -> memref<8x8x128xf32, #tpu.memory_space<hbm>>
    %dma_start3A_531 = arith.constant 0 : i32
    %dma_start3A_532 = arith.constant 0 : i32
    %dma_start3A_533 = arith.constant 0 : i32
    %dma_start3A_534 = tpu.memref_slice %arg9[%dma_start3A_531, %dma_start3A_532, %dma_start3A_533] : memref<8x8x133xf32, #tpu.memory_space<vmem>> -> memref<8x8x128xf32, #tpu.memory_space<vmem>>
    tpu.enqueue_dma source(%dma_start3A_534 : memref<8x8x128xf32, #tpu.memory_space<vmem>>) target(%dma_start3A_530 : memref<8x8x128xf32, #tpu.memory_space<hbm>>) target_semaphore(%arg13 : memref<!tpu.dma_semaphore, #tpu.memory_space<semaphore_mem>>)
    %dma_wait3A_535 = arith.constant 0 : i32
    %dma_wait3A_536 = arith.constant 0 : i32
    %dma_wait3A_537 = arith.constant 0 : i32
    %dma_wait3A_538 = arith.constant 0 : i32
    %dma_wait3A_539 = arith.constant 0 : i32
    %dma_wait3A_540 = tpu.memref_slice %arg8[%dma_wait3A_537, %dma_wait3A_538, %dma_wait3A_539] : memref<8x8x133xf32, #tpu.memory_space<vmem>> -> memref<8x8x128xf32, #tpu.memory_space<vmem>>
    %dma_wait3A_541 = arith.constant 0 : i32
    %dma_wait3A_542 = arith.constant 0 : i32
    %dma_wait3A_543 = arith.constant 0 : i32
    %dma_wait3A_544 = tpu.memref_slice %arg4[%dma_wait3A_535, %dma_wait3A_541, %dma_wait3A_536, %dma_wait3A_542, %dma_wait3A_543] : memref<50x8x128x8x128xf32, #tpu.memory_space<hbm>> -> memref<1x8x1x8x128xf32, #tpu.memory_space<hbm>>
    %dma_wait3A_545 = tpu.memref_squeeze %dma_wait3A_544 : memref<1x8x1x8x128xf32, #tpu.memory_space<hbm>> -> memref<8x8x128xf32, #tpu.memory_space<hbm>>
    %dma_wait3A_546 = arith.constant 0 : i32
    %dma_wait3A_547 = arith.constant 0 : i32
    %dma_wait3A_548 = arith.constant 0 : i32
    %dma_wait3A_549 = tpu.memref_slice %arg4[%dma_wait3A_535, %dma_wait3A_546, %dma_wait3A_536, %dma_wait3A_547, %dma_wait3A_548] : memref<50x8x128x8x128xf32, #tpu.memory_space<hbm>> -> memref<1x8x1x8x128xf32, #tpu.memory_space<hbm>>
    %dma_wait3A_550 = tpu.memref_squeeze %dma_wait3A_549 : memref<1x8x1x8x128xf32, #tpu.memory_space<hbm>> -> memref<8x8x128xf32, #tpu.memory_space<hbm>>
    %dma_wait3A_551 = arith.constant 0 : i32
    %dma_wait3A_552 = arith.constant 0 : i32
    %dma_wait3A_553 = arith.constant 0 : i32
    %dma_wait3A_554 = tpu.memref_slice %arg8[%dma_wait3A_551, %dma_wait3A_552, %dma_wait3A_553] : memref<8x8x133xf32, #tpu.memory_space<vmem>> -> memref<8x8x128xf32, #tpu.memory_space<vmem>>
    tpu.wait_dma2 semaphore(%arg12 : memref<!tpu.dma_semaphore, #tpu.memory_space<semaphore_mem>>) src(%dma_wait3A_554 : memref<8x8x128xf32, #tpu.memory_space<vmem>>) dst(%dma_wait3A_550 : memref<8x8x128xf32, #tpu.memory_space<hbm>>)
    %dma_wait3A_555 = arith.constant 0 : i32
    %dma_wait3A_556 = arith.constant 0 : i32
    %dma_wait3A_557 = arith.constant 0 : i32
    %dma_wait3A_558 = arith.constant 0 : i32
    %dma_wait3A_559 = arith.constant 0 : i32
    %dma_wait3A_560 = tpu.memref_slice %arg9[%dma_wait3A_557, %dma_wait3A_558, %dma_wait3A_559] : memref<8x8x133xf32, #tpu.memory_space<vmem>> -> memref<8x8x128xf32, #tpu.memory_space<vmem>>
    %dma_wait3A_561 = arith.constant 0 : i32
    %dma_wait3A_562 = arith.constant 0 : i32
    %dma_wait3A_563 = arith.constant 0 : i32
    %dma_wait3A_564 = tpu.memref_slice %arg4[%dma_wait3A_555, %dma_wait3A_561, %dma_wait3A_556, %dma_wait3A_562, %dma_wait3A_563] : memref<50x8x128x8x128xf32, #tpu.memory_space<hbm>> -> memref<1x8x1x8x128xf32, #tpu.memory_space<hbm>>
    %dma_wait3A_565 = tpu.memref_squeeze %dma_wait3A_564 : memref<1x8x1x8x128xf32, #tpu.memory_space<hbm>> -> memref<8x8x128xf32, #tpu.memory_space<hbm>>
    %dma_wait3A_566 = arith.constant 0 : i32
    %dma_wait3A_567 = arith.constant 0 : i32
    %dma_wait3A_568 = arith.constant 0 : i32
    %dma_wait3A_569 = tpu.memref_slice %arg4[%dma_wait3A_555, %dma_wait3A_566, %dma_wait3A_556, %dma_wait3A_567, %dma_wait3A_568] : memref<50x8x128x8x128xf32, #tpu.memory_space<hbm>> -> memref<1x8x1x8x128xf32, #tpu.memory_space<hbm>>
    %dma_wait3A_570 = tpu.memref_squeeze %dma_wait3A_569 : memref<1x8x1x8x128xf32, #tpu.memory_space<hbm>> -> memref<8x8x128xf32, #tpu.memory_space<hbm>>
    %dma_wait3A_571 = arith.constant 0 : i32
    %dma_wait3A_572 = arith.constant 0 : i32
    %dma_wait3A_573 = arith.constant 0 : i32
    %dma_wait3A_574 = tpu.memref_slice %arg9[%dma_wait3A_571, %dma_wait3A_572, %dma_wait3A_573] : memref<8x8x133xf32, #tpu.memory_space<vmem>> -> memref<8x8x128xf32, #tpu.memory_space<vmem>>
    tpu.wait_dma2 semaphore(%arg13 : memref<!tpu.dma_semaphore, #tpu.memory_space<semaphore_mem>>) src(%dma_wait3A_574 : memref<8x8x128xf32, #tpu.memory_space<vmem>>) dst(%dma_wait3A_570 : memref<8x8x128xf32, #tpu.memory_space<hbm>>)
    return
  }
}

</mosaic_0001>

<sc_bundles>
// kernel: kernel.3.cloned.1.call-start
scs
__scs_entry_jumppad:
0x0: {  	(pc) =	sbr.rel $0x88, $3  }
0x1: {  	(tag) =	ssettag $0x0;
	lr =	simm.s32 $0x1  }
0x2: {  	[smem:$0x3F9F] =	sst lr;
	_ =	strace $0xD0000000  }
0x3: {  	_ = 	snop  }
0x4: {  	_ = 	snop  }
0x5: {  	_ = 	snop  }
0x6: {  	_ = 	snop  }
0x7: {  	_ = 	snop  }
__scs_overlays_trampoline_lowered:
0x8: {  	[smem:$0x3FAE] =	sst s0  }
0x9: {  	[smem:$0x3FAF] =	sst s1  }
0xa: {  	[smem:$0x3FB0] =	sst s2  }
0xb: {  	[smem:$0x3FB1] =	sst s3  }
0xc: {  	[smem:$0x3FB2] =	sst s4  }
0xd: {  	[smem:$0x3FB3] =	sst s5  }
0xe: {  	[smem:$0x3FB4] =	sst s6  }
0xf: {  	[smem:$0x3FB5] =	sst s7  }
0x10: {  	[smem:$0x3FB6] =	sst s8  }
0x11: {  	[smem:$0x3FB7] =	sst s9;
	s0 =	simm.s32 @!p0 $0x0  }
0x12: {  	s1 =	sld [smem:$0x3F9D];
	s0 =	simm.s32 @p0 $0x1  }
0x13: {  	[smem:$0x3FB8] =	sst s0;
	s0 =	simm.s32 @!p1 $0x0  }
0x14: {  	s2 =	sld [smem:$0x3F9C];
	s0 =	simm.s32 @p1 $0x1  }
0x15: {  	[smem:$0x3FB9] =	sst s0;
	s0 =	simm.s32 @!p2 $0x0  }
0x16: {  	s3 =	sld [smem:$0x3FDB];
	s0 =	simm.s32 @p2 $0x1  }
0x17: {  	s4 =	simm.s32 $0x1BF5;
	[smem:$0x3FBB] =	sst s0  }
0x18: {  	s0 =	sld [smem:$0x3F9E];
	_ =	swait.ge [sflag:s4], $0x0  }
0x19: {  	s7 =	sld [smem:$0x3F9F]  }
0x1a: {  	s8 =	sadd.s32 $0xFFFFE003, lr  }
0x1b: {  	s9 =	sadd.s32 $0xFFFFFEF7, lr;
	s5 =	simm.s32 $0xFFFFFFFF;
	p2 =	slt.u32 s8, $0xFFFFF086  }
0x1c: {  	p1 =	slt.u32 s9, $0xF7A;
	s5 =	simm.s32 @!p2 $0x0  }
0x1d: {  	s5 =	simm.s32 @p1 $0x1;
	p0 =	seq.s32 s7, s2  }
0x1e: {  	s7 =	smul.u32 @!p0 $0xF7A, s2;
	p2 =	seq.s32 @!p0 s5, $0x0  }
0x1f: {  	s9 =	smul.u32 $0xF7A, s1;
	s8 =	simm.s32 @!p0 $0x1BF5;
	p2 =	por !p2, p0  }
0x20: {  	[sflag:s8] =	ssyncset.s32 @!p0 $0xFFFFF086;
	s6 =	sadd.s32 @!p0 s3, s7;
	s7 =	simm.s32 @!p0 $0x108  }
0x21: {  	s3 =	sadd.s32 s3, s9;
	s6 =	sadd.s32 @!p0 $0x88, s6;
	s7 =	simm.s32 @p2 $0x1082  }
0x22: {  	[simem:s7], [sflag:s8] =	dma.local @!p0 [hbm:s6], $0xF7A  }
0x23: {  	s9 =	sor.u32 $0xD0000000, s2;
	s6 =	simm.s32 $0x108;
	_ =	swait.ge @!p0 [sflag:s8], $0x0  }
0x24: {  	s3 =	sadd.s32 $0x88, s3;
	s6 =	simm.s32 @!p1 $0x1082;
	[sflag:s4] =	ssyncset.s32 $0xFFFFF086  }
0x25: {  	[simem:s6], [sflag:s4] =	dma.local [hbm:s3], $0xF7A  }
0x26: {  	[smem:$0x3F9F] =	sst s1;
	(tag) =	ssettag s2;
	_ =	strace s9  }
0x27: {  	s1 =	sld [smem:$0x3FAF]  }
0x28: {  	s2 =	sld [smem:$0x3FB0]  }
0x29: {  	s4 =	sld [smem:$0x3FB2]  }
0x2a: {  	p0 =	seq.s32 s5, $0x0;
	s5 =	sld [smem:$0x3FB3]  }
0x2b: {  	s6 =	sld [smem:$0x3FB4]  }
0x2c: {  	s7 =	sld [smem:$0x3FB5]  }
0x2d: {  	s3 =	simm.s32 $0x108;
	s8 =	sld [smem:$0x3FB6]  }
0x2e: {  	s3 =	simm.s32 @!p0 $0x1082;
	s9 =	sld [smem:$0x3FB7]  }
0x2f: {  	lr =	sadd.s32 s0, s3;
	s0 =	sld [smem:$0x3FAE]  }
0x30: {  	s3 =	sld [smem:$0x3FB1]  }
0x31: {  	[smem:$0x3FBA] =	sst s10  }
0x32: {  	s10 =	sld [smem:$0x3FB8];
	_ =	sdelay $0x3  }
0x33: {  	p0 =	seq.s32 s10, $0x1;
	s10 =	sld [smem:$0x3FBA];
	_ =	sdelay $0x3  }
0x34: {  	[smem:$0x3FBA] =	sst s10  }
0x35: {  	s10 =	sld [smem:$0x3FB9];
	_ =	sdelay $0x3  }
0x36: {  	p1 =	seq.s32 s10, $0x1;
	s10 =	sld [smem:$0x3FBA];
	_ =	sdelay $0x3  }
0x37: {  	[smem:$0x3FBA] =	sst s10  }
0x38: {  	s10 =	sld [smem:$0x3FBB]  }
0x39: {  	_ = 	snop;
	(pc) =	sbr.ind lr, $3  }
0x3a: {  	_ = 	snop  }
0x3b: {  	_ = 	snop  }
0x3c: {  	p2 =	seq.s32 s10, $0x1;
	s10 =	sld [smem:$0x3FBA]  }
0x3d: {  	_ =	shalt  }
0x3e: {  	_ =	shalt  }
0x3f: {  	_ =	shalt  }
0x40: {  	_ =	shalt  }
0x41: {  	_ =	shalt  }
0x42: {  	_ =	shalt  }
0x43: {  	_ =	shalt  }
0x44: {  	_ =	shalt  }
0x45: {  	_ =	shalt  }
0x46: {  	_ =	shalt  }
0x47: {  	_ =	shalt  }
0x48: {  	_ =	shalt  }
0x49: {  	_ =	shalt  }
0x4a: {  	_ =	shalt  }
0x4b: {  	_ =	shalt  }
0x4c: {  	_ =	shalt  }
0x4d: {  	_ =	shalt  }
0x4e: {  	_ =	shalt  }
0x4f: {  	_ =	shalt  }
0x50: {  	_ =	shalt  }
0x51: {  	_ =	shalt  }
0x52: {  	_ =	shalt  }
0x53: {  	_ =	shalt  }
0x54: {  	_ =	shalt  }
0x55: {  	_ =	shalt  }
0x56: {  	_ =	shalt  }
0x57: {  	_ =	shalt  }
0x58: {  	_ =	shalt  }
0x59: {  	_ =	shalt  }
0x5a: {  	_ =	shalt  }
0x5b: {  	_ =	shalt  }
0x5c: {  	_ =	shalt  }
0x5d: {  	_ =	shalt  }
0x5e: {  	_ =	shalt  }
0x5f: {  	_ =	shalt  }
0x60: {  	_ =	shalt  }
0x61: {  	_ =	shalt  }
0x62: {  	_ =	shalt  }
0x63: {  	_ =	shalt  }
0x64: {  	_ =	shalt  }
0x65: {  	_ =	shalt  }
0x66: {  	_ =	shalt  }
0x67: {  	_ =	shalt  }
0x68: {  	_ =	shalt  }
0x69: {  	_ =	shalt  }
0x6a: {  	_ =	shalt  }
0x6b: {  	_ =	shalt  }
0x6c: {  	_ =	shalt  }
0x6d: {  	_ =	shalt  }
0x6e: {  	_ =	shalt  }
0x6f: {  	_ =	shalt  }
0x70: {  	_ =	shalt  }
0x71: {  	_ =	shalt  }
0x72: {  	_ =	shalt  }
0x73: {  	_ =	shalt  }
0x74: {  	_ =	shalt  }
0x75: {  	_ =	shalt  }
0x76: {  	_ =	shalt  }
0x77: {  	_ =	shalt  }
0x78: {  	_ =	shalt  }
0x79: {  	_ =	shalt  }
0x7a: {  	_ =	shalt  }
0x7b: {  	_ =	shalt  }
0x7c: {  	_ =	shalt  }
0x7d: {  	_ =	shalt  }
0x7e: {  	_ =	shalt  }
0x7f: {  	_ =	shalt  }
0x80: {  	_ =	shalt  }
0x81: {  	_ =	shalt  }
0x82: {  	_ =	shalt  }
0x83: {  	_ =	shalt  }
0x84: {  	_ =	shalt  }
0x85: {  	_ =	shalt  }
0x86: {  	_ =	shalt  }
0x87: {  	_ =	shalt  }
.Lfunc_end0:
.L_simem_size_0:
called_computation_lowered:
.L_overlay_start_0:
0x88: {  	s2 =	sld [smem:$0x3FD9]  }
0x89: {  	s3 =	sld [smem:$0x3FFE];
	_ =	sdelay $0x1  }
0x8a: {  	s1 =	srdreg.scid  }
0x8b: {  	s0 =	sand.u32 $0x1, s1  }
0x8c: {  	s17 =	sshll.u32 s0, $0xA;
	s2 =	sadd.s32 s3, s2  }
0x8d: {  	s2 =	sadd.s32 s2, s17  }
0x8e: {  	[smem:$0x3FC6] =	sst s2  }
0x8f: {  	_ = 	snop  }
0x90: {  	s2 =	sld [smem:$0x3FD0];
	(tm) =	ssettm $0x1  }
0x91: {  	s18 =	sld [smem:$0x3FFB];
	_ =	sdelay $0x3  }
0x92: {  	_ =	strace s18  }
0x93: {  	s3 =	sld [smem:$0x3FFC];
	_ =	sdelay $0x3  }
0x94: {  	_ =	strace s3  }
0x95: {  	s3 =	sld [smem:$0x3FFD];
	_ =	sdelay $0x3  }
0x96: {  	_ =	strace s3  }
0x97: {  	_ =	strace $0x8FFFFFFF  }
0x98: {  	s19 =	sld [smem:$0x3FDB];
	_ =	sdelay $0x1  }
0x99: {  	s4 =	simm.s32 $_scs_section_size  }
0x9a: {  	s5 =	simm.s32 $_size__tile_overlayer_lowered;
	s6 =	simm.s32 $_tile_overlayer_lowered  }
0x9b: {  	s22 =	simm.s32 $0x1BFF;
	s21 =	sshll.u32 s6, $0x1;
	s3 =	sadd.s32 s4, s19  }
0x9c: {  	s7 =	simm.s32 $0x0;
	s20 =	sshll.u32 s5, $0x1;
	s5 =	sadd.s32 s21, s3  }
0x9d: {  	[timem:s7], [sflag:s22] =	dma.local [hbm:s5], s20  }
0x9e: {  	_ =	swait.ge [sflag:s22], s20  }
0x9f: {  	s4 =	ssub.s32 $0x0, s20;
	[sflag:s22] =	ssyncset.done $0x0  }
0xa0: {  	[sflag:s22] =	ssyncadd.s32 s4;
	_ =	sdelay $0x1  }
0xa1: {  	s23 =	simm.s32 $0x1B8B  }
0xa2: {  	_ =	swait.ge [sflag:s23], $0x1  }
0xa3: {  	[sflag:s23] =	ssyncset.done $0x0  }
0xa4: {  	s25 =	simm.s32 $0x1B8E;
	s24 =	sld [smem:$0x3FFE];
	[sflag:s23] =	ssyncadd.s32 $0xFFFFFFFF  }
0xa5: {  	s26 =	simm.s32 $execute0_lowered;
	[smem:$0x3FD2] =	sst s25  }
0xa6: {  	s5 =	sshll.u32 s26, $0x1;
	_ =	strace $0x80000046;
	[dreg:$0x1] =	wrdreg $0xFFFFFFFF  }
0xa7: {  	s28 =	simm.s32 $_size_execute0_lowered;
	s3 =	sadd.s32 s3, s5;
	[dreg:$0x0] =	wrdreg $0x0  }
0xa8: {  	s5 =	sshll.u32 s28, $0x1;
	[dreg:$0x2] =	wrdreg s3  }
0xa9: {  	[dreg:$0x3] =	wrdreg s5  }
0xaa: {  	[dreg:$0x4] =	wrdreg $0xC0  }
0xab: {  	_ =	task [dreg:s7], $0x5FFFF  }
0xac: {  	[dreg:$0x1] =	wrdreg $0xFFFFFFFF  }
0xad: {  	[dreg:$0x0] =	wrdreg $0x60  }
0xae: {  	[dreg:$0x2] =	wrdreg s24  }
0xaf: {  	[dreg:$0x3] =	wrdreg s2  }
0xb0: {  	[dreg:$0x4] =	wrdreg $0x9  }
0xb1: {  	_ =	task.clear_ibuf [dreg:s7], $0x5FFFF;
	_ =	strace $0x90000046  }
0xb2: {  	s29 =	simm.s32 $0x9;
	_ =	strace $0x80000048  }
0xb3: {  	_ =	swait.ge [sflag:s29], $0x1  }
0xb4: {  	[sflag:s29] =	ssyncadd.s32 $0xFFFFFFFF  }
0xb5: {  	_ =	strace $0x90000048  }
0xb6: {  	_ =	sfence  }
0xb7: {  	s30 =	sld [smem:$0x0];
	_ =	sdelay $0x2  }
0xb8: {  	s31 =	sshll.u32 s1, $0xD;
	s1 =	sshrl.u32 s1, $0x2  }
0xb9: {  	s3 =	sand.u32 $0x4000, s31;
	s1 =	sadd.s32 s1, s30  }
0xba: {  	s0 =	sor.u32 s3, s0;
	s1 =	sshll.u32 s1, $0x11  }
0xbb: {  	s0 =	sor.u32 s1, s0  }
0xbc: {  	s0 =	sadd.s32 $0x8F2B, s0  }
0xbd: {  	[sflag:s0] =	ssyncadd.remote.s32 $0x1  }
0xbe: {  	_ =	sfence.sel $0xFFFF  }
0xbf: {  	[dreg:$0x0] =	wrdreg $0xFFFFFFFF;
	(pc) =	sbr.abs _section_cstart, $3  }
0xc0: {  	[dreg:$0x1] =	wrdreg $0xFFFFFFFF  }
0xc1: {  	_ =	task.clear_ibuf [dreg:s7], $0x2FFFF;
	_ =	strace $0x9FFFFFFF  }
0xc2: {  	(tm) =	ssettm $0x7FFFFFFF  }
0xc3: {  	_ =	shalt  }
tec
execute0_lowered:
.L_overlay_start_1:
0x0: {  	(tag) =	ssettag $0x1  }
0x1: {  	s0 =	srdreg.scid  }
0x2: {  	s1 =	stileid.u32;
	s5 =	rddreg [dreg:$0x0]  }
0x3: {  	s2 =	rddreg [dreg:$0x1];
	s4 =	simm.s32 $0x0;
	s13 =	simm.s32 $0x80  }
0x4: {  	s14 =	simm.s32 $0x6400;
	s15 =	simm.s32 $0x8400;
	s16 =	simm.s32 $0x1  }
0x5: {  	s17 =	simm.s32 $0xA400;
	s19 =	simm.s32 $0x2;
	s20 =	simm.s32 $0xC600  }
0x6: {  	s21 =	simm.s32 $0x180;
	s0 =	sand.u32 $0x1, s0;
	s1 =	sshll.u32 s1, $0x1  }
0x7: {  	s22 =	simm.s32 $0x3;
	s23 =	simm.s32 $0x4;
	s1 =	sor.u32 s0, s1  }
0x8: {  	[smem:$0x7FF] =	sst s4;
	s0 =	ssub.s32 $0x2, s0;
	s3 =	smul.u32 $0xC8, s1  }
0x9: {  	_ =	strace $0x80000047;
	s6 =	smul.u32 $0xC80, s1;
	s24 =	sshrl.u32 s0, $0x1  }
0xa: {  	s1 =	smul.u32 $0x32000, s1;
	s0 =	ssub.s32 s0, s24;
	s24 =	simm.s32 $0x0  }
0xb: {  	s7 =	sshrl.u32 s3, $0x7;
	s6 =	sadd.s32 s6, s5;
	s5 =	sadd.s32 $0xF42A00, s5  }
0xc: {  	s25 =	sadd.s32 $0xC6, s3;
	s11 =	sadd.s32 $0xC7, s3;
	s8 =	sshll.u32 s7, $0x11  }
0xd: {  	s7 =	sshll.u32 s7, $0x14;
	s6 =	sadd.s32 $0x600, s6;
	s9 =	sshrl.u32 s25, $0x7  }
0xe: {  	s12 =	sshrl.u32 s11, $0x7;
	s26 =	sshll.u32 s11, $0xA;
	s11 =	smax.u32 s0, $0x1  }
0xf: {  	s1 =	ssub.s32 s1, s8;
	s10 =	sshll.u32 s9, $0x14;
	s8 =	sshll.u32 s25, $0xA  }
0x10: {  	s9 =	sshll.u32 s9, $0x11;
	s28 =	sshll.u32 s12, $0x11;
	s29 =	sshll.u32 s12, $0x14  }
0x11: {  	s12 =	simm.s32 $0x5;
	s1 =	sadd.s32 s7, s1;
	s8 =	ssub.s32 s8, s9  }
0x12: {  	v0 =	vlaneseq.u32;
	s9 =	ssub.s32 s26, s28;
	s7 =	sshrl.u32 s1, $0x3;
	s1 =	sor.u32 $0x400, s1  }
0x13: {  	v0 =	vmul.u32 $0x88, v0;
	s8 =	sadd.s32 s10, s8;
	s10 =	sadd.s32 s29, s9;
	s7 =	sadd.s32 s2, s7  }
0x14: {  	s1 =	sshrl.u32 s1, $0x3;
	s30 =	sshrl.u32 s8, $0x3;
	s31 =	sshrl.u32 s10, $0x3  }
0x15: {  	v1 =	vadd.s32 $0x880, v0;
	v2 =	vadd.s32 $0x1100, v0;
	v3 =	vadd.s32 $0x1980, v0;
	s8 =	sadd.s32 s2, s1;
	s9 =	sadd.s32 s2, s30;
	s10 =	sadd.s32 s2, s31  }
.LBB2_1:
0x16: {  	[tilespmem:s4], [sflag:$0x5] =	stream.linear.gather [hbm4b:s6+s4], $0x6400, $0x38;
	[tilespmem:$0xE800] =	vst v63  }
0x17: {  	_ =	swait.ge [sflag:s12], $0x6400  }
0x18: {  	[sflag:s12] =	ssyncset.done $0x0  }
0x19: {  	[sflag:s12] =	ssyncadd.s32 $0xFFFF9C00  }
0x1a: {  	[tilespmem:s14], [sflag:$0x1] =	stream.indirect.gather [hbm4b:s5+s13], $0x40, s4, s13, $0xb8;
	[tilespmem:$0xE800] =	vst v63  }
0x1b: {  	_ = 	snop  }
0x1c: {  	[tilespmem:s15], [sflag:$0x2] =	stream.indirect.gather [hbm4b:s5+s13], $0x40, s13, s13, $0xb8;
	[tilespmem:$0xE800] =	vst v63  }
0x1d: {  	_ =	swait.ge [sflag:s16], $0x2000  }
0x1e: {  	[sflag:s16] =	ssyncset.done $0x0  }
0x1f: {  	s25 =	simm.s32 $0x6480;
	[sflag:s16] =	ssyncadd.s32 $0xFFFFE000  }
0x20: {  	v4 =	vmov s4;
	v5 =	vld [tilespmem:s25+$0xFFFFFF80]  }
0x21: {  	v4 =	vand.u32 $0x7C, v4  }
0x22: {  	v6 =	vadd.s32 v0, v4;
	_ =	sdelay $0x2  }
0x23: {  	v5 =	vmul.f32 $8.000000000e+00, v5;
	_ =	sdelay $0x1  }
0x24: {  	[tilespmem:v6+s17+$0x0] =	vst.idx.msk $0xffff, v5  }
0x25: {  	v5 =	vld [tilespmem:s25+$0xFFFFFF90];
	_ =	sdelay $0x1  }
0x26: {  	v6 =	vadd.s32 v1, v4;
	_ =	sdelay $0x2  }
0x27: {  	v5 =	vmul.f32 $8.000000000e+00, v5;
	_ =	sdelay $0x1  }
0x28: {  	[tilespmem:v6+s17+$0x0] =	vst.idx.msk $0xffff, v5  }
0x29: {  	v5 =	vld [tilespmem:s25+$0xFFFFFFA0];
	_ =	sdelay $0x1  }
0x2a: {  	v6 =	vadd.s32 v2, v4;
	_ =	sdelay $0x2  }
0x2b: {  	v5 =	vmul.f32 $8.000000000e+00, v5;
	_ =	sdelay $0x1  }
0x2c: {  	[tilespmem:v6+s17+$0x0] =	vst.idx.msk $0xffff, v5  }
0x2d: {  	v5 =	vld [tilespmem:s25+$0xFFFFFFB0];
	_ =	sdelay $0x1  }
0x2e: {  	v4 =	vadd.s32 v3, v4;
	_ =	sdelay $0x2  }
0x2f: {  	v5 =	vmul.f32 $8.000000000e+00, v5;
	_ =	sdelay $0x1  }
0x30: {  	s0 =	simm.s32 $0x1;
	[tilespmem:v4+s17+$0x0] =	vst.idx.msk $0xffff, v5  }
0x31: {  	v4 =	vmov s0;
	v5 =	vld [tilespmem:s25+$0xFFFFFFC0]  }
0x32: {  	v4 =	vand.u32 $0x7D, v4  }
0x33: {  	v6 =	vadd.s32 v0, v4;
	_ =	sdelay $0x2  }
0x34: {  	v5 =	vmul.f32 $8.000000000e+00, v5;
	_ =	sdelay $0x1  }
0x35: {  	[tilespmem:v6+s17+$0x0] =	vst.idx.msk $0xffff, v5  }
0x36: {  	v5 =	vld [tilespmem:s25+$0xFFFFFFD0];
	_ =	sdelay $0x1  }
0x37: {  	v6 =	vadd.s32 v1, v4;
	_ =	sdelay $0x2  }
0x38: {  	v5 =	vmul.f32 $8.000000000e+00, v5;
	_ =	sdelay $0x1  }
0x39: {  	[tilespmem:v6+s17+$0x0] =	vst.idx.msk $0xffff, v5  }
0x3a: {  	v5 =	vld [tilespmem:s25+$0xFFFFFFE0];
	_ =	sdelay $0x1  }
0x3b: {  	v6 =	vadd.s32 v2, v4;
	_ =	sdelay $0x2  }
0x3c: {  	v5 =	vmul.f32 $8.000000000e+00, v5;
	_ =	sdelay $0x1  }
0x3d: {  	[tilespmem:v6+s17+$0x0] =	vst.idx.msk $0xffff, v5  }
0x3e: {  	v5 =	vld [tilespmem:s25+$0xFFFFFFF0];
	_ =	sdelay $0x1  }
0x3f: {  	v4 =	vadd.s32 v3, v4;
	_ =	sdelay $0x2  }
0x40: {  	v5 =	vmul.f32 $8.000000000e+00, v5;
	_ =	sdelay $0x1  }
0x41: {  	s30 =	simm.s32 $0x2;
	[tilespmem:v4+s17+$0x0] =	vst.idx.msk $0xffff, v5  }
0x42: {  	v4 =	vmov s30;
	v5 =	vld [tilespmem:s25+$0x0]  }
0x43: {  	v4 =	vand.u32 $0x7E, v4  }
0x44: {  	v6 =	vadd.s32 v0, v4;
	_ =	sdelay $0x2  }
0x45: {  	v5 =	vmul.f32 $8.000000000e+00, v5;
	_ =	sdelay $0x1  }
0x46: {  	[tilespmem:v6+s17+$0x0] =	vst.idx.msk $0xffff, v5  }
0x47: {  	v5 =	vld [tilespmem:s25+$0x10];
	_ =	sdelay $0x1  }
0x48: {  	v6 =	vadd.s32 v1, v4;
	_ =	sdelay $0x2  }
0x49: {  	v5 =	vmul.f32 $8.000000000e+00, v5;
	_ =	sdelay $0x1  }
0x4a: {  	[tilespmem:v6+s17+$0x0] =	vst.idx.msk $0xffff, v5  }
0x4b: {  	v5 =	vld [tilespmem:s25+$0x20];
	_ =	sdelay $0x1  }
0x4c: {  	v6 =	vadd.s32 v2, v4;
	_ =	sdelay $0x2  }
0x4d: {  	v5 =	vmul.f32 $8.000000000e+00, v5;
	_ =	sdelay $0x1  }
0x4e: {  	[tilespmem:v6+s17+$0x0] =	vst.idx.msk $0xffff, v5  }
0x4f: {  	v5 =	vld [tilespmem:s25+$0x30];
	_ =	sdelay $0x1  }
0x50: {  	v4 =	vadd.s32 v3, v4;
	_ =	sdelay $0x2  }
0x51: {  	v5 =	vmul.f32 $8.000000000e+00, v5;
	_ =	sdelay $0x1  }
0x52: {  	s31 =	simm.s32 $0x3;
	[tilespmem:v4+s17+$0x0] =	vst.idx.msk $0xffff, v5  }
0x53: {  	v4 =	vmov s31;
	v5 =	vld [tilespmem:s25+$0x40]  }
0x54: {  	v4 =	vand.u32 $0x7F, v4  }
0x55: {  	v6 =	vadd.s32 v0, v4;
	_ =	sdelay $0x2  }
0x56: {  	v5 =	vmul.f32 $8.000000000e+00, v5;
	_ =	sdelay $0x1  }
0x57: {  	[tilespmem:v6+s17+$0x0] =	vst.idx.msk $0xffff, v5  }
0x58: {  	v5 =	vld [tilespmem:s25+$0x50];
	_ =	sdelay $0x1  }
0x59: {  	v6 =	vadd.s32 v1, v4;
	_ =	sdelay $0x2  }
0x5a: {  	v5 =	vmul.f32 $8.000000000e+00, v5;
	_ =	sdelay $0x1  }
0x5b: {  	[tilespmem:v6+s17+$0x0] =	vst.idx.msk $0xffff, v5  }
0x5c: {  	v5 =	vld [tilespmem:s25+$0x60];
	_ =	sdelay $0x1  }
0x5d: {  	v6 =	vadd.s32 v2, v4;
	_ =	sdelay $0x2  }
0x5e: {  	v5 =	vmul.f32 $8.000000000e+00, v5;
	_ =	sdelay $0x1  }
0x5f: {  	[tilespmem:v6+s17+$0x0] =	vst.idx.msk $0xffff, v5  }
0x60: {  	v5 =	vld [tilespmem:s25+$0x70];
	_ =	sdelay $0x1  }
0x61: {  	v4 =	vadd.s32 v3, v4;
	_ =	sdelay $0x2  }
0x62: {  	s26 =	simm.s32 $0x4;
	v5 =	vmul.f32 $8.000000000e+00, v5  }
.LBB2_2:
0x63: {  	p0 =	slt.u32 s26, $0x7C  }
0x64: {  	s25 =	sadd.s32 $0x100, s25;
	s28 =	smov.u32 s26;
	s26 =	sadd.s32 $0x4, s26;
	[tilespmem:v4+s17+$0x0] =	vst.idx.msk $0xffff, v5  }
0x65: {  	v4 =	vmov s28;
	v5 =	vld [tilespmem:s25+$0xFFFFFF80]  }
0x66: {  	v4 =	vand.u32 $0x7C, v4  }
0x67: {  	v6 =	vadd.s32 v0, v4;
	_ =	sdelay $0x2  }
0x68: {  	v5 =	vmul.f32 $8.000000000e+00, v5;
	_ =	sdelay $0x1  }
0x69: {  	[tilespmem:v6+s17+$0x0] =	vst.idx.msk $0xffff, v5  }
0x6a: {  	v5 =	vld [tilespmem:s25+$0xFFFFFF90];
	_ =	sdelay $0x1  }
0x6b: {  	v6 =	vadd.s32 v1, v4;
	_ =	sdelay $0x2  }
0x6c: {  	v5 =	vmul.f32 $8.000000000e+00, v5;
	_ =	sdelay $0x1  }
0x6d: {  	[tilespmem:v6+s17+$0x0] =	vst.idx.msk $0xffff, v5  }
0x6e: {  	v5 =	vld [tilespmem:s25+$0xFFFFFFA0];
	_ =	sdelay $0x1  }
0x6f: {  	v6 =	vadd.s32 v2, v4;
	_ =	sdelay $0x2  }
0x70: {  	v5 =	vmul.f32 $8.000000000e+00, v5;
	_ =	sdelay $0x1  }
0x71: {  	[tilespmem:v6+s17+$0x0] =	vst.idx.msk $0xffff, v5  }
0x72: {  	v5 =	vld [tilespmem:s25+$0xFFFFFFB0];
	_ =	sdelay $0x1  }
0x73: {  	v4 =	vadd.s32 v3, v4;
	_ =	sdelay $0x2  }
0x74: {  	v5 =	vmul.f32 $8.000000000e+00, v5;
	_ =	sdelay $0x1  }
0x75: {  	s0 =	sadd.s32 $0x1, s28;
	[tilespmem:v4+s17+$0x0] =	vst.idx.msk $0xffff, v5  }
0x76: {  	v4 =	vmov s0;
	v5 =	vld [tilespmem:s25+$0xFFFFFFC0]  }
0x77: {  	v4 =	vand.u32 $0x7D, v4  }
0x78: {  	v6 =	vadd.s32 v0, v4;
	_ =	sdelay $0x2  }
0x79: {  	v5 =	vmul.f32 $8.000000000e+00, v5;
	_ =	sdelay $0x1  }
0x7a: {  	[tilespmem:v6+s17+$0x0] =	vst.idx.msk $0xffff, v5  }
0x7b: {  	v5 =	vld [tilespmem:s25+$0xFFFFFFD0];
	_ =	sdelay $0x1  }
0x7c: {  	v6 =	vadd.s32 v1, v4;
	_ =	sdelay $0x2  }
0x7d: {  	v5 =	vmul.f32 $8.000000000e+00, v5;
	_ =	sdelay $0x1  }
0x7e: {  	[tilespmem:v6+s17+$0x0] =	vst.idx.msk $0xffff, v5  }
0x7f: {  	v5 =	vld [tilespmem:s25+$0xFFFFFFE0];
	_ =	sdelay $0x1  }
0x80: {  	v6 =	vadd.s32 v2, v4;
	_ =	sdelay $0x2  }
0x81: {  	v5 =	vmul.f32 $8.000000000e+00, v5;
	_ =	sdelay $0x1  }
0x82: {  	[tilespmem:v6+s17+$0x0] =	vst.idx.msk $0xffff, v5  }
0x83: {  	v5 =	vld [tilespmem:s25+$0xFFFFFFF0];
	_ =	sdelay $0x1  }
0x84: {  	v4 =	vadd.s32 v3, v4;
	_ =	sdelay $0x2  }
0x85: {  	v5 =	vmul.f32 $8.000000000e+00, v5;
	_ =	sdelay $0x1  }
0x86: {  	s0 =	sadd.s32 $0x2, s28;
	[tilespmem:v4+s17+$0x0] =	vst.idx.msk $0xffff, v5  }
0x87: {  	v4 =	vmov s0;
	v5 =	vld [tilespmem:s25+$0x0]  }
0x88: {  	v4 =	vand.u32 $0x7E, v4  }
0x89: {  	v6 =	vadd.s32 v0, v4;
	_ =	sdelay $0x2  }
0x8a: {  	v5 =	vmul.f32 $8.000000000e+00, v5;
	_ =	sdelay $0x1  }
0x8b: {  	[tilespmem:v6+s17+$0x0] =	vst.idx.msk $0xffff, v5  }
0x8c: {  	v5 =	vld [tilespmem:s25+$0x10];
	_ =	sdelay $0x1  }
0x8d: {  	v6 =	vadd.s32 v1, v4;
	_ =	sdelay $0x2  }
0x8e: {  	v5 =	vmul.f32 $8.000000000e+00, v5;
	_ =	sdelay $0x1  }
0x8f: {  	[tilespmem:v6+s17+$0x0] =	vst.idx.msk $0xffff, v5  }
0x90: {  	v5 =	vld [tilespmem:s25+$0x20];
	_ =	sdelay $0x1  }
0x91: {  	v6 =	vadd.s32 v2, v4;
	_ =	sdelay $0x2  }
0x92: {  	v5 =	vmul.f32 $8.000000000e+00, v5;
	_ =	sdelay $0x1  }
0x93: {  	[tilespmem:v6+s17+$0x0] =	vst.idx.msk $0xffff, v5  }
0x94: {  	v5 =	vld [tilespmem:s25+$0x30];
	_ =	sdelay $0x1  }
0x95: {  	v4 =	vadd.s32 v3, v4;
	_ =	sdelay $0x2  }
0x96: {  	v5 =	vmul.f32 $8.000000000e+00, v5;
	_ =	sdelay $0x1  }
0x97: {  	s0 =	sadd.s32 $0x3, s28;
	[tilespmem:v4+s17+$0x0] =	vst.idx.msk $0xffff, v5  }
0x98: {  	v4 =	vmov s0;
	v5 =	vld [tilespmem:s25+$0x40]  }
0x99: {  	v4 =	vand.u32 $0x7F, v4  }
0x9a: {  	v6 =	vadd.s32 v0, v4;
	_ =	sdelay $0x2  }
0x9b: {  	v5 =	vmul.f32 $8.000000000e+00, v5;
	_ =	sdelay $0x1  }
0x9c: {  	[tilespmem:v6+s17+$0x0] =	vst.idx.msk $0xffff, v5  }
0x9d: {  	v5 =	vld [tilespmem:s25+$0x50];
	_ =	sdelay $0x1  }
0x9e: {  	v6 =	vadd.s32 v1, v4;
	_ =	sdelay $0x2  }
0x9f: {  	v5 =	vmul.f32 $8.000000000e+00, v5;
	_ =	sdelay $0x1  }
0xa0: {  	[tilespmem:v6+s17+$0x0] =	vst.idx.msk $0xffff, v5  }
0xa1: {  	v5 =	vld [tilespmem:s25+$0x60];
	_ =	sdelay $0x1  }
0xa2: {  	v6 =	vadd.s32 v2, v4;
	_ =	sdelay $0x2  }
0xa3: {  	v5 =	vmul.f32 $8.000000000e+00, v5;
	_ =	sdelay $0x1  }
0xa4: {  	[tilespmem:v6+s17+$0x0] =	vst.idx.msk $0xffff, v5  }
0xa5: {  	v5 =	vld [tilespmem:s25+$0x70]  }
.Ltmp0:
0xa6: {  	(pc) =	sbr.rel @p0 .LBB2_2-.Ltmp0, $2  }
0xa7: {  	v4 =	vadd.s32 v3, v4;
	_ =	sdelay $0x2  }
0xa8: {  	v5 =	vmul.f32 $8.000000000e+00, v5  }
0xa9: {  	_ =	sdelay $0x3  }
0xaa: {  	s0 =	simm.s32 $0x100;
	[tilespmem:v4+s17+$0x0] =	vst.idx.msk $0xffff, v5  }
0xab: {  	[tilespmem:s14], [sflag:$0x1] =	stream.indirect.gather [hbm4b:s5+s13], $0x40, s0, s13, $0xb8;
	[tilespmem:$0xE800] =	vst v63  }
0xac: {  	s1 =	simm.s32 $0xA400  }
0xad: {  	[hbm4b:s7+s4] =	stream.linear.scatter [tilespmem:s1], [sflag:$0x3], $0x80, $0x38;
	[tilespmem:$0xE800] =	vst v63  }
0xae: {  	s18 =	simm.s32 $0xA488;
	s1 =	sadd.s32 $0x10, s7  }
0xaf: {  	[hbm4b:s1+s4] =	stream.linear.scatter [tilespmem:s18], [sflag:$0x3], $0x80, $0x38;
	[tilespmem:$0xE800] =	vst v63  }
0xb0: {  	s25 =	simm.s32 $0xA510;
	s26 =	sadd.s32 $0x20, s7;
	s30 =	simm.s32 $0xA598  }
0xb1: {  	[hbm4b:s26+s4] =	stream.linear.scatter [tilespmem:s25], [sflag:$0x3], $0x80, $0x38;
	[tilespmem:$0xE800] =	vst v63  }
0xb2: {  	s31 =	sadd.s32 $0x30, s7;
	s28 =	simm.s32 $0x2200;
	s29 =	simm.s32 $0xA7B8  }
0xb3: {  	[hbm4b:s31+s4] =	stream.linear.scatter [tilespmem:s30], [sflag:$0x3], $0x80, $0x38;
	[tilespmem:$0xE800] =	vst v63  }
0xb4: {  	s1 =	simm.s32 $0xA620;
	s18 =	sadd.s32 $0x40, s7;
	s25 =	simm.s32 $0xA6A8  }
0xb5: {  	[hbm4b:s18+s4] =	stream.linear.scatter [tilespmem:s1], [sflag:$0x3], $0x80, $0x38;
	[tilespmem:$0xE800] =	vst v63  }
0xb6: {  	s26 =	sadd.s32 $0x50, s7;
	s30 =	simm.s32 $0xA730;
	s31 =	sadd.s32 $0x60, s7  }
0xb7: {  	[hbm4b:s26+s4] =	stream.linear.scatter [tilespmem:s25], [sflag:$0x3], $0x80, $0x38;
	[tilespmem:$0xE800] =	vst v63  }
0xb8: {  	s1 =	sadd.s32 $0x70, s7;
	s25 =	simm.s32 $0x440;
	s26 =	sadd.s32 $0x4000, s7  }
0xb9: {  	[hbm4b:s31+s4] =	stream.linear.scatter [tilespmem:s30], [sflag:$0x3], $0x80, $0x38;
	[tilespmem:$0xE800] =	vst v63  }
.LBB2_4:
0xba: {  	[hbm4b:s1+s4] =	stream.linear.scatter [tilespmem:s29], [sflag:$0x3], $0x80, $0x38;
	[tilespmem:$0xE800] =	vst v63  }
0xbb: {  	s0 =	smov.u32 s25;
	s1 =	smov.u32 s28  }
0xbc: {  	s30 =	sadd.s32 $0x1100, s28;
	s25 =	sshra.s32 s1, $0x2;
	s1 =	sadd.s32 $0xA400, s0  }
0xbd: {  	[hbm4b:s26+s4] =	stream.linear.scatter [tilespmem:s1], [sflag:$0x3], $0x80, $0x38;
	[tilespmem:$0xE800] =	vst v63  }
0xbe: {  	p0 =	sne.s32 s28, $0x7700;
	s28 =	sadd.s32 $0x10, s26;
	s1 =	sadd.s32 $0xA488, s0  }
0xbf: {  	[hbm4b:s28+s4] =	stream.linear.scatter [tilespmem:s1], [sflag:$0x3], $0x80, $0x38;
	[tilespmem:$0xE800] =	vst v63  }
0xc0: {  	s1 =	sadd.s32 $0xA510, s0;
	s28 =	sadd.s32 $0x20, s26  }
0xc1: {  	[hbm4b:s28+s4] =	stream.linear.scatter [tilespmem:s1], [sflag:$0x3], $0x80, $0x38;
	[tilespmem:$0xE800] =	vst v63  }
0xc2: {  	s1 =	sadd.s32 $0xA598, s0;
	s28 =	sadd.s32 $0x30, s26  }
0xc3: {  	[hbm4b:s28+s4] =	stream.linear.scatter [tilespmem:s1], [sflag:$0x3], $0x80, $0x38;
	[tilespmem:$0xE800] =	vst v63  }
0xc4: {  	s1 =	sadd.s32 $0xA620, s0;
	s28 =	sadd.s32 $0x40, s26  }
0xc5: {  	[hbm4b:s28+s4] =	stream.linear.scatter [tilespmem:s1], [sflag:$0x3], $0x80, $0x38;
	[tilespmem:$0xE800] =	vst v63  }
.Ltmp1:
0xc6: {  	s1 =	sadd.s32 $0xA6A8, s0;
	s28 =	sadd.s32 $0x50, s26;
	(pc) =	sbr.rel @p0 .LBB2_4-.Ltmp1, $4  }
0xc7: {  	[hbm4b:s28+s4] =	stream.linear.scatter [tilespmem:s1], [sflag:$0x3], $0x80, $0x38;
	[tilespmem:$0xE800] =	vst v63  }
0xc8: {  	s29 =	sadd.s32 $0xA7B8, s0;
	s1 =	sadd.s32 $0xA730, s0;
	s28 =	sadd.s32 $0x60, s26  }
0xc9: {  	[hbm4b:s28+s4] =	stream.linear.scatter [tilespmem:s1], [sflag:$0x3], $0x80, $0x38;
	[tilespmem:$0xE800] =	vst v63  }
0xca: {  	s1 =	sadd.s32 $0x70, s26;
	s26 =	sadd.s32 $0x4000, s26;
	s28 =	smov.u32 s30  }
0xcb: {  	[hbm4b:s1+s4] =	stream.linear.scatter [tilespmem:s29], [sflag:$0x3], $0x80, $0x38;
	[tilespmem:$0xE800] =	vst v63  }
0xcc: {  	s0 =	sadd.s32 $0xA400, s25  }
0xcd: {  	[hbm4b:s26+s4] =	stream.linear.scatter [tilespmem:s0], [sflag:$0x3], $0x80, $0x38;
	[tilespmem:$0xE800] =	vst v63  }
0xce: {  	s28 =	sadd.s32 $0xA488, s25;
	s29 =	sadd.s32 $0x10, s26  }
0xcf: {  	[hbm4b:s29+s4] =	stream.linear.scatter [tilespmem:s28], [sflag:$0x3], $0x80, $0x38;
	[tilespmem:$0xE800] =	vst v63  }
0xd0: {  	s30 =	sadd.s32 $0xA510, s25;
	s31 =	sadd.s32 $0x20, s26  }
0xd1: {  	[hbm4b:s31+s4] =	stream.linear.scatter [tilespmem:s30], [sflag:$0x3], $0x80, $0x38;
	[tilespmem:$0xE800] =	vst v63  }
0xd2: {  	s1 =	sadd.s32 $0xA598, s25;
	s18 =	sadd.s32 $0x30, s26  }
0xd3: {  	[hbm4b:s18+s4] =	stream.linear.scatter [tilespmem:s1], [sflag:$0x3], $0x80, $0x38;
	[tilespmem:$0xE800] =	vst v63  }
0xd4: {  	s28 =	sadd.s32 $0xA620, s25;
	s29 =	sadd.s32 $0x40, s26  }
0xd5: {  	[hbm4b:s29+s4] =	stream.linear.scatter [tilespmem:s28], [sflag:$0x3], $0x80, $0x38;
	[tilespmem:$0xE800] =	vst v63  }
0xd6: {  	s30 =	sadd.s32 $0xA6A8, s25;
	s31 =	sadd.s32 $0x50, s26  }
0xd7: {  	[hbm4b:s31+s4] =	stream.linear.scatter [tilespmem:s30], [sflag:$0x3], $0x80, $0x38;
	[tilespmem:$0xE800] =	vst v63  }
0xd8: {  	s1 =	sadd.s32 $0xA730, s25;
	s18 =	sadd.s32 $0x60, s26  }
0xd9: {  	[hbm4b:s18+s4] =	stream.linear.scatter [tilespmem:s1], [sflag:$0x3], $0x80, $0x38;
	[tilespmem:$0xE800] =	vst v63  }
0xda: {  	s25 =	sadd.s32 $0xA7B8, s25;
	s26 =	sadd.s32 $0x70, s26  }
0xdb: {  	[hbm4b:s26+s4] =	stream.linear.scatter [tilespmem:s25], [sflag:$0x3], $0x80, $0x38;
	[tilespmem:$0xE800] =	vst v63  }
0xdc: {  	_ =	swait.ge [sflag:s19], $0x2000  }
0xdd: {  	[sflag:s19] =	ssyncset.done $0x0  }
0xde: {  	s28 =	simm.s32 $0x0;
	s25 =	simm.s32 $0x8480;
	[sflag:s19] =	ssyncadd.s32 $0xFFFFE000  }
0xdf: {  	v4 =	vmov s28;
	v5 =	vld [tilespmem:s25+$0xFFFFFF80]  }
0xe0: {  	v4 =	vand.u32 $0x7C, v4  }
0xe1: {  	v6 =	vadd.s32 v0, v4;
	_ =	sdelay $0x2  }
0xe2: {  	v5 =	vmul.f32 $8.000000000e+00, v5;
	_ =	sdelay $0x1  }
0xe3: {  	[tilespmem:v6+s20+$0x0] =	vst.idx.msk $0xffff, v5  }
0xe4: {  	v5 =	vld [tilespmem:s25+$0xFFFFFF90];
	_ =	sdelay $0x1  }
0xe5: {  	v6 =	vadd.s32 v1, v4;
	_ =	sdelay $0x2  }
0xe6: {  	v5 =	vmul.f32 $8.000000000e+00, v5;
	_ =	sdelay $0x1  }
0xe7: {  	[tilespmem:v6+s20+$0x0] =	vst.idx.msk $0xffff, v5  }
0xe8: {  	v5 =	vld [tilespmem:s25+$0xFFFFFFA0];
	_ =	sdelay $0x1  }
0xe9: {  	v6 =	vadd.s32 v2, v4;
	_ =	sdelay $0x2  }
0xea: {  	v5 =	vmul.f32 $8.000000000e+00, v5;
	_ =	sdelay $0x1  }
0xeb: {  	[tilespmem:v6+s20+$0x0] =	vst.idx.msk $0xffff, v5  }
0xec: {  	v5 =	vld [tilespmem:s25+$0xFFFFFFB0];
	_ =	sdelay $0x1  }
0xed: {  	v4 =	vadd.s32 v3, v4;
	_ =	sdelay $0x2  }
0xee: {  	v5 =	vmul.f32 $8.000000000e+00, v5;
	_ =	sdelay $0x1  }
0xef: {  	s29 =	simm.s32 $0x1;
	[tilespmem:v4+s20+$0x0] =	vst.idx.msk $0xffff, v5  }
0xf0: {  	v4 =	vmov s29;
	v5 =	vld [tilespmem:s25+$0xFFFFFFC0]  }
0xf1: {  	v4 =	vand.u32 $0x7D, v4  }
0xf2: {  	v6 =	vadd.s32 v0, v4;
	_ =	sdelay $0x2  }
0xf3: {  	v5 =	vmul.f32 $8.000000000e+00, v5;
	_ =	sdelay $0x1  }
0xf4: {  	[tilespmem:v6+s20+$0x0] =	vst.idx.msk $0xffff, v5  }
0xf5: {  	v5 =	vld [tilespmem:s25+$0xFFFFFFD0];
	_ =	sdelay $0x1  }
0xf6: {  	v6 =	vadd.s32 v1, v4;
	_ =	sdelay $0x2  }
0xf7: {  	v5 =	vmul.f32 $8.000000000e+00, v5;
	_ =	sdelay $0x1  }
0xf8: {  	[tilespmem:v6+s20+$0x0] =	vst.idx.msk $0xffff, v5  }
0xf9: {  	v5 =	vld [tilespmem:s25+$0xFFFFFFE0];
	_ =	sdelay $0x1  }
0xfa: {  	v6 =	vadd.s32 v2, v4;
	_ =	sdelay $0x2  }
0xfb: {  	v5 =	vmul.f32 $8.000000000e+00, v5;
	_ =	sdelay $0x1  }
0xfc: {  	[tilespmem:v6+s20+$0x0] =	vst.idx.msk $0xffff, v5  }
0xfd: {  	v5 =	vld [tilespmem:s25+$0xFFFFFFF0];
	_ =	sdelay $0x1  }
0xfe: {  	v4 =	vadd.s32 v3, v4;
	_ =	sdelay $0x2  }
0xff: {  	v5 =	vmul.f32 $8.000000000e+00, v5;
	_ =	sdelay $0x1  }
0x100: {  	s30 =	simm.s32 $0x2;
	[tilespmem:v4+s20+$0x0] =	vst.idx.msk $0xffff, v5  }
0x101: {  	v4 =	vmov s30;
	v5 =	vld [tilespmem:s25+$0x0]  }
0x102: {  	v4 =	vand.u32 $0x7E, v4  }
0x103: {  	v6 =	vadd.s32 v0, v4;
	_ =	sdelay $0x2  }
0x104: {  	v5 =	vmul.f32 $8.000000000e+00, v5;
	_ =	sdelay $0x1  }
0x105: {  	[tilespmem:v6+s20+$0x0] =	vst.idx.msk $0xffff, v5  }
0x106: {  	v5 =	vld [tilespmem:s25+$0x10];
	_ =	sdelay $0x1  }
0x107: {  	v6 =	vadd.s32 v1, v4;
	_ =	sdelay $0x2  }
0x108: {  	v5 =	vmul.f32 $8.000000000e+00, v5;
	_ =	sdelay $0x1  }
0x109: {  	[tilespmem:v6+s20+$0x0] =	vst.idx.msk $0xffff, v5  }
0x10a: {  	v5 =	vld [tilespmem:s25+$0x20];
	_ =	sdelay $0x1  }
0x10b: {  	v6 =	vadd.s32 v2, v4;
	_ =	sdelay $0x2  }
0x10c: {  	v5 =	vmul.f32 $8.000000000e+00, v5;
	_ =	sdelay $0x1  }
0x10d: {  	[tilespmem:v6+s20+$0x0] =	vst.idx.msk $0xffff, v5  }
0x10e: {  	v5 =	vld [tilespmem:s25+$0x30];
	_ =	sdelay $0x1  }
0x10f: {  	v4 =	vadd.s32 v3, v4;
	_ =	sdelay $0x2  }
0x110: {  	v5 =	vmul.f32 $8.000000000e+00, v5;
	_ =	sdelay $0x1  }
0x111: {  	s31 =	simm.s32 $0x3;
	[tilespmem:v4+s20+$0x0] =	vst.idx.msk $0xffff, v5  }
0x112: {  	v4 =	vmov s31;
	v5 =	vld [tilespmem:s25+$0x40]  }
0x113: {  	v4 =	vand.u32 $0x7F, v4  }
0x114: {  	v6 =	vadd.s32 v0, v4;
	_ =	sdelay $0x2  }
0x115: {  	v5 =	vmul.f32 $8.000000000e+00, v5;
	_ =	sdelay $0x1  }
0x116: {  	[tilespmem:v6+s20+$0x0] =	vst.idx.msk $0xffff, v5  }
0x117: {  	v5 =	vld [tilespmem:s25+$0x50];
	_ =	sdelay $0x1  }
0x118: {  	v6 =	vadd.s32 v1, v4;
	_ =	sdelay $0x2  }
0x119: {  	v5 =	vmul.f32 $8.000000000e+00, v5;
	_ =	sdelay $0x1  }
0x11a: {  	[tilespmem:v6+s20+$0x0] =	vst.idx.msk $0xffff, v5  }
0x11b: {  	v5 =	vld [tilespmem:s25+$0x60];
	_ =	sdelay $0x1  }
0x11c: {  	v6 =	vadd.s32 v2, v4;
	_ =	sdelay $0x2  }
0x11d: {  	v5 =	vmul.f32 $8.000000000e+00, v5;
	_ =	sdelay $0x1  }
0x11e: {  	[tilespmem:v6+s20+$0x0] =	vst.idx.msk $0xffff, v5  }
0x11f: {  	v5 =	vld [tilespmem:s25+$0x70];
	_ =	sdelay $0x1  }
0x120: {  	v4 =	vadd.s32 v3, v4;
	_ =	sdelay $0x2  }
0x121: {  	s26 =	simm.s32 $0x4;
	v5 =	vmul.f32 $8.000000000e+00, v5  }
.LBB2_6:
0x122: {  	p0 =	slt.u32 s26, $0x7C  }
0x123: {  	s25 =	sadd.s32 $0x100, s25;
	s28 =	smov.u32 s26;
	s26 =	sadd.s32 $0x4, s26;
	[tilespmem:v4+s20+$0x0] =	vst.idx.msk $0xffff, v5  }
0x124: {  	v4 =	vmov s28;
	v5 =	vld [tilespmem:s25+$0xFFFFFF80]  }
0x125: {  	v4 =	vand.u32 $0x7C, v4  }
0x126: {  	v6 =	vadd.s32 v0, v4;
	_ =	sdelay $0x2  }
0x127: {  	v5 =	vmul.f32 $8.000000000e+00, v5;
	_ =	sdelay $0x1  }
0x128: {  	[tilespmem:v6+s20+$0x0] =	vst.idx.msk $0xffff, v5  }
0x129: {  	v5 =	vld [tilespmem:s25+$0xFFFFFF90];
	_ =	sdelay $0x1  }
0x12a: {  	v6 =	vadd.s32 v1, v4;
	_ =	sdelay $0x2  }
0x12b: {  	v5 =	vmul.f32 $8.000000000e+00, v5;
	_ =	sdelay $0x1  }
0x12c: {  	[tilespmem:v6+s20+$0x0] =	vst.idx.msk $0xffff, v5  }
0x12d: {  	v5 =	vld [tilespmem:s25+$0xFFFFFFA0];
	_ =	sdelay $0x1  }
0x12e: {  	v6 =	vadd.s32 v2, v4;
	_ =	sdelay $0x2  }
0x12f: {  	v5 =	vmul.f32 $8.000000000e+00, v5;
	_ =	sdelay $0x1  }
0x130: {  	[tilespmem:v6+s20+$0x0] =	vst.idx.msk $0xffff, v5  }
0x131: {  	v5 =	vld [tilespmem:s25+$0xFFFFFFB0];
	_ =	sdelay $0x1  }
0x132: {  	v4 =	vadd.s32 v3, v4;
	_ =	sdelay $0x2  }
0x133: {  	v5 =	vmul.f32 $8.000000000e+00, v5;
	_ =	sdelay $0x1  }
0x134: {  	s0 =	sadd.s32 $0x1, s28;
	[tilespmem:v4+s20+$0x0] =	vst.idx.msk $0xffff, v5  }
0x135: {  	v4 =	vmov s0;
	v5 =	vld [tilespmem:s25+$0xFFFFFFC0]  }
0x136: {  	v4 =	vand.u32 $0x7D, v4  }
0x137: {  	v6 =	vadd.s32 v0, v4;
	_ =	sdelay $0x2  }
0x138: {  	v5 =	vmul.f32 $8.000000000e+00, v5;
	_ =	sdelay $0x1  }
0x139: {  	[tilespmem:v6+s20+$0x0] =	vst.idx.msk $0xffff, v5  }
0x13a: {  	v5 =	vld [tilespmem:s25+$0xFFFFFFD0];
	_ =	sdelay $0x1  }
0x13b: {  	v6 =	vadd.s32 v1, v4;
	_ =	sdelay $0x2  }
0x13c: {  	v5 =	vmul.f32 $8.000000000e+00, v5;
	_ =	sdelay $0x1  }
0x13d: {  	[tilespmem:v6+s20+$0x0] =	vst.idx.msk $0xffff, v5  }
0x13e: {  	v5 =	vld [tilespmem:s25+$0xFFFFFFE0];
	_ =	sdelay $0x1  }
0x13f: {  	v6 =	vadd.s32 v2, v4;
	_ =	sdelay $0x2  }
0x140: {  	v5 =	vmul.f32 $8.000000000e+00, v5;
	_ =	sdelay $0x1  }
0x141: {  	[tilespmem:v6+s20+$0x0] =	vst.idx.msk $0xffff, v5  }
0x142: {  	v5 =	vld [tilespmem:s25+$0xFFFFFFF0];
	_ =	sdelay $0x1  }
0x143: {  	v4 =	vadd.s32 v3, v4;
	_ =	sdelay $0x2  }
0x144: {  	v5 =	vmul.f32 $8.000000000e+00, v5;
	_ =	sdelay $0x1  }
0x145: {  	s0 =	sadd.s32 $0x2, s28;
	[tilespmem:v4+s20+$0x0] =	vst.idx.msk $0xffff, v5  }
0x146: {  	v4 =	vmov s0;
	v5 =	vld [tilespmem:s25+$0x0]  }
0x147: {  	v4 =	vand.u32 $0x7E, v4  }
0x148: {  	v6 =	vadd.s32 v0, v4;
	_ =	sdelay $0x2  }
0x149: {  	v5 =	vmul.f32 $8.000000000e+00, v5;
	_ =	sdelay $0x1  }
0x14a: {  	[tilespmem:v6+s20+$0x0] =	vst.idx.msk $0xffff, v5  }
0x14b: {  	v5 =	vld [tilespmem:s25+$0x10];
	_ =	sdelay $0x1  }
0x14c: {  	v6 =	vadd.s32 v1, v4;
	_ =	sdelay $0x2  }
0x14d: {  	v5 =	vmul.f32 $8.000000000e+00, v5;
	_ =	sdelay $0x1  }
0x14e: {  	[tilespmem:v6+s20+$0x0] =	vst.idx.msk $0xffff, v5  }
0x14f: {  	v5 =	vld [tilespmem:s25+$0x20];
	_ =	sdelay $0x1  }
0x150: {  	v6 =	vadd.s32 v2, v4;
	_ =	sdelay $0x2  }
0x151: {  	v5 =	vmul.f32 $8.000000000e+00, v5;
	_ =	sdelay $0x1  }
0x152: {  	[tilespmem:v6+s20+$0x0] =	vst.idx.msk $0xffff, v5  }
0x153: {  	v5 =	vld [tilespmem:s25+$0x30];
	_ =	sdelay $0x1  }
0x154: {  	v4 =	vadd.s32 v3, v4;
	_ =	sdelay $0x2  }
0x155: {  	v5 =	vmul.f32 $8.000000000e+00, v5;
	_ =	sdelay $0x1  }
0x156: {  	s0 =	sadd.s32 $0x3, s28;
	[tilespmem:v4+s20+$0x0] =	vst.idx.msk $0xffff, v5  }
0x157: {  	v4 =	vmov s0;
	v5 =	vld [tilespmem:s25+$0x40]  }
0x158: {  	v4 =	vand.u32 $0x7F, v4  }
0x159: {  	v6 =	vadd.s32 v0, v4;
	_ =	sdelay $0x2  }
0x15a: {  	v5 =	vmul.f32 $8.000000000e+00, v5;
	_ =	sdelay $0x1  }
0x15b: {  	[tilespmem:v6+s20+$0x0] =	vst.idx.msk $0xffff, v5  }
0x15c: {  	v5 =	vld [tilespmem:s25+$0x50];
	_ =	sdelay $0x1  }
0x15d: {  	v6 =	vadd.s32 v1, v4;
	_ =	sdelay $0x2  }
0x15e: {  	v5 =	vmul.f32 $8.000000000e+00, v5;
	_ =	sdelay $0x1  }
0x15f: {  	[tilespmem:v6+s20+$0x0] =	vst.idx.msk $0xffff, v5  }
0x160: {  	v5 =	vld [tilespmem:s25+$0x60];
	_ =	sdelay $0x1  }
0x161: {  	v6 =	vadd.s32 v2, v4;
	_ =	sdelay $0x2  }
0x162: {  	v5 =	vmul.f32 $8.000000000e+00, v5;
	_ =	sdelay $0x1  }
0x163: {  	[tilespmem:v6+s20+$0x0] =	vst.idx.msk $0xffff, v5  }
0x164: {  	v5 =	vld [tilespmem:s25+$0x70]  }
.Ltmp2:
0x165: {  	(pc) =	sbr.rel @p0 .LBB2_6-.Ltmp2, $2  }
0x166: {  	v4 =	vadd.s32 v3, v4;
	_ =	sdelay $0x2  }
0x167: {  	v5 =	vmul.f32 $8.000000000e+00, v5  }
0x168: {  	_ =	sdelay $0x3  }
0x169: {  	[tilespmem:v4+s20+$0x0] =	vst.idx.msk $0xffff, v5  }
0x16a: {  	[tilespmem:s15], [sflag:$0x2] =	stream.indirect.gather [hbm4b:s5+s13], $0x40, s21, s13, $0xb8;
	[tilespmem:$0xE800] =	vst v63  }
0x16b: {  	s25 =	simm.s32 $0x0;
	s0 =	simm.s32 $0xC600  }
0x16c: {  	[hbm4b:s8+s25] =	stream.linear.scatter [tilespmem:s0], [sflag:$0x4], $0x80, $0x38;
	[tilespmem:$0xE800] =	vst v63  }
0x16d: {  	s18 =	simm.s32 $0xC688;
	s1 =	sadd.s32 $0x10, s8  }
0x16e: {  	[hbm4b:s1+s25] =	stream.linear.scatter [tilespmem:s18], [sflag:$0x4], $0x80, $0x38;
	[tilespmem:$0xE800] =	vst v63  }
0x16f: {  	s26 =	simm.s32 $0xC710;
	s31 =	sadd.s32 $0x20, s8  }
0x170: {  	[hbm4b:s31+s25] =	stream.linear.scatter [tilespmem:s26], [sflag:$0x4], $0x80, $0x38;
	[tilespmem:$0xE800] =	vst v63  }
0x171: {  	s1 =	simm.s32 $0xC798;
	s18 =	sadd.s32 $0x30, s8  }
0x172: {  	[hbm4b:s18+s25] =	stream.linear.scatter [tilespmem:s1], [sflag:$0x4], $0x80, $0x38;
	[tilespmem:$0xE800] =	vst v63  }
0x173: {  	s26 =	simm.s32 $0xC820;
	s31 =	sadd.s32 $0x40, s8  }
0x174: {  	[hbm4b:s31+s25] =	stream.linear.scatter [tilespmem:s26], [sflag:$0x4], $0x80, $0x38;
	[tilespmem:$0xE800] =	vst v63  }
0x175: {  	s29 =	simm.s32 $0x2200;
	s1 =	simm.s32 $0xC8A8;
	s18 =	sadd.s32 $0x50, s8  }
0x176: {  	[hbm4b:s18+s25] =	stream.linear.scatter [tilespmem:s1], [sflag:$0x4], $0x80, $0x38;
	[tilespmem:$0xE800] =	vst v63  }
0x177: {  	s30 =	simm.s32 $0xC9B8;
	s26 =	simm.s32 $0xC930;
	s31 =	sadd.s32 $0x60, s8  }
0x178: {  	[hbm4b:s31+s25] =	stream.linear.scatter [tilespmem:s26], [sflag:$0x4], $0x80, $0x38;
	[tilespmem:$0xE800] =	vst v63  }
0x179: {  	s28 =	sadd.s32 $0x4000, s8;
	s1 =	sadd.s32 $0x70, s8;
	s26 =	simm.s32 $0x440  }
.LBB2_8:
0x17a: {  	[hbm4b:s1+s25] =	stream.linear.scatter [tilespmem:s30], [sflag:$0x4], $0x80, $0x38;
	[tilespmem:$0xE800] =	vst v63  }
0x17b: {  	s0 =	smov.u32 s26;
	s1 =	smov.u32 s29  }
0x17c: {  	s31 =	sadd.s32 $0x1100, s29;
	s26 =	sshra.s32 s1, $0x2;
	s1 =	sadd.s32 $0xC600, s0  }
0x17d: {  	[hbm4b:s28+s25] =	stream.linear.scatter [tilespmem:s1], [sflag:$0x4], $0x80, $0x38;
	[tilespmem:$0xE800] =	vst v63  }
0x17e: {  	p0 =	seq.s32 s29, $0x7700;
	s29 =	sadd.s32 $0x10, s28;
	s1 =	sadd.s32 $0xC688, s0  }
0x17f: {  	[hbm4b:s29+s25] =	stream.linear.scatter [tilespmem:s1], [sflag:$0x4], $0x80, $0x38;
	[tilespmem:$0xE800] =	vst v63  }
0x180: {  	s1 =	sadd.s32 $0xC710, s0;
	s29 =	sadd.s32 $0x20, s28  }
0x181: {  	[hbm4b:s29+s25] =	stream.linear.scatter [tilespmem:s1], [sflag:$0x4], $0x80, $0x38;
	[tilespmem:$0xE800] =	vst v63  }
0x182: {  	s1 =	sadd.s32 $0xC798, s0;
	s29 =	sadd.s32 $0x30, s28  }
0x183: {  	[hbm4b:s29+s25] =	stream.linear.scatter [tilespmem:s1], [sflag:$0x4], $0x80, $0x38;
	[tilespmem:$0xE800] =	vst v63  }
0x184: {  	s1 =	sadd.s32 $0xC820, s0;
	s29 =	sadd.s32 $0x40, s28  }
0x185: {  	[hbm4b:s29+s25] =	stream.linear.scatter [tilespmem:s1], [sflag:$0x4], $0x80, $0x38;
	[tilespmem:$0xE800] =	vst v63  }
.Ltmp3:
0x186: {  	s1 =	sadd.s32 $0xC8A8, s0;
	s29 =	sadd.s32 $0x50, s28;
	(pc) =	sbr.rel @!p0 .LBB2_8-.Ltmp3, $4  }
0x187: {  	[hbm4b:s29+s25] =	stream.linear.scatter [tilespmem:s1], [sflag:$0x4], $0x80, $0x38;
	[tilespmem:$0xE800] =	vst v63  }
0x188: {  	s30 =	sadd.s32 $0xC9B8, s0;
	s1 =	sadd.s32 $0xC930, s0;
	s29 =	sadd.s32 $0x60, s28  }
0x189: {  	[hbm4b:s29+s25] =	stream.linear.scatter [tilespmem:s1], [sflag:$0x4], $0x80, $0x38;
	[tilespmem:$0xE800] =	vst v63  }
0x18a: {  	s1 =	sadd.s32 $0x70, s28;
	s28 =	sadd.s32 $0x4000, s28;
	s29 =	smov.u32 s31  }
0x18b: {  	[hbm4b:s1+s25] =	stream.linear.scatter [tilespmem:s30], [sflag:$0x4], $0x80, $0x38;
	[tilespmem:$0xE800] =	vst v63  }
0x18c: {  	s0 =	sadd.s32 $0xC600, s26  }
0x18d: {  	[hbm4b:s28+s25] =	stream.linear.scatter [tilespmem:s0], [sflag:$0x4], $0x80, $0x38;
	[tilespmem:$0xE800] =	vst v63  }
0x18e: {  	s30 =	sadd.s32 $0xC688, s26;
	s31 =	sadd.s32 $0x10, s28  }
0x18f: {  	[hbm4b:s31+s25] =	stream.linear.scatter [tilespmem:s30], [sflag:$0x4], $0x80, $0x38;
	[tilespmem:$0xE800] =	vst v63  }
0x190: {  	s18 =	sadd.s32 $0xC710, s26;
	s29 =	sadd.s32 $0x20, s28  }
0x191: {  	[hbm4b:s29+s25] =	stream.linear.scatter [tilespmem:s18], [sflag:$0x4], $0x80, $0x38;
	[tilespmem:$0xE800] =	vst v63  }
0x192: {  	s30 =	sadd.s32 $0xC798, s26;
	s31 =	sadd.s32 $0x30, s28  }
0x193: {  	[hbm4b:s31+s25] =	stream.linear.scatter [tilespmem:s30], [sflag:$0x4], $0x80, $0x38;
	[tilespmem:$0xE800] =	vst v63  }
0x194: {  	s18 =	sadd.s32 $0xC820, s26;
	s29 =	sadd.s32 $0x40, s28  }
0x195: {  	[hbm4b:s29+s25] =	stream.linear.scatter [tilespmem:s18], [sflag:$0x4], $0x80, $0x38;
	[tilespmem:$0xE800] =	vst v63  }
0x196: {  	s30 =	sadd.s32 $0xC8A8, s26;
	s31 =	sadd.s32 $0x50, s28  }
0x197: {  	[hbm4b:s31+s25] =	stream.linear.scatter [tilespmem:s30], [sflag:$0x4], $0x80, $0x38;
	[tilespmem:$0xE800] =	vst v63  }
0x198: {  	s18 =	sadd.s32 $0xC930, s26;
	s29 =	sadd.s32 $0x60, s28  }
0x199: {  	[hbm4b:s29+s25] =	stream.linear.scatter [tilespmem:s18], [sflag:$0x4], $0x80, $0x38;
	[tilespmem:$0xE800] =	vst v63  }
0x19a: {  	s30 =	sadd.s32 $0xC9B8, s26;
	s31 =	sadd.s32 $0x70, s28  }
0x19b: {  	[hbm4b:s31+s25] =	stream.linear.scatter [tilespmem:s30], [sflag:$0x4], $0x80, $0x38;
	[tilespmem:$0xE800] =	vst v63  }
.LBB2_11:
0x19c: {  	_ =	swait.ge [sflag:s16], $0x2000  }
0x19d: {  	[sflag:s16] =	ssyncset.done $0x0  }
0x19e: {  	[sflag:s16] =	ssyncadd.s32 $0xFFFFE000  }
0x19f: {  	_ =	swait.ge [sflag:s22], $0x2000  }
0x1a0: {  	[sflag:s22] =	ssyncset.done $0x0  }
0x1a1: {  	s0 =	simm.s32 $0x0;
	s26 =	simm.s32 $0x6480;
	[sflag:s22] =	ssyncadd.s32 $0xFFFFE000  }
0x1a2: {  	v4 =	vmov s0;
	v5 =	vld [tilespmem:s26+$0xFFFFFF80]  }
0x1a3: {  	v4 =	vand.u32 $0x7C, v4  }
0x1a4: {  	v6 =	vadd.s32 v0, v4;
	_ =	sdelay $0x2  }
0x1a5: {  	v5 =	vmul.f32 $8.000000000e+00, v5;
	_ =	sdelay $0x1  }
0x1a6: {  	[tilespmem:v6+s17+$0x0] =	vst.idx.msk $0xffff, v5  }
0x1a7: {  	v5 =	vld [tilespmem:s26+$0xFFFFFF90];
	_ =	sdelay $0x1  }
0x1a8: {  	v6 =	vadd.s32 v1, v4;
	_ =	sdelay $0x2  }
0x1a9: {  	v5 =	vmul.f32 $8.000000000e+00, v5;
	_ =	sdelay $0x1  }
0x1aa: {  	[tilespmem:v6+s17+$0x0] =	vst.idx.msk $0xffff, v5  }
0x1ab: {  	v5 =	vld [tilespmem:s26+$0xFFFFFFA0];
	_ =	sdelay $0x1  }
0x1ac: {  	v6 =	vadd.s32 v2, v4;
	_ =	sdelay $0x2  }
0x1ad: {  	v5 =	vmul.f32 $8.000000000e+00, v5;
	_ =	sdelay $0x1  }
0x1ae: {  	[tilespmem:v6+s17+$0x0] =	vst.idx.msk $0xffff, v5  }
0x1af: {  	v5 =	vld [tilespmem:s26+$0xFFFFFFB0];
	_ =	sdelay $0x1  }
0x1b0: {  	v4 =	vadd.s32 v3, v4;
	_ =	sdelay $0x2  }
0x1b1: {  	v5 =	vmul.f32 $8.000000000e+00, v5;
	_ =	sdelay $0x1  }
0x1b2: {  	s29 =	simm.s32 $0x1;
	[tilespmem:v4+s17+$0x0] =	vst.idx.msk $0xffff, v5  }
0x1b3: {  	v4 =	vmov s29;
	v5 =	vld [tilespmem:s26+$0xFFFFFFC0]  }
0x1b4: {  	v4 =	vand.u32 $0x7D, v4  }
0x1b5: {  	v6 =	vadd.s32 v0, v4;
	_ =	sdelay $0x2  }
0x1b6: {  	v5 =	vmul.f32 $8.000000000e+00, v5;
	_ =	sdelay $0x1  }
0x1b7: {  	[tilespmem:v6+s17+$0x0] =	vst.idx.msk $0xffff, v5  }
0x1b8: {  	v5 =	vld [tilespmem:s26+$0xFFFFFFD0];
	_ =	sdelay $0x1  }
0x1b9: {  	v6 =	vadd.s32 v1, v4;
	_ =	sdelay $0x2  }
0x1ba: {  	v5 =	vmul.f32 $8.000000000e+00, v5;
	_ =	sdelay $0x1  }
0x1bb: {  	[tilespmem:v6+s17+$0x0] =	vst.idx.msk $0xffff, v5  }
0x1bc: {  	v5 =	vld [tilespmem:s26+$0xFFFFFFE0];
	_ =	sdelay $0x1  }
0x1bd: {  	v6 =	vadd.s32 v2, v4;
	_ =	sdelay $0x2  }
0x1be: {  	v5 =	vmul.f32 $8.000000000e+00, v5;
	_ =	sdelay $0x1  }
0x1bf: {  	[tilespmem:v6+s17+$0x0] =	vst.idx.msk $0xffff, v5  }
0x1c0: {  	v5 =	vld [tilespmem:s26+$0xFFFFFFF0];
	_ =	sdelay $0x1  }
0x1c1: {  	v4 =	vadd.s32 v3, v4;
	_ =	sdelay $0x2  }
0x1c2: {  	v5 =	vmul.f32 $8.000000000e+00, v5;
	_ =	sdelay $0x1  }
0x1c3: {  	s30 =	simm.s32 $0x2;
	[tilespmem:v4+s17+$0x0] =	vst.idx.msk $0xffff, v5  }
0x1c4: {  	v4 =	vmov s30;
	v5 =	vld [tilespmem:s26+$0x0]  }
0x1c5: {  	v4 =	vand.u32 $0x7E, v4  }
0x1c6: {  	v6 =	vadd.s32 v0, v4;
	_ =	sdelay $0x2  }
0x1c7: {  	v5 =	vmul.f32 $8.000000000e+00, v5;
	_ =	sdelay $0x1  }
0x1c8: {  	[tilespmem:v6+s17+$0x0] =	vst.idx.msk $0xffff, v5  }
0x1c9: {  	v5 =	vld [tilespmem:s26+$0x10];
	_ =	sdelay $0x1  }
0x1ca: {  	v6 =	vadd.s32 v1, v4;
	_ =	sdelay $0x2  }
0x1cb: {  	v5 =	vmul.f32 $8.000000000e+00, v5;
	_ =	sdelay $0x1  }
0x1cc: {  	[tilespmem:v6+s17+$0x0] =	vst.idx.msk $0xffff, v5  }
0x1cd: {  	v5 =	vld [tilespmem:s26+$0x20];
	_ =	sdelay $0x1  }
0x1ce: {  	v6 =	vadd.s32 v2, v4;
	_ =	sdelay $0x2  }
0x1cf: {  	v5 =	vmul.f32 $8.000000000e+00, v5;
	_ =	sdelay $0x1  }
0x1d0: {  	[tilespmem:v6+s17+$0x0] =	vst.idx.msk $0xffff, v5  }
0x1d1: {  	v5 =	vld [tilespmem:s26+$0x30];
	_ =	sdelay $0x1  }
0x1d2: {  	v4 =	vadd.s32 v3, v4;
	_ =	sdelay $0x2  }
0x1d3: {  	v5 =	vmul.f32 $8.000000000e+00, v5;
	_ =	sdelay $0x1  }
0x1d4: {  	s31 =	simm.s32 $0x3;
	[tilespmem:v4+s17+$0x0] =	vst.idx.msk $0xffff, v5  }
0x1d5: {  	v4 =	vmov s31;
	v5 =	vld [tilespmem:s26+$0x40]  }
0x1d6: {  	v4 =	vand.u32 $0x7F, v4  }
0x1d7: {  	v6 =	vadd.s32 v0, v4;
	_ =	sdelay $0x2  }
0x1d8: {  	v5 =	vmul.f32 $8.000000000e+00, v5;
	_ =	sdelay $0x1  }
0x1d9: {  	[tilespmem:v6+s17+$0x0] =	vst.idx.msk $0xffff, v5  }
0x1da: {  	v5 =	vld [tilespmem:s26+$0x50];
	_ =	sdelay $0x1  }
0x1db: {  	v6 =	vadd.s32 v1, v4;
	_ =	sdelay $0x2  }
0x1dc: {  	v5 =	vmul.f32 $8.000000000e+00, v5;
	_ =	sdelay $0x1  }
0x1dd: {  	[tilespmem:v6+s17+$0x0] =	vst.idx.msk $0xffff, v5  }
0x1de: {  	v5 =	vld [tilespmem:s26+$0x60];
	_ =	sdelay $0x1  }
0x1df: {  	v6 =	vadd.s32 v2, v4;
	_ =	sdelay $0x2  }
0x1e0: {  	v5 =	vmul.f32 $8.000000000e+00, v5;
	_ =	sdelay $0x1  }
0x1e1: {  	[tilespmem:v6+s17+$0x0] =	vst.idx.msk $0xffff, v5  }
0x1e2: {  	v5 =	vld [tilespmem:s26+$0x70];
	_ =	sdelay $0x1  }
0x1e3: {  	v4 =	vadd.s32 v3, v4;
	_ =	sdelay $0x2  }
0x1e4: {  	s28 =	simm.s32 $0x4;
	v5 =	vmul.f32 $8.000000000e+00, v5  }
.LBB2_12:
0x1e5: {  	p0 =	slt.u32 s28, $0x7C  }
0x1e6: {  	s26 =	sadd.s32 $0x100, s26;
	s29 =	smov.u32 s28;
	s28 =	sadd.s32 $0x4, s28;
	[tilespmem:v4+s17+$0x0] =	vst.idx.msk $0xffff, v5  }
0x1e7: {  	v4 =	vmov s29;
	v5 =	vld [tilespmem:s26+$0xFFFFFF80]  }
0x1e8: {  	v4 =	vand.u32 $0x7C, v4  }
0x1e9: {  	v6 =	vadd.s32 v0, v4;
	_ =	sdelay $0x2  }
0x1ea: {  	v5 =	vmul.f32 $8.000000000e+00, v5;
	_ =	sdelay $0x1  }
0x1eb: {  	[tilespmem:v6+s17+$0x0] =	vst.idx.msk $0xffff, v5  }
0x1ec: {  	v5 =	vld [tilespmem:s26+$0xFFFFFF90];
	_ =	sdelay $0x1  }
0x1ed: {  	v6 =	vadd.s32 v1, v4;
	_ =	sdelay $0x2  }
0x1ee: {  	v5 =	vmul.f32 $8.000000000e+00, v5;
	_ =	sdelay $0x1  }
0x1ef: {  	[tilespmem:v6+s17+$0x0] =	vst.idx.msk $0xffff, v5  }
0x1f0: {  	v5 =	vld [tilespmem:s26+$0xFFFFFFA0];
	_ =	sdelay $0x1  }
0x1f1: {  	v6 =	vadd.s32 v2, v4;
	_ =	sdelay $0x2  }
0x1f2: {  	v5 =	vmul.f32 $8.000000000e+00, v5;
	_ =	sdelay $0x1  }
0x1f3: {  	[tilespmem:v6+s17+$0x0] =	vst.idx.msk $0xffff, v5  }
0x1f4: {  	v5 =	vld [tilespmem:s26+$0xFFFFFFB0];
	_ =	sdelay $0x1  }
0x1f5: {  	v4 =	vadd.s32 v3, v4;
	_ =	sdelay $0x2  }
0x1f6: {  	v5 =	vmul.f32 $8.000000000e+00, v5;
	_ =	sdelay $0x1  }
0x1f7: {  	s0 =	sadd.s32 $0x1, s29;
	[tilespmem:v4+s17+$0x0] =	vst.idx.msk $0xffff, v5  }
0x1f8: {  	v4 =	vmov s0;
	v5 =	vld [tilespmem:s26+$0xFFFFFFC0]  }
0x1f9: {  	v4 =	vand.u32 $0x7D, v4  }
0x1fa: {  	v6 =	vadd.s32 v0, v4;
	_ =	sdelay $0x2  }
0x1fb: {  	v5 =	vmul.f32 $8.000000000e+00, v5;
	_ =	sdelay $0x1  }
0x1fc: {  	[tilespmem:v6+s17+$0x0] =	vst.idx.msk $0xffff, v5  }
0x1fd: {  	v5 =	vld [tilespmem:s26+$0xFFFFFFD0];
	_ =	sdelay $0x1  }
0x1fe: {  	v6 =	vadd.s32 v1, v4;
	_ =	sdelay $0x2  }
0x1ff: {  	v5 =	vmul.f32 $8.000000000e+00, v5;
	_ =	sdelay $0x1  }
0x200: {  	[tilespmem:v6+s17+$0x0] =	vst.idx.msk $0xffff, v5  }
0x201: {  	v5 =	vld [tilespmem:s26+$0xFFFFFFE0];
	_ =	sdelay $0x1  }
0x202: {  	v6 =	vadd.s32 v2, v4;
	_ =	sdelay $0x2  }
0x203: {  	v5 =	vmul.f32 $8.000000000e+00, v5;
	_ =	sdelay $0x1  }
0x204: {  	[tilespmem:v6+s17+$0x0] =	vst.idx.msk $0xffff, v5  }
0x205: {  	v5 =	vld [tilespmem:s26+$0xFFFFFFF0];
	_ =	sdelay $0x1  }
0x206: {  	v4 =	vadd.s32 v3, v4;
	_ =	sdelay $0x2  }
0x207: {  	v5 =	vmul.f32 $8.000000000e+00, v5;
	_ =	sdelay $0x1  }
0x208: {  	s0 =	sadd.s32 $0x2, s29;
	[tilespmem:v4+s17+$0x0] =	vst.idx.msk $0xffff, v5  }
0x209: {  	v4 =	vmov s0;
	v5 =	vld [tilespmem:s26+$0x0]  }
0x20a: {  	v4 =	vand.u32 $0x7E, v4  }
0x20b: {  	v6 =	vadd.s32 v0, v4;
	_ =	sdelay $0x2  }
0x20c: {  	v5 =	vmul.f32 $8.000000000e+00, v5;
	_ =	sdelay $0x1  }
0x20d: {  	[tilespmem:v6+s17+$0x0] =	vst.idx.msk $0xffff, v5  }
0x20e: {  	v5 =	vld [tilespmem:s26+$0x10];
	_ =	sdelay $0x1  }
0x20f: {  	v6 =	vadd.s32 v1, v4;
	_ =	sdelay $0x2  }
0x210: {  	v5 =	vmul.f32 $8.000000000e+00, v5;
	_ =	sdelay $0x1  }
0x211: {  	[tilespmem:v6+s17+$0x0] =	vst.idx.msk $0xffff, v5  }
0x212: {  	v5 =	vld [tilespmem:s26+$0x20];
	_ =	sdelay $0x1  }
0x213: {  	v6 =	vadd.s32 v2, v4;
	_ =	sdelay $0x2  }
0x214: {  	v5 =	vmul.f32 $8.000000000e+00, v5;
	_ =	sdelay $0x1  }
0x215: {  	[tilespmem:v6+s17+$0x0] =	vst.idx.msk $0xffff, v5  }
0x216: {  	v5 =	vld [tilespmem:s26+$0x30];
	_ =	sdelay $0x1  }
0x217: {  	v4 =	vadd.s32 v3, v4;
	_ =	sdelay $0x2  }
0x218: {  	v5 =	vmul.f32 $8.000000000e+00, v5;
	_ =	sdelay $0x1  }
0x219: {  	s0 =	sadd.s32 $0x3, s29;
	[tilespmem:v4+s17+$0x0] =	vst.idx.msk $0xffff, v5  }
0x21a: {  	v4 =	vmov s0;
	v5 =	vld [tilespmem:s26+$0x40]  }
0x21b: {  	v4 =	vand.u32 $0x7F, v4  }
0x21c: {  	v6 =	vadd.s32 v0, v4;
	_ =	sdelay $0x2  }
0x21d: {  	v5 =	vmul.f32 $8.000000000e+00, v5;
	_ =	sdelay $0x1  }
0x21e: {  	[tilespmem:v6+s17+$0x0] =	vst.idx.msk $0xffff, v5  }
0x21f: {  	v5 =	vld [tilespmem:s26+$0x50];
	_ =	sdelay $0x1  }
0x220: {  	v6 =	vadd.s32 v1, v4;
	_ =	sdelay $0x2  }
0x221: {  	v5 =	vmul.f32 $8.000000000e+00, v5;
	_ =	sdelay $0x1  }
0x222: {  	[tilespmem:v6+s17+$0x0] =	vst.idx.msk $0xffff, v5  }
0x223: {  	v5 =	vld [tilespmem:s26+$0x60];
	_ =	sdelay $0x1  }
0x224: {  	v6 =	vadd.s32 v2, v4;
	_ =	sdelay $0x2  }
0x225: {  	v5 =	vmul.f32 $8.000000000e+00, v5;
	_ =	sdelay $0x1  }
0x226: {  	[tilespmem:v6+s17+$0x0] =	vst.idx.msk $0xffff, v5  }
0x227: {  	v5 =	vld [tilespmem:s26+$0x70]  }
.Ltmp4:
0x228: {  	(pc) =	sbr.rel @p0 .LBB2_12-.Ltmp4, $2  }
0x229: {  	v4 =	vadd.s32 v3, v4;
	_ =	sdelay $0x2  }
0x22a: {  	v5 =	vmul.f32 $8.000000000e+00, v5  }
0x22b: {  	_ = 	snop  }
0x22c: {  	s25 =	sadd.s32 $0x1, s25  }
0x22d: {  	s28 =	sshll.u32 s25, $0x1;
	s0 =	sshll.u32 s25, $0x8  }
0x22e: {  	s1 =	sadd.s32 s3, s28;
	s26 =	sand.u32 $0x3FFFFF00, s0  }
0x22f: {  	[tilespmem:v4+s17+$0x0] =	vst.idx.msk $0xffff, v5;
	s18 =	sshrl.u32 s1, $0x7;
	s29 =	sadd.s32 $0x100, s26  }
0x230: {  	[tilespmem:s14], [sflag:$0x1] =	stream.indirect.gather [hbm4b:s5+s13], $0x40, s29, s13, $0xb8;
	[tilespmem:$0xE800] =	vst v63  }
0x231: {  	s1 =	sshll.u32 s1, $0xA;
	s29 =	sshll.u32 s18, $0x11  }
0x232: {  	s0 =	sshll.u32 s18, $0x14;
	s1 =	ssub.s32 s1, s29  }
0x233: {  	s0 =	sadd.s32 s0, s1  }
0x234: {  	s0 =	sshrl.u32 s0, $0x3  }
0x235: {  	s18 =	simm.s32 $0xA400;
	s30 =	sadd.s32 s2, s0  }
0x236: {  	[hbm4b:s30+s4] =	stream.linear.scatter [tilespmem:s18], [sflag:$0x3], $0x80, $0x38;
	[tilespmem:$0xE800] =	vst v63  }
0x237: {  	s1 =	simm.s32 $0xA488;
	s18 =	sadd.s32 $0x10, s30  }
0x238: {  	[hbm4b:s18+s4] =	stream.linear.scatter [tilespmem:s1], [sflag:$0x3], $0x80, $0x38;
	[tilespmem:$0xE800] =	vst v63  }
0x239: {  	s1 =	simm.s32 $0xA510;
	s18 =	sadd.s32 $0x20, s30  }
0x23a: {  	[hbm4b:s18+s4] =	stream.linear.scatter [tilespmem:s1], [sflag:$0x3], $0x80, $0x38;
	[tilespmem:$0xE800] =	vst v63  }
0x23b: {  	s1 =	simm.s32 $0xA598;
	s18 =	sadd.s32 $0x30, s30  }
0x23c: {  	[hbm4b:s18+s4] =	stream.linear.scatter [tilespmem:s1], [sflag:$0x3], $0x80, $0x38;
	[tilespmem:$0xE800] =	vst v63  }
0x23d: {  	s1 =	simm.s32 $0xA620;
	s18 =	sadd.s32 $0x40, s30  }
0x23e: {  	[hbm4b:s18+s4] =	stream.linear.scatter [tilespmem:s1], [sflag:$0x3], $0x80, $0x38;
	[tilespmem:$0xE800] =	vst v63  }
0x23f: {  	s31 =	simm.s32 $0x2200;
	s1 =	simm.s32 $0xA6A8;
	s18 =	sadd.s32 $0x50, s30  }
0x240: {  	[hbm4b:s18+s4] =	stream.linear.scatter [tilespmem:s1], [sflag:$0x3], $0x80, $0x38;
	[tilespmem:$0xE800] =	vst v63  }
0x241: {  	s29 =	simm.s32 $0x440;
	s1 =	simm.s32 $0xA730;
	s18 =	sadd.s32 $0x60, s30  }
0x242: {  	[hbm4b:s18+s4] =	stream.linear.scatter [tilespmem:s1], [sflag:$0x3], $0x80, $0x38;
	[tilespmem:$0xE800] =	vst v63  }
0x243: {  	s0 =	sadd.s32 $0x70, s30;
	s30 =	sadd.s32 $0x4000, s30;
	s1 =	simm.s32 $0xA7B8  }
.LBB2_14:
0x244: {  	[hbm4b:s0+s4] =	stream.linear.scatter [tilespmem:s1], [sflag:$0x3], $0x80, $0x38;
	[tilespmem:$0xE800] =	vst v63  }
0x245: {  	s0 =	smov.u32 s29;
	s1 =	smov.u32 s31  }
0x246: {  	s18 =	sadd.s32 $0x1100, s31;
	s29 =	sshra.s32 s1, $0x2;
	s1 =	sadd.s32 $0xA400, s0  }
0x247: {  	[hbm4b:s30+s4] =	stream.linear.scatter [tilespmem:s1], [sflag:$0x3], $0x80, $0x38;
	[tilespmem:$0xE800] =	vst v63  }
0x248: {  	p0 =	sne.s32 s31, $0x7700;
	s31 =	sadd.s32 $0x10, s30;
	s1 =	sadd.s32 $0xA488, s0  }
0x249: {  	[hbm4b:s31+s4] =	stream.linear.scatter [tilespmem:s1], [sflag:$0x3], $0x80, $0x38;
	[tilespmem:$0xE800] =	vst v63  }
0x24a: {  	s1 =	sadd.s32 $0xA510, s0;
	s31 =	sadd.s32 $0x20, s30  }
0x24b: {  	[hbm4b:s31+s4] =	stream.linear.scatter [tilespmem:s1], [sflag:$0x3], $0x80, $0x38;
	[tilespmem:$0xE800] =	vst v63  }
0x24c: {  	s1 =	sadd.s32 $0xA598, s0;
	s31 =	sadd.s32 $0x30, s30  }
0x24d: {  	[hbm4b:s31+s4] =	stream.linear.scatter [tilespmem:s1], [sflag:$0x3], $0x80, $0x38;
	[tilespmem:$0xE800] =	vst v63  }
0x24e: {  	s1 =	sadd.s32 $0xA620, s0;
	s31 =	sadd.s32 $0x40, s30  }
0x24f: {  	[hbm4b:s31+s4] =	stream.linear.scatter [tilespmem:s1], [sflag:$0x3], $0x80, $0x38;
	[tilespmem:$0xE800] =	vst v63  }
0x250: {  	s1 =	sadd.s32 $0xA6A8, s0;
	s31 =	sadd.s32 $0x50, s30  }
0x251: {  	[hbm4b:s31+s4] =	stream.linear.scatter [tilespmem:s1], [sflag:$0x3], $0x80, $0x38;
	[tilespmem:$0xE800] =	vst v63  }
.Ltmp5:
0x252: {  	_ = 	snop;
	(pc) =	sbr.rel @p0 .LBB2_14-.Ltmp5, $4  }
0x253: {  	s1 =	sadd.s32 $0xA730, s0;
	s31 =	sadd.s32 $0x60, s30  }
0x254: {  	[hbm4b:s31+s4] =	stream.linear.scatter [tilespmem:s1], [sflag:$0x3], $0x80, $0x38;
	[tilespmem:$0xE800] =	vst v63  }
0x255: {  	s1 =	sadd.s32 $0xA7B8, s0  }
0x256: {  	s0 =	sadd.s32 $0x70, s30;
	s30 =	sadd.s32 $0x4000, s30;
	s31 =	smov.u32 s18  }
0x257: {  	[hbm4b:s0+s4] =	stream.linear.scatter [tilespmem:s1], [sflag:$0x3], $0x80, $0x38;
	[tilespmem:$0xE800] =	vst v63  }
0x258: {  	s1 =	sadd.s32 $0xA400, s29  }
0x259: {  	[hbm4b:s30+s4] =	stream.linear.scatter [tilespmem:s1], [sflag:$0x3], $0x80, $0x38;
	[tilespmem:$0xE800] =	vst v63  }
0x25a: {  	s18 =	sadd.s32 $0xA488, s29;
	s31 =	sadd.s32 $0x10, s30  }
0x25b: {  	[hbm4b:s31+s4] =	stream.linear.scatter [tilespmem:s18], [sflag:$0x3], $0x80, $0x38;
	[tilespmem:$0xE800] =	vst v63  }
0x25c: {  	s18 =	sadd.s32 $0xA510, s29;
	s31 =	sadd.s32 $0x20, s30  }
0x25d: {  	[hbm4b:s31+s4] =	stream.linear.scatter [tilespmem:s18], [sflag:$0x3], $0x80, $0x38;
	[tilespmem:$0xE800] =	vst v63  }
0x25e: {  	s18 =	sadd.s32 $0xA598, s29;
	s31 =	sadd.s32 $0x30, s30  }
0x25f: {  	[hbm4b:s31+s4] =	stream.linear.scatter [tilespmem:s18], [sflag:$0x3], $0x80, $0x38;
	[tilespmem:$0xE800] =	vst v63  }
0x260: {  	s18 =	sadd.s32 $0xA620, s29;
	s31 =	sadd.s32 $0x40, s30  }
0x261: {  	[hbm4b:s31+s4] =	stream.linear.scatter [tilespmem:s18], [sflag:$0x3], $0x80, $0x38;
	[tilespmem:$0xE800] =	vst v63  }
0x262: {  	s18 =	sadd.s32 $0xA6A8, s29;
	s31 =	sadd.s32 $0x50, s30  }
0x263: {  	[hbm4b:s31+s4] =	stream.linear.scatter [tilespmem:s18], [sflag:$0x3], $0x80, $0x38;
	[tilespmem:$0xE800] =	vst v63  }
0x264: {  	s18 =	sadd.s32 $0xA730, s29;
	s31 =	sadd.s32 $0x60, s30  }
0x265: {  	[hbm4b:s31+s4] =	stream.linear.scatter [tilespmem:s18], [sflag:$0x3], $0x80, $0x38;
	[tilespmem:$0xE800] =	vst v63  }
0x266: {  	s1 =	sadd.s32 $0xA7B8, s29;
	s18 =	sadd.s32 $0x70, s30  }
0x267: {  	[hbm4b:s18+s4] =	stream.linear.scatter [tilespmem:s1], [sflag:$0x3], $0x80, $0x38;
	[tilespmem:$0xE800] =	vst v63  }
0x268: {  	_ =	swait.ge [sflag:s19], $0x2000  }
0x269: {  	[sflag:s19] =	ssyncset.done $0x0  }
0x26a: {  	[sflag:s19] =	ssyncadd.s32 $0xFFFFE000  }
0x26b: {  	_ =	swait.ge [sflag:s23], $0x2000  }
0x26c: {  	[sflag:s23] =	ssyncset.done $0x0  }
0x26d: {  	s29 =	simm.s32 $0x8480;
	s31 =	simm.s32 $0x0;
	[sflag:s23] =	ssyncadd.s32 $0xFFFFE000  }
0x26e: {  	v4 =	vmov s31;
	v5 =	vld [tilespmem:s29+$0xFFFFFF80]  }
0x26f: {  	v4 =	vand.u32 $0x7C, v4  }
0x270: {  	v6 =	vadd.s32 v0, v4;
	_ =	sdelay $0x2  }
0x271: {  	v5 =	vmul.f32 $8.000000000e+00, v5;
	_ =	sdelay $0x1  }
0x272: {  	[tilespmem:v6+s20+$0x0] =	vst.idx.msk $0xffff, v5  }
0x273: {  	v5 =	vld [tilespmem:s29+$0xFFFFFF90];
	_ =	sdelay $0x1  }
0x274: {  	v6 =	vadd.s32 v1, v4;
	_ =	sdelay $0x2  }
0x275: {  	v5 =	vmul.f32 $8.000000000e+00, v5;
	_ =	sdelay $0x1  }
0x276: {  	[tilespmem:v6+s20+$0x0] =	vst.idx.msk $0xffff, v5  }
0x277: {  	v5 =	vld [tilespmem:s29+$0xFFFFFFA0];
	_ =	sdelay $0x1  }
0x278: {  	v6 =	vadd.s32 v2, v4;
	_ =	sdelay $0x2  }
0x279: {  	v5 =	vmul.f32 $8.000000000e+00, v5;
	_ =	sdelay $0x1  }
0x27a: {  	[tilespmem:v6+s20+$0x0] =	vst.idx.msk $0xffff, v5  }
0x27b: {  	v5 =	vld [tilespmem:s29+$0xFFFFFFB0];
	_ =	sdelay $0x1  }
0x27c: {  	v4 =	vadd.s32 v3, v4;
	_ =	sdelay $0x2  }
0x27d: {  	v5 =	vmul.f32 $8.000000000e+00, v5;
	_ =	sdelay $0x1  }
0x27e: {  	s1 =	simm.s32 $0x1;
	[tilespmem:v4+s20+$0x0] =	vst.idx.msk $0xffff, v5  }
0x27f: {  	v4 =	vmov s1;
	v5 =	vld [tilespmem:s29+$0xFFFFFFC0]  }
0x280: {  	v4 =	vand.u32 $0x7D, v4  }
0x281: {  	v6 =	vadd.s32 v0, v4;
	_ =	sdelay $0x2  }
0x282: {  	v5 =	vmul.f32 $8.000000000e+00, v5;
	_ =	sdelay $0x1  }
0x283: {  	[tilespmem:v6+s20+$0x0] =	vst.idx.msk $0xffff, v5  }
0x284: {  	v5 =	vld [tilespmem:s29+$0xFFFFFFD0];
	_ =	sdelay $0x1  }
0x285: {  	v6 =	vadd.s32 v1, v4;
	_ =	sdelay $0x2  }
0x286: {  	v5 =	vmul.f32 $8.000000000e+00, v5;
	_ =	sdelay $0x1  }
0x287: {  	[tilespmem:v6+s20+$0x0] =	vst.idx.msk $0xffff, v5  }
0x288: {  	v5 =	vld [tilespmem:s29+$0xFFFFFFE0];
	_ =	sdelay $0x1  }
0x289: {  	v6 =	vadd.s32 v2, v4;
	_ =	sdelay $0x2  }
0x28a: {  	v5 =	vmul.f32 $8.000000000e+00, v5;
	_ =	sdelay $0x1  }
0x28b: {  	[tilespmem:v6+s20+$0x0] =	vst.idx.msk $0xffff, v5  }
0x28c: {  	v5 =	vld [tilespmem:s29+$0xFFFFFFF0];
	_ =	sdelay $0x1  }
0x28d: {  	v4 =	vadd.s32 v3, v4;
	_ =	sdelay $0x2  }
0x28e: {  	v5 =	vmul.f32 $8.000000000e+00, v5;
	_ =	sdelay $0x1  }
0x28f: {  	s18 =	simm.s32 $0x2;
	[tilespmem:v4+s20+$0x0] =	vst.idx.msk $0xffff, v5  }
0x290: {  	v4 =	vmov s18;
	v5 =	vld [tilespmem:s29+$0x0]  }
0x291: {  	v4 =	vand.u32 $0x7E, v4  }
0x292: {  	v6 =	vadd.s32 v0, v4;
	_ =	sdelay $0x2  }
0x293: {  	v5 =	vmul.f32 $8.000000000e+00, v5;
	_ =	sdelay $0x1  }
0x294: {  	[tilespmem:v6+s20+$0x0] =	vst.idx.msk $0xffff, v5  }
0x295: {  	v5 =	vld [tilespmem:s29+$0x10];
	_ =	sdelay $0x1  }
0x296: {  	v6 =	vadd.s32 v1, v4;
	_ =	sdelay $0x2  }
0x297: {  	v5 =	vmul.f32 $8.000000000e+00, v5;
	_ =	sdelay $0x1  }
0x298: {  	[tilespmem:v6+s20+$0x0] =	vst.idx.msk $0xffff, v5  }
0x299: {  	v5 =	vld [tilespmem:s29+$0x20];
	_ =	sdelay $0x1  }
0x29a: {  	v6 =	vadd.s32 v2, v4;
	_ =	sdelay $0x2  }
0x29b: {  	v5 =	vmul.f32 $8.000000000e+00, v5;
	_ =	sdelay $0x1  }
0x29c: {  	[tilespmem:v6+s20+$0x0] =	vst.idx.msk $0xffff, v5  }
0x29d: {  	v5 =	vld [tilespmem:s29+$0x30];
	_ =	sdelay $0x1  }
0x29e: {  	v4 =	vadd.s32 v3, v4;
	_ =	sdelay $0x2  }
0x29f: {  	v5 =	vmul.f32 $8.000000000e+00, v5;
	_ =	sdelay $0x1  }
0x2a0: {  	s31 =	simm.s32 $0x3;
	[tilespmem:v4+s20+$0x0] =	vst.idx.msk $0xffff, v5  }
0x2a1: {  	v4 =	vmov s31;
	v5 =	vld [tilespmem:s29+$0x40]  }
0x2a2: {  	v4 =	vand.u32 $0x7F, v4  }
0x2a3: {  	v6 =	vadd.s32 v0, v4;
	_ =	sdelay $0x2  }
0x2a4: {  	v5 =	vmul.f32 $8.000000000e+00, v5;
	_ =	sdelay $0x1  }
0x2a5: {  	[tilespmem:v6+s20+$0x0] =	vst.idx.msk $0xffff, v5  }
0x2a6: {  	v5 =	vld [tilespmem:s29+$0x50];
	_ =	sdelay $0x1  }
0x2a7: {  	v6 =	vadd.s32 v1, v4;
	_ =	sdelay $0x2  }
0x2a8: {  	v5 =	vmul.f32 $8.000000000e+00, v5;
	_ =	sdelay $0x1  }
0x2a9: {  	[tilespmem:v6+s20+$0x0] =	vst.idx.msk $0xffff, v5  }
0x2aa: {  	v5 =	vld [tilespmem:s29+$0x60];
	_ =	sdelay $0x1  }
0x2ab: {  	v6 =	vadd.s32 v2, v4;
	_ =	sdelay $0x2  }
0x2ac: {  	v5 =	vmul.f32 $8.000000000e+00, v5;
	_ =	sdelay $0x1  }
0x2ad: {  	[tilespmem:v6+s20+$0x0] =	vst.idx.msk $0xffff, v5  }
0x2ae: {  	v5 =	vld [tilespmem:s29+$0x70];
	_ =	sdelay $0x1  }
0x2af: {  	v4 =	vadd.s32 v3, v4;
	_ =	sdelay $0x2  }
0x2b0: {  	s30 =	simm.s32 $0x4;
	v5 =	vmul.f32 $8.000000000e+00, v5  }
.LBB2_16:
0x2b1: {  	p0 =	slt.u32 s30, $0x7C  }
0x2b2: {  	s29 =	sadd.s32 $0x100, s29;
	s31 =	smov.u32 s30;
	s30 =	sadd.s32 $0x4, s30;
	[tilespmem:v4+s20+$0x0] =	vst.idx.msk $0xffff, v5  }
0x2b3: {  	v4 =	vmov s31;
	v5 =	vld [tilespmem:s29+$0xFFFFFF80]  }
0x2b4: {  	v4 =	vand.u32 $0x7C, v4  }
0x2b5: {  	v6 =	vadd.s32 v0, v4;
	_ =	sdelay $0x2  }
0x2b6: {  	v5 =	vmul.f32 $8.000000000e+00, v5;
	_ =	sdelay $0x1  }
0x2b7: {  	[tilespmem:v6+s20+$0x0] =	vst.idx.msk $0xffff, v5  }
0x2b8: {  	v5 =	vld [tilespmem:s29+$0xFFFFFF90];
	_ =	sdelay $0x1  }
0x2b9: {  	v6 =	vadd.s32 v1, v4;
	_ =	sdelay $0x2  }
0x2ba: {  	v5 =	vmul.f32 $8.000000000e+00, v5;
	_ =	sdelay $0x1  }
0x2bb: {  	[tilespmem:v6+s20+$0x0] =	vst.idx.msk $0xffff, v5  }
0x2bc: {  	v5 =	vld [tilespmem:s29+$0xFFFFFFA0];
	_ =	sdelay $0x1  }
0x2bd: {  	v6 =	vadd.s32 v2, v4;
	_ =	sdelay $0x2  }
0x2be: {  	v5 =	vmul.f32 $8.000000000e+00, v5;
	_ =	sdelay $0x1  }
0x2bf: {  	[tilespmem:v6+s20+$0x0] =	vst.idx.msk $0xffff, v5  }
0x2c0: {  	v5 =	vld [tilespmem:s29+$0xFFFFFFB0];
	_ =	sdelay $0x1  }
0x2c1: {  	v4 =	vadd.s32 v3, v4;
	_ =	sdelay $0x2  }
0x2c2: {  	v5 =	vmul.f32 $8.000000000e+00, v5;
	_ =	sdelay $0x1  }
0x2c3: {  	s0 =	sadd.s32 $0x1, s31;
	[tilespmem:v4+s20+$0x0] =	vst.idx.msk $0xffff, v5  }
0x2c4: {  	v4 =	vmov s0;
	v5 =	vld [tilespmem:s29+$0xFFFFFFC0]  }
0x2c5: {  	v4 =	vand.u32 $0x7D, v4  }
0x2c6: {  	v6 =	vadd.s32 v0, v4;
	_ =	sdelay $0x2  }
0x2c7: {  	v5 =	vmul.f32 $8.000000000e+00, v5;
	_ =	sdelay $0x1  }
0x2c8: {  	[tilespmem:v6+s20+$0x0] =	vst.idx.msk $0xffff, v5  }
0x2c9: {  	v5 =	vld [tilespmem:s29+$0xFFFFFFD0];
	_ =	sdelay $0x1  }
0x2ca: {  	v6 =	vadd.s32 v1, v4;
	_ =	sdelay $0x2  }
0x2cb: {  	v5 =	vmul.f32 $8.000000000e+00, v5;
	_ =	sdelay $0x1  }
0x2cc: {  	[tilespmem:v6+s20+$0x0] =	vst.idx.msk $0xffff, v5  }
0x2cd: {  	v5 =	vld [tilespmem:s29+$0xFFFFFFE0];
	_ =	sdelay $0x1  }
0x2ce: {  	v6 =	vadd.s32 v2, v4;
	_ =	sdelay $0x2  }
0x2cf: {  	v5 =	vmul.f32 $8.000000000e+00, v5;
	_ =	sdelay $0x1  }
0x2d0: {  	[tilespmem:v6+s20+$0x0] =	vst.idx.msk $0xffff, v5  }
0x2d1: {  	v5 =	vld [tilespmem:s29+$0xFFFFFFF0];
	_ =	sdelay $0x1  }
0x2d2: {  	v4 =	vadd.s32 v3, v4;
	_ =	sdelay $0x2  }
0x2d3: {  	v5 =	vmul.f32 $8.000000000e+00, v5;
	_ =	sdelay $0x1  }
0x2d4: {  	s0 =	sadd.s32 $0x2, s31;
	[tilespmem:v4+s20+$0x0] =	vst.idx.msk $0xffff, v5  }
0x2d5: {  	v4 =	vmov s0;
	v5 =	vld [tilespmem:s29+$0x0]  }
0x2d6: {  	v4 =	vand.u32 $0x7E, v4  }
0x2d7: {  	v6 =	vadd.s32 v0, v4;
	_ =	sdelay $0x2  }
0x2d8: {  	v5 =	vmul.f32 $8.000000000e+00, v5;
	_ =	sdelay $0x1  }
0x2d9: {  	[tilespmem:v6+s20+$0x0] =	vst.idx.msk $0xffff, v5  }
0x2da: {  	v5 =	vld [tilespmem:s29+$0x10];
	_ =	sdelay $0x1  }
0x2db: {  	v6 =	vadd.s32 v1, v4;
	_ =	sdelay $0x2  }
0x2dc: {  	v5 =	vmul.f32 $8.000000000e+00, v5;
	_ =	sdelay $0x1  }
0x2dd: {  	[tilespmem:v6+s20+$0x0] =	vst.idx.msk $0xffff, v5  }
0x2de: {  	v5 =	vld [tilespmem:s29+$0x20];
	_ =	sdelay $0x1  }
0x2df: {  	v6 =	vadd.s32 v2, v4;
	_ =	sdelay $0x2  }
0x2e0: {  	v5 =	vmul.f32 $8.000000000e+00, v5;
	_ =	sdelay $0x1  }
0x2e1: {  	[tilespmem:v6+s20+$0x0] =	vst.idx.msk $0xffff, v5  }
0x2e2: {  	v5 =	vld [tilespmem:s29+$0x30];
	_ =	sdelay $0x1  }
0x2e3: {  	v4 =	vadd.s32 v3, v4;
	_ =	sdelay $0x2  }
0x2e4: {  	v5 =	vmul.f32 $8.000000000e+00, v5;
	_ =	sdelay $0x1  }
0x2e5: {  	s0 =	sadd.s32 $0x3, s31;
	[tilespmem:v4+s20+$0x0] =	vst.idx.msk $0xffff, v5  }
0x2e6: {  	v4 =	vmov s0;
	v5 =	vld [tilespmem:s29+$0x40]  }
0x2e7: {  	v4 =	vand.u32 $0x7F, v4  }
0x2e8: {  	v6 =	vadd.s32 v0, v4;
	_ =	sdelay $0x2  }
0x2e9: {  	v5 =	vmul.f32 $8.000000000e+00, v5;
	_ =	sdelay $0x1  }
0x2ea: {  	[tilespmem:v6+s20+$0x0] =	vst.idx.msk $0xffff, v5  }
0x2eb: {  	v5 =	vld [tilespmem:s29+$0x50];
	_ =	sdelay $0x1  }
0x2ec: {  	v6 =	vadd.s32 v1, v4;
	_ =	sdelay $0x2  }
0x2ed: {  	v5 =	vmul.f32 $8.000000000e+00, v5;
	_ =	sdelay $0x1  }
0x2ee: {  	[tilespmem:v6+s20+$0x0] =	vst.idx.msk $0xffff, v5  }
0x2ef: {  	v5 =	vld [tilespmem:s29+$0x60];
	_ =	sdelay $0x1  }
0x2f0: {  	v6 =	vadd.s32 v2, v4;
	_ =	sdelay $0x2  }
0x2f1: {  	v5 =	vmul.f32 $8.000000000e+00, v5;
	_ =	sdelay $0x1  }
0x2f2: {  	[tilespmem:v6+s20+$0x0] =	vst.idx.msk $0xffff, v5  }
0x2f3: {  	v5 =	vld [tilespmem:s29+$0x70]  }
.Ltmp6:
0x2f4: {  	(pc) =	sbr.rel @p0 .LBB2_16-.Ltmp6, $2  }
0x2f5: {  	v4 =	vadd.s32 v3, v4;
	_ =	sdelay $0x2  }
0x2f6: {  	v5 =	vmul.f32 $8.000000000e+00, v5  }
0x2f7: {  	_ =	sdelay $0x1  }
0x2f8: {  	s0 =	sadd.s32 s28, s3  }
0x2f9: {  	s0 =	sadd.s32 $0x1, s0  }
0x2fa: {  	s18 =	sadd.s32 $0x180, s26;
	[tilespmem:v4+s20+$0x0] =	vst.idx.msk $0xffff, v5;
	s1 =	sshrl.u32 s0, $0x7  }
0x2fb: {  	[tilespmem:s15], [sflag:$0x2] =	stream.indirect.gather [hbm4b:s5+s13], $0x40, s18, s13, $0xb8;
	[tilespmem:$0xE800] =	vst v63  }
0x2fc: {  	s0 =	sshll.u32 s0, $0xA;
	s30 =	sshll.u32 s1, $0x11  }
0x2fd: {  	s1 =	sshll.u32 s1, $0x14;
	s0 =	ssub.s32 s0, s30  }
0x2fe: {  	s0 =	sadd.s32 s1, s0  }
0x2ff: {  	s0 =	sshrl.u32 s0, $0x3  }
0x300: {  	s31 =	simm.s32 $0xC600;
	s18 =	sadd.s32 s2, s0  }
0x301: {  	[hbm4b:s18+s4] =	stream.linear.scatter [tilespmem:s31], [sflag:$0x4], $0x80, $0x38;
	[tilespmem:$0xE800] =	vst v63  }
0x302: {  	s1 =	simm.s32 $0xC688;
	s26 =	sadd.s32 $0x10, s18  }
0x303: {  	[hbm4b:s26+s4] =	stream.linear.scatter [tilespmem:s1], [sflag:$0x4], $0x80, $0x38;
	[tilespmem:$0xE800] =	vst v63  }
0x304: {  	s29 =	simm.s32 $0x2200;
	s30 =	simm.s32 $0xC710;
	s31 =	sadd.s32 $0x20, s18  }
0x305: {  	[hbm4b:s31+s4] =	stream.linear.scatter [tilespmem:s30], [sflag:$0x4], $0x80, $0x38;
	[tilespmem:$0xE800] =	vst v63  }
0x306: {  	s0 =	sadd.s32 $0x70, s18;
	s1 =	simm.s32 $0xC798;
	s26 =	sadd.s32 $0x30, s18  }
0x307: {  	[hbm4b:s26+s4] =	stream.linear.scatter [tilespmem:s1], [sflag:$0x4], $0x80, $0x38;
	[tilespmem:$0xE800] =	vst v63  }
0x308: {  	s28 =	sadd.s32 $0x4000, s18;
	s30 =	simm.s32 $0xC820;
	s31 =	sadd.s32 $0x40, s18  }
0x309: {  	[hbm4b:s31+s4] =	stream.linear.scatter [tilespmem:s30], [sflag:$0x4], $0x80, $0x38;
	[tilespmem:$0xE800] =	vst v63  }
0x30a: {  	s1 =	simm.s32 $0xC8A8;
	s26 =	sadd.s32 $0x50, s18;
	s30 =	simm.s32 $0xC930  }
0x30b: {  	[hbm4b:s26+s4] =	stream.linear.scatter [tilespmem:s1], [sflag:$0x4], $0x80, $0x38;
	[tilespmem:$0xE800] =	vst v63  }
0x30c: {  	s31 =	sadd.s32 $0x60, s18;
	s26 =	simm.s32 $0x440;
	s1 =	simm.s32 $0xC9B8  }
0x30d: {  	[hbm4b:s31+s4] =	stream.linear.scatter [tilespmem:s30], [sflag:$0x4], $0x80, $0x38;
	[tilespmem:$0xE800] =	vst v63  }
.LBB2_18:
0x30e: {  	[hbm4b:s0+s4] =	stream.linear.scatter [tilespmem:s1], [sflag:$0x4], $0x80, $0x38;
	[tilespmem:$0xE800] =	vst v63  }
0x30f: {  	s0 =	smov.u32 s26;
	s1 =	smov.u32 s29  }
0x310: {  	s18 =	sadd.s32 $0x1100, s29;
	s26 =	sshra.s32 s1, $0x2;
	s1 =	sadd.s32 $0xC600, s0  }
0x311: {  	[hbm4b:s28+s4] =	stream.linear.scatter [tilespmem:s1], [sflag:$0x4], $0x80, $0x38;
	[tilespmem:$0xE800] =	vst v63  }
0x312: {  	p0 =	seq.s32 s29, $0x7700;
	s29 =	sadd.s32 $0x10, s28;
	s1 =	sadd.s32 $0xC688, s0  }
0x313: {  	[hbm4b:s29+s4] =	stream.linear.scatter [tilespmem:s1], [sflag:$0x4], $0x80, $0x38;
	[tilespmem:$0xE800] =	vst v63  }
0x314: {  	s1 =	sadd.s32 $0xC710, s0;
	s29 =	sadd.s32 $0x20, s28  }
0x315: {  	[hbm4b:s29+s4] =	stream.linear.scatter [tilespmem:s1], [sflag:$0x4], $0x80, $0x38;
	[tilespmem:$0xE800] =	vst v63  }
0x316: {  	s1 =	sadd.s32 $0xC798, s0;
	s29 =	sadd.s32 $0x30, s28  }
0x317: {  	[hbm4b:s29+s4] =	stream.linear.scatter [tilespmem:s1], [sflag:$0x4], $0x80, $0x38;
	[tilespmem:$0xE800] =	vst v63  }
0x318: {  	s1 =	sadd.s32 $0xC820, s0;
	s29 =	sadd.s32 $0x40, s28  }
0x319: {  	[hbm4b:s29+s4] =	stream.linear.scatter [tilespmem:s1], [sflag:$0x4], $0x80, $0x38;
	[tilespmem:$0xE800] =	vst v63  }
0x31a: {  	s1 =	sadd.s32 $0xC8A8, s0;
	s29 =	sadd.s32 $0x50, s28  }
0x31b: {  	[hbm4b:s29+s4] =	stream.linear.scatter [tilespmem:s1], [sflag:$0x4], $0x80, $0x38;
	[tilespmem:$0xE800] =	vst v63  }
.Ltmp7:
0x31c: {  	_ = 	snop;
	(pc) =	sbr.rel @!p0 .LBB2_18-.Ltmp7, $4  }
0x31d: {  	s1 =	sadd.s32 $0xC930, s0;
	s29 =	sadd.s32 $0x60, s28  }
0x31e: {  	[hbm4b:s29+s4] =	stream.linear.scatter [tilespmem:s1], [sflag:$0x4], $0x80, $0x38;
	[tilespmem:$0xE800] =	vst v63  }
0x31f: {  	s1 =	sadd.s32 $0xC9B8, s0  }
0x320: {  	s0 =	sadd.s32 $0x70, s28;
	s28 =	sadd.s32 $0x4000, s28;
	s29 =	smov.u32 s18  }
0x321: {  	[hbm4b:s0+s4] =	stream.linear.scatter [tilespmem:s1], [sflag:$0x4], $0x80, $0x38;
	[tilespmem:$0xE800] =	vst v63  }
0x322: {  	s29 =	sadd.s32 $0xC600, s26  }
0x323: {  	[hbm4b:s28+s4] =	stream.linear.scatter [tilespmem:s29], [sflag:$0x4], $0x80, $0x38;
	[tilespmem:$0xE800] =	vst v63  }
0x324: {  	s30 =	sadd.s32 $0xC688, s26;
	s31 =	sadd.s32 $0x10, s28  }
0x325: {  	[hbm4b:s31+s4] =	stream.linear.scatter [tilespmem:s30], [sflag:$0x4], $0x80, $0x38;
	[tilespmem:$0xE800] =	vst v63  }
0x326: {  	s18 =	sadd.s32 $0xC710, s26;
	s29 =	sadd.s32 $0x20, s28  }
0x327: {  	[hbm4b:s29+s4] =	stream.linear.scatter [tilespmem:s18], [sflag:$0x4], $0x80, $0x38;
	[tilespmem:$0xE800] =	vst v63  }
0x328: {  	s30 =	sadd.s32 $0xC798, s26;
	s31 =	sadd.s32 $0x30, s28  }
0x329: {  	[hbm4b:s31+s4] =	stream.linear.scatter [tilespmem:s30], [sflag:$0x4], $0x80, $0x38;
	[tilespmem:$0xE800] =	vst v63  }
0x32a: {  	s18 =	sadd.s32 $0xC820, s26;
	s29 =	sadd.s32 $0x40, s28  }
0x32b: {  	[hbm4b:s29+s4] =	stream.linear.scatter [tilespmem:s18], [sflag:$0x4], $0x80, $0x38;
	[tilespmem:$0xE800] =	vst v63  }
0x32c: {  	s30 =	sadd.s32 $0xC8A8, s26;
	s31 =	sadd.s32 $0x50, s28  }
0x32d: {  	[hbm4b:s31+s4] =	stream.linear.scatter [tilespmem:s30], [sflag:$0x4], $0x80, $0x38;
	[tilespmem:$0xE800] =	vst v63  }
0x32e: {  	s18 =	sadd.s32 $0xC930, s26;
	s29 =	sadd.s32 $0x60, s28  }
0x32f: {  	[hbm4b:s29+s4] =	stream.linear.scatter [tilespmem:s18], [sflag:$0x4], $0x80, $0x38;
	[tilespmem:$0xE800] =	vst v63  }
0x330: {  	s30 =	sadd.s32 $0xC9B8, s26;
	s31 =	sadd.s32 $0x70, s28  }
0x331: {  	[hbm4b:s31+s4] =	stream.linear.scatter [tilespmem:s30], [sflag:$0x4], $0x80, $0x38;
	[tilespmem:$0xE800] =	vst v63  }
0x332: {  	p0 =	seq.s32 s25, $0x62  }
.Ltmp8:
0x333: {  	_ = 	snop;
	(pc) =	sbr.rel @!p0 .LBB2_11-.Ltmp8, $1  }
0x334: {  	_ =	sdelay $0x3  }
0x335: {  	_ =	swait.ge [sflag:s16], $0x2000  }
0x336: {  	[sflag:s16] =	ssyncset.done $0x0  }
0x337: {  	[sflag:s16] =	ssyncadd.s32 $0xFFFFE000  }
0x338: {  	_ =	swait.ge [sflag:s22], $0x2000  }
0x339: {  	[sflag:s22] =	ssyncset.done $0x0  }
0x33a: {  	s0 =	simm.s32 $0x0;
	s25 =	simm.s32 $0x6480;
	[sflag:s22] =	ssyncadd.s32 $0xFFFFE000  }
0x33b: {  	v4 =	vmov s0;
	v5 =	vld [tilespmem:s25+$0xFFFFFF80]  }
0x33c: {  	v4 =	vand.u32 $0x7C, v4  }
0x33d: {  	v6 =	vadd.s32 v0, v4;
	_ =	sdelay $0x2  }
0x33e: {  	v5 =	vmul.f32 $8.000000000e+00, v5;
	_ =	sdelay $0x1  }
0x33f: {  	[tilespmem:v6+s17+$0x0] =	vst.idx.msk $0xffff, v5  }
0x340: {  	v5 =	vld [tilespmem:s25+$0xFFFFFF90];
	_ =	sdelay $0x1  }
0x341: {  	v6 =	vadd.s32 v1, v4;
	_ =	sdelay $0x2  }
0x342: {  	v5 =	vmul.f32 $8.000000000e+00, v5;
	_ =	sdelay $0x1  }
0x343: {  	[tilespmem:v6+s17+$0x0] =	vst.idx.msk $0xffff, v5  }
0x344: {  	v5 =	vld [tilespmem:s25+$0xFFFFFFA0];
	_ =	sdelay $0x1  }
0x345: {  	v6 =	vadd.s32 v2, v4;
	_ =	sdelay $0x2  }
0x346: {  	v5 =	vmul.f32 $8.000000000e+00, v5;
	_ =	sdelay $0x1  }
0x347: {  	[tilespmem:v6+s17+$0x0] =	vst.idx.msk $0xffff, v5  }
0x348: {  	v5 =	vld [tilespmem:s25+$0xFFFFFFB0];
	_ =	sdelay $0x1  }
0x349: {  	v4 =	vadd.s32 v3, v4;
	_ =	sdelay $0x2  }
0x34a: {  	v5 =	vmul.f32 $8.000000000e+00, v5;
	_ =	sdelay $0x1  }
0x34b: {  	s29 =	simm.s32 $0x1;
	[tilespmem:v4+s17+$0x0] =	vst.idx.msk $0xffff, v5  }
0x34c: {  	v4 =	vmov s29;
	v5 =	vld [tilespmem:s25+$0xFFFFFFC0]  }
0x34d: {  	v4 =	vand.u32 $0x7D, v4  }
0x34e: {  	v6 =	vadd.s32 v0, v4;
	_ =	sdelay $0x2  }
0x34f: {  	v5 =	vmul.f32 $8.000000000e+00, v5;
	_ =	sdelay $0x1  }
0x350: {  	[tilespmem:v6+s17+$0x0] =	vst.idx.msk $0xffff, v5  }
0x351: {  	v5 =	vld [tilespmem:s25+$0xFFFFFFD0];
	_ =	sdelay $0x1  }
0x352: {  	v6 =	vadd.s32 v1, v4;
	_ =	sdelay $0x2  }
0x353: {  	v5 =	vmul.f32 $8.000000000e+00, v5;
	_ =	sdelay $0x1  }
0x354: {  	[tilespmem:v6+s17+$0x0] =	vst.idx.msk $0xffff, v5  }
0x355: {  	v5 =	vld [tilespmem:s25+$0xFFFFFFE0];
	_ =	sdelay $0x1  }
0x356: {  	v6 =	vadd.s32 v2, v4;
	_ =	sdelay $0x2  }
0x357: {  	v5 =	vmul.f32 $8.000000000e+00, v5;
	_ =	sdelay $0x1  }
0x358: {  	[tilespmem:v6+s17+$0x0] =	vst.idx.msk $0xffff, v5  }
0x359: {  	v5 =	vld [tilespmem:s25+$0xFFFFFFF0];
	_ =	sdelay $0x1  }
0x35a: {  	v4 =	vadd.s32 v3, v4;
	_ =	sdelay $0x2  }
0x35b: {  	v5 =	vmul.f32 $8.000000000e+00, v5;
	_ =	sdelay $0x1  }
0x35c: {  	s30 =	simm.s32 $0x2;
	[tilespmem:v4+s17+$0x0] =	vst.idx.msk $0xffff, v5  }
0x35d: {  	v4 =	vmov s30;
	v5 =	vld [tilespmem:s25+$0x0]  }
0x35e: {  	v4 =	vand.u32 $0x7E, v4  }
0x35f: {  	v6 =	vadd.s32 v0, v4;
	_ =	sdelay $0x2  }
0x360: {  	v5 =	vmul.f32 $8.000000000e+00, v5;
	_ =	sdelay $0x1  }
0x361: {  	[tilespmem:v6+s17+$0x0] =	vst.idx.msk $0xffff, v5  }
0x362: {  	v5 =	vld [tilespmem:s25+$0x10];
	_ =	sdelay $0x1  }
0x363: {  	v6 =	vadd.s32 v1, v4;
	_ =	sdelay $0x2  }
0x364: {  	v5 =	vmul.f32 $8.000000000e+00, v5;
	_ =	sdelay $0x1  }
0x365: {  	[tilespmem:v6+s17+$0x0] =	vst.idx.msk $0xffff, v5  }
0x366: {  	v5 =	vld [tilespmem:s25+$0x20];
	_ =	sdelay $0x1  }
0x367: {  	v6 =	vadd.s32 v2, v4;
	_ =	sdelay $0x2  }
0x368: {  	v5 =	vmul.f32 $8.000000000e+00, v5;
	_ =	sdelay $0x1  }
0x369: {  	[tilespmem:v6+s17+$0x0] =	vst.idx.msk $0xffff, v5  }
0x36a: {  	v5 =	vld [tilespmem:s25+$0x30];
	_ =	sdelay $0x1  }
0x36b: {  	v4 =	vadd.s32 v3, v4;
	_ =	sdelay $0x2  }
0x36c: {  	v5 =	vmul.f32 $8.000000000e+00, v5;
	_ =	sdelay $0x1  }
0x36d: {  	s31 =	simm.s32 $0x3;
	[tilespmem:v4+s17+$0x0] =	vst.idx.msk $0xffff, v5  }
0x36e: {  	v4 =	vmov s31;
	v5 =	vld [tilespmem:s25+$0x40]  }
0x36f: {  	v4 =	vand.u32 $0x7F, v4  }
0x370: {  	v6 =	vadd.s32 v0, v4;
	_ =	sdelay $0x2  }
0x371: {  	v5 =	vmul.f32 $8.000000000e+00, v5;
	_ =	sdelay $0x1  }
0x372: {  	[tilespmem:v6+s17+$0x0] =	vst.idx.msk $0xffff, v5  }
0x373: {  	v5 =	vld [tilespmem:s25+$0x50];
	_ =	sdelay $0x1  }
0x374: {  	v6 =	vadd.s32 v1, v4;
	_ =	sdelay $0x2  }
0x375: {  	v5 =	vmul.f32 $8.000000000e+00, v5;
	_ =	sdelay $0x1  }
0x376: {  	[tilespmem:v6+s17+$0x0] =	vst.idx.msk $0xffff, v5  }
0x377: {  	v5 =	vld [tilespmem:s25+$0x60];
	_ =	sdelay $0x1  }
0x378: {  	v6 =	vadd.s32 v2, v4;
	_ =	sdelay $0x2  }
0x379: {  	v5 =	vmul.f32 $8.000000000e+00, v5;
	_ =	sdelay $0x1  }
0x37a: {  	[tilespmem:v6+s17+$0x0] =	vst.idx.msk $0xffff, v5  }
0x37b: {  	v5 =	vld [tilespmem:s25+$0x70];
	_ =	sdelay $0x1  }
0x37c: {  	v4 =	vadd.s32 v3, v4;
	_ =	sdelay $0x2  }
0x37d: {  	s26 =	simm.s32 $0x4;
	v5 =	vmul.f32 $8.000000000e+00, v5  }
.LBB2_21:
0x37e: {  	p0 =	slt.u32 s26, $0x7C  }
0x37f: {  	s25 =	sadd.s32 $0x100, s25;
	s28 =	smov.u32 s26;
	s26 =	sadd.s32 $0x4, s26;
	[tilespmem:v4+s17+$0x0] =	vst.idx.msk $0xffff, v5  }
0x380: {  	v4 =	vmov s28;
	v5 =	vld [tilespmem:s25+$0xFFFFFF80]  }
0x381: {  	v4 =	vand.u32 $0x7C, v4  }
0x382: {  	v6 =	vadd.s32 v0, v4;
	_ =	sdelay $0x2  }
0x383: {  	v5 =	vmul.f32 $8.000000000e+00, v5;
	_ =	sdelay $0x1  }
0x384: {  	[tilespmem:v6+s17+$0x0] =	vst.idx.msk $0xffff, v5  }
0x385: {  	v5 =	vld [tilespmem:s25+$0xFFFFFF90];
	_ =	sdelay $0x1  }
0x386: {  	v6 =	vadd.s32 v1, v4;
	_ =	sdelay $0x2  }
0x387: {  	v5 =	vmul.f32 $8.000000000e+00, v5;
	_ =	sdelay $0x1  }
0x388: {  	[tilespmem:v6+s17+$0x0] =	vst.idx.msk $0xffff, v5  }
0x389: {  	v5 =	vld [tilespmem:s25+$0xFFFFFFA0];
	_ =	sdelay $0x1  }
0x38a: {  	v6 =	vadd.s32 v2, v4;
	_ =	sdelay $0x2  }
0x38b: {  	v5 =	vmul.f32 $8.000000000e+00, v5;
	_ =	sdelay $0x1  }
0x38c: {  	[tilespmem:v6+s17+$0x0] =	vst.idx.msk $0xffff, v5  }
0x38d: {  	v5 =	vld [tilespmem:s25+$0xFFFFFFB0];
	_ =	sdelay $0x1  }
0x38e: {  	v4 =	vadd.s32 v3, v4;
	_ =	sdelay $0x2  }
0x38f: {  	v5 =	vmul.f32 $8.000000000e+00, v5;
	_ =	sdelay $0x1  }
0x390: {  	s0 =	sadd.s32 $0x1, s28;
	[tilespmem:v4+s17+$0x0] =	vst.idx.msk $0xffff, v5  }
0x391: {  	v4 =	vmov s0;
	v5 =	vld [tilespmem:s25+$0xFFFFFFC0]  }
0x392: {  	v4 =	vand.u32 $0x7D, v4  }
0x393: {  	v6 =	vadd.s32 v0, v4;
	_ =	sdelay $0x2  }
0x394: {  	v5 =	vmul.f32 $8.000000000e+00, v5;
	_ =	sdelay $0x1  }
0x395: {  	[tilespmem:v6+s17+$0x0] =	vst.idx.msk $0xffff, v5  }
0x396: {  	v5 =	vld [tilespmem:s25+$0xFFFFFFD0];
	_ =	sdelay $0x1  }
0x397: {  	v6 =	vadd.s32 v1, v4;
	_ =	sdelay $0x2  }
0x398: {  	v5 =	vmul.f32 $8.000000000e+00, v5;
	_ =	sdelay $0x1  }
0x399: {  	[tilespmem:v6+s17+$0x0] =	vst.idx.msk $0xffff, v5  }
0x39a: {  	v5 =	vld [tilespmem:s25+$0xFFFFFFE0];
	_ =	sdelay $0x1  }
0x39b: {  	v6 =	vadd.s32 v2, v4;
	_ =	sdelay $0x2  }
0x39c: {  	v5 =	vmul.f32 $8.000000000e+00, v5;
	_ =	sdelay $0x1  }
0x39d: {  	[tilespmem:v6+s17+$0x0] =	vst.idx.msk $0xffff, v5  }
0x39e: {  	v5 =	vld [tilespmem:s25+$0xFFFFFFF0];
	_ =	sdelay $0x1  }
0x39f: {  	v4 =	vadd.s32 v3, v4;
	_ =	sdelay $0x2  }
0x3a0: {  	v5 =	vmul.f32 $8.000000000e+00, v5;
	_ =	sdelay $0x1  }
0x3a1: {  	s0 =	sadd.s32 $0x2, s28;
	[tilespmem:v4+s17+$0x0] =	vst.idx.msk $0xffff, v5  }
0x3a2: {  	v4 =	vmov s0;
	v5 =	vld [tilespmem:s25+$0x0]  }
0x3a3: {  	v4 =	vand.u32 $0x7E, v4  }
0x3a4: {  	v6 =	vadd.s32 v0, v4;
	_ =	sdelay $0x2  }
0x3a5: {  	v5 =	vmul.f32 $8.000000000e+00, v5;
	_ =	sdelay $0x1  }
0x3a6: {  	[tilespmem:v6+s17+$0x0] =	vst.idx.msk $0xffff, v5  }
0x3a7: {  	v5 =	vld [tilespmem:s25+$0x10];
	_ =	sdelay $0x1  }
0x3a8: {  	v6 =	vadd.s32 v1, v4;
	_ =	sdelay $0x2  }
0x3a9: {  	v5 =	vmul.f32 $8.000000000e+00, v5;
	_ =	sdelay $0x1  }
0x3aa: {  	[tilespmem:v6+s17+$0x0] =	vst.idx.msk $0xffff, v5  }
0x3ab: {  	v5 =	vld [tilespmem:s25+$0x20];
	_ =	sdelay $0x1  }
0x3ac: {  	v6 =	vadd.s32 v2, v4;
	_ =	sdelay $0x2  }
0x3ad: {  	v5 =	vmul.f32 $8.000000000e+00, v5;
	_ =	sdelay $0x1  }
0x3ae: {  	[tilespmem:v6+s17+$0x0] =	vst.idx.msk $0xffff, v5  }
0x3af: {  	v5 =	vld [tilespmem:s25+$0x30];
	_ =	sdelay $0x1  }
0x3b0: {  	v4 =	vadd.s32 v3, v4;
	_ =	sdelay $0x2  }
0x3b1: {  	v5 =	vmul.f32 $8.000000000e+00, v5;
	_ =	sdelay $0x1  }
0x3b2: {  	s0 =	sadd.s32 $0x3, s28;
	[tilespmem:v4+s17+$0x0] =	vst.idx.msk $0xffff, v5  }
0x3b3: {  	v4 =	vmov s0;
	v5 =	vld [tilespmem:s25+$0x40]  }
0x3b4: {  	v4 =	vand.u32 $0x7F, v4  }
0x3b5: {  	v6 =	vadd.s32 v0, v4;
	_ =	sdelay $0x2  }
0x3b6: {  	v5 =	vmul.f32 $8.000000000e+00, v5;
	_ =	sdelay $0x1  }
0x3b7: {  	[tilespmem:v6+s17+$0x0] =	vst.idx.msk $0xffff, v5  }
0x3b8: {  	v5 =	vld [tilespmem:s25+$0x50];
	_ =	sdelay $0x1  }
0x3b9: {  	v6 =	vadd.s32 v1, v4;
	_ =	sdelay $0x2  }
0x3ba: {  	v5 =	vmul.f32 $8.000000000e+00, v5;
	_ =	sdelay $0x1  }
0x3bb: {  	[tilespmem:v6+s17+$0x0] =	vst.idx.msk $0xffff, v5  }
0x3bc: {  	v5 =	vld [tilespmem:s25+$0x60];
	_ =	sdelay $0x1  }
0x3bd: {  	v6 =	vadd.s32 v2, v4;
	_ =	sdelay $0x2  }
0x3be: {  	v5 =	vmul.f32 $8.000000000e+00, v5;
	_ =	sdelay $0x1  }
0x3bf: {  	[tilespmem:v6+s17+$0x0] =	vst.idx.msk $0xffff, v5  }
0x3c0: {  	v5 =	vld [tilespmem:s25+$0x70]  }
.Ltmp9:
0x3c1: {  	(pc) =	sbr.rel @p0 .LBB2_21-.Ltmp9, $2  }
0x3c2: {  	v4 =	vadd.s32 v3, v4;
	_ =	sdelay $0x2  }
0x3c3: {  	v5 =	vmul.f32 $8.000000000e+00, v5  }
0x3c4: {  	_ =	sdelay $0x3  }
0x3c5: {  	s0 =	simm.s32 $0xA400;
	[tilespmem:v4+s17+$0x0] =	vst.idx.msk $0xffff, v5  }
0x3c6: {  	[hbm4b:s9+s4] =	stream.linear.scatter [tilespmem:s0], [sflag:$0x3], $0x80, $0x38;
	[tilespmem:$0xE800] =	vst v63  }
0x3c7: {  	s25 =	simm.s32 $0xA488;
	s1 =	sadd.s32 $0x10, s9  }
0x3c8: {  	[hbm4b:s1+s4] =	stream.linear.scatter [tilespmem:s25], [sflag:$0x3], $0x80, $0x38;
	[tilespmem:$0xE800] =	vst v63  }
0x3c9: {  	s26 =	simm.s32 $0xA510;
	s29 =	sadd.s32 $0x20, s9;
	s30 =	simm.s32 $0xA598  }
0x3ca: {  	[hbm4b:s29+s4] =	stream.linear.scatter [tilespmem:s26], [sflag:$0x3], $0x80, $0x38;
	[tilespmem:$0xE800] =	vst v63  }
0x3cb: {  	s31 =	sadd.s32 $0x30, s9;
	s18 =	simm.s32 $0xA620;
	s28 =	simm.s32 $0x2200  }
0x3cc: {  	[hbm4b:s31+s4] =	stream.linear.scatter [tilespmem:s30], [sflag:$0x3], $0x80, $0x38;
	[tilespmem:$0xE800] =	vst v63  }
0x3cd: {  	s0 =	sadd.s32 $0x70, s9;
	s25 =	sadd.s32 $0x40, s9;
	s1 =	simm.s32 $0xA7B8  }
0x3ce: {  	[hbm4b:s25+s4] =	stream.linear.scatter [tilespmem:s18], [sflag:$0x3], $0x80, $0x38;
	[tilespmem:$0xE800] =	vst v63  }
0x3cf: {  	s26 =	simm.s32 $0xA6A8;
	s29 =	sadd.s32 $0x50, s9;
	s30 =	simm.s32 $0xA730  }
0x3d0: {  	[hbm4b:s29+s4] =	stream.linear.scatter [tilespmem:s26], [sflag:$0x3], $0x80, $0x38;
	[tilespmem:$0xE800] =	vst v63  }
0x3d1: {  	s31 =	sadd.s32 $0x60, s9;
	s25 =	simm.s32 $0x440;
	s26 =	sadd.s32 $0x4000, s9  }
0x3d2: {  	[hbm4b:s31+s4] =	stream.linear.scatter [tilespmem:s30], [sflag:$0x3], $0x80, $0x38;
	[tilespmem:$0xE800] =	vst v63  }
.LBB2_23:
0x3d3: {  	[hbm4b:s0+s4] =	stream.linear.scatter [tilespmem:s1], [sflag:$0x3], $0x80, $0x38;
	[tilespmem:$0xE800] =	vst v63  }
0x3d4: {  	s0 =	smov.u32 s25;
	s1 =	smov.u32 s28  }
0x3d5: {  	s18 =	sadd.s32 $0x1100, s28;
	s25 =	sshra.s32 s1, $0x2;
	s1 =	sadd.s32 $0xA400, s0  }
0x3d6: {  	[hbm4b:s26+s4] =	stream.linear.scatter [tilespmem:s1], [sflag:$0x3], $0x80, $0x38;
	[tilespmem:$0xE800] =	vst v63  }
0x3d7: {  	p0 =	sne.s32 s28, $0x7700;
	s28 =	sadd.s32 $0x10, s26;
	s1 =	sadd.s32 $0xA488, s0  }
0x3d8: {  	[hbm4b:s28+s4] =	stream.linear.scatter [tilespmem:s1], [sflag:$0x3], $0x80, $0x38;
	[tilespmem:$0xE800] =	vst v63  }
0x3d9: {  	s1 =	sadd.s32 $0xA510, s0;
	s28 =	sadd.s32 $0x20, s26  }
0x3da: {  	[hbm4b:s28+s4] =	stream.linear.scatter [tilespmem:s1], [sflag:$0x3], $0x80, $0x38;
	[tilespmem:$0xE800] =	vst v63  }
0x3db: {  	s1 =	sadd.s32 $0xA598, s0;
	s28 =	sadd.s32 $0x30, s26  }
0x3dc: {  	[hbm4b:s28+s4] =	stream.linear.scatter [tilespmem:s1], [sflag:$0x3], $0x80, $0x38;
	[tilespmem:$0xE800] =	vst v63  }
0x3dd: {  	s1 =	sadd.s32 $0xA620, s0;
	s28 =	sadd.s32 $0x40, s26  }
0x3de: {  	[hbm4b:s28+s4] =	stream.linear.scatter [tilespmem:s1], [sflag:$0x3], $0x80, $0x38;
	[tilespmem:$0xE800] =	vst v63  }
0x3df: {  	s1 =	sadd.s32 $0xA6A8, s0;
	s28 =	sadd.s32 $0x50, s26  }
0x3e0: {  	[hbm4b:s28+s4] =	stream.linear.scatter [tilespmem:s1], [sflag:$0x3], $0x80, $0x38;
	[tilespmem:$0xE800] =	vst v63  }
.Ltmp10:
0x3e1: {  	_ = 	snop;
	(pc) =	sbr.rel @p0 .LBB2_23-.Ltmp10, $4  }
0x3e2: {  	s1 =	sadd.s32 $0xA730, s0;
	s28 =	sadd.s32 $0x60, s26  }
0x3e3: {  	[hbm4b:s28+s4] =	stream.linear.scatter [tilespmem:s1], [sflag:$0x3], $0x80, $0x38;
	[tilespmem:$0xE800] =	vst v63  }
0x3e4: {  	s1 =	sadd.s32 $0xA7B8, s0  }
0x3e5: {  	s0 =	sadd.s32 $0x70, s26;
	s26 =	sadd.s32 $0x4000, s26;
	s28 =	smov.u32 s18  }
0x3e6: {  	[hbm4b:s0+s4] =	stream.linear.scatter [tilespmem:s1], [sflag:$0x3], $0x80, $0x38;
	[tilespmem:$0xE800] =	vst v63  }
0x3e7: {  	s18 =	sadd.s32 $0xA400, s25  }
0x3e8: {  	[hbm4b:s26+s4] =	stream.linear.scatter [tilespmem:s18], [sflag:$0x3], $0x80, $0x38;
	[tilespmem:$0xE800] =	vst v63  }
0x3e9: {  	s28 =	sadd.s32 $0xA488, s25;
	s29 =	sadd.s32 $0x10, s26  }
0x3ea: {  	[hbm4b:s29+s4] =	stream.linear.scatter [tilespmem:s28], [sflag:$0x3], $0x80, $0x38;
	[tilespmem:$0xE800] =	vst v63  }
0x3eb: {  	s30 =	sadd.s32 $0xA510, s25;
	s31 =	sadd.s32 $0x20, s26  }
0x3ec: {  	[hbm4b:s31+s4] =	stream.linear.scatter [tilespmem:s30], [sflag:$0x3], $0x80, $0x38;
	[tilespmem:$0xE800] =	vst v63  }
0x3ed: {  	s1 =	sadd.s32 $0xA598, s25;
	s18 =	sadd.s32 $0x30, s26  }
0x3ee: {  	[hbm4b:s18+s4] =	stream.linear.scatter [tilespmem:s1], [sflag:$0x3], $0x80, $0x38;
	[tilespmem:$0xE800] =	vst v63  }
0x3ef: {  	s28 =	sadd.s32 $0xA620, s25;
	s29 =	sadd.s32 $0x40, s26  }
0x3f0: {  	[hbm4b:s29+s4] =	stream.linear.scatter [tilespmem:s28], [sflag:$0x3], $0x80, $0x38;
	[tilespmem:$0xE800] =	vst v63  }
0x3f1: {  	s30 =	sadd.s32 $0xA6A8, s25;
	s31 =	sadd.s32 $0x50, s26  }
0x3f2: {  	[hbm4b:s31+s4] =	stream.linear.scatter [tilespmem:s30], [sflag:$0x3], $0x80, $0x38;
	[tilespmem:$0xE800] =	vst v63  }
0x3f3: {  	s1 =	sadd.s32 $0xA730, s25;
	s18 =	sadd.s32 $0x60, s26  }
0x3f4: {  	[hbm4b:s18+s4] =	stream.linear.scatter [tilespmem:s1], [sflag:$0x3], $0x80, $0x38;
	[tilespmem:$0xE800] =	vst v63  }
0x3f5: {  	s25 =	sadd.s32 $0xA7B8, s25;
	s26 =	sadd.s32 $0x70, s26  }
0x3f6: {  	[hbm4b:s26+s4] =	stream.linear.scatter [tilespmem:s25], [sflag:$0x3], $0x80, $0x38;
	[tilespmem:$0xE800] =	vst v63  }
0x3f7: {  	_ =	swait.ge [sflag:s19], $0x2000  }
0x3f8: {  	[sflag:s19] =	ssyncset.done $0x0  }
0x3f9: {  	[sflag:s19] =	ssyncadd.s32 $0xFFFFE000  }
0x3fa: {  	_ =	swait.ge [sflag:s23], $0x2000  }
0x3fb: {  	[sflag:s23] =	ssyncset.done $0x0  }
0x3fc: {  	s28 =	simm.s32 $0x0;
	s25 =	simm.s32 $0x8480;
	[sflag:s23] =	ssyncadd.s32 $0xFFFFE000  }
0x3fd: {  	v4 =	vmov s28;
	v5 =	vld [tilespmem:s25+$0xFFFFFF80]  }
0x3fe: {  	v4 =	vand.u32 $0x7C, v4  }
0x3ff: {  	v6 =	vadd.s32 v0, v4;
	_ =	sdelay $0x2  }
0x400: {  	v5 =	vmul.f32 $8.000000000e+00, v5;
	_ =	sdelay $0x1  }
0x401: {  	[tilespmem:v6+s20+$0x0] =	vst.idx.msk $0xffff, v5  }
0x402: {  	v5 =	vld [tilespmem:s25+$0xFFFFFF90];
	_ =	sdelay $0x1  }
0x403: {  	v6 =	vadd.s32 v1, v4;
	_ =	sdelay $0x2  }
0x404: {  	v5 =	vmul.f32 $8.000000000e+00, v5;
	_ =	sdelay $0x1  }
0x405: {  	[tilespmem:v6+s20+$0x0] =	vst.idx.msk $0xffff, v5  }
0x406: {  	v5 =	vld [tilespmem:s25+$0xFFFFFFA0];
	_ =	sdelay $0x1  }
0x407: {  	v6 =	vadd.s32 v2, v4;
	_ =	sdelay $0x2  }
0x408: {  	v5 =	vmul.f32 $8.000000000e+00, v5;
	_ =	sdelay $0x1  }
0x409: {  	[tilespmem:v6+s20+$0x0] =	vst.idx.msk $0xffff, v5  }
0x40a: {  	v5 =	vld [tilespmem:s25+$0xFFFFFFB0];
	_ =	sdelay $0x1  }
0x40b: {  	v4 =	vadd.s32 v3, v4;
	_ =	sdelay $0x2  }
0x40c: {  	v5 =	vmul.f32 $8.000000000e+00, v5;
	_ =	sdelay $0x1  }
0x40d: {  	s29 =	simm.s32 $0x1;
	[tilespmem:v4+s20+$0x0] =	vst.idx.msk $0xffff, v5  }
0x40e: {  	v4 =	vmov s29;
	v5 =	vld [tilespmem:s25+$0xFFFFFFC0]  }
0x40f: {  	v4 =	vand.u32 $0x7D, v4  }
0x410: {  	v6 =	vadd.s32 v0, v4;
	_ =	sdelay $0x2  }
0x411: {  	v5 =	vmul.f32 $8.000000000e+00, v5;
	_ =	sdelay $0x1  }
0x412: {  	[tilespmem:v6+s20+$0x0] =	vst.idx.msk $0xffff, v5  }
0x413: {  	v5 =	vld [tilespmem:s25+$0xFFFFFFD0];
	_ =	sdelay $0x1  }
0x414: {  	v6 =	vadd.s32 v1, v4;
	_ =	sdelay $0x2  }
0x415: {  	v5 =	vmul.f32 $8.000000000e+00, v5;
	_ =	sdelay $0x1  }
0x416: {  	[tilespmem:v6+s20+$0x0] =	vst.idx.msk $0xffff, v5  }
0x417: {  	v5 =	vld [tilespmem:s25+$0xFFFFFFE0];
	_ =	sdelay $0x1  }
0x418: {  	v6 =	vadd.s32 v2, v4;
	_ =	sdelay $0x2  }
0x419: {  	v5 =	vmul.f32 $8.000000000e+00, v5;
	_ =	sdelay $0x1  }
0x41a: {  	[tilespmem:v6+s20+$0x0] =	vst.idx.msk $0xffff, v5  }
0x41b: {  	v5 =	vld [tilespmem:s25+$0xFFFFFFF0];
	_ =	sdelay $0x1  }
0x41c: {  	v4 =	vadd.s32 v3, v4;
	_ =	sdelay $0x2  }
0x41d: {  	v5 =	vmul.f32 $8.000000000e+00, v5;
	_ =	sdelay $0x1  }
0x41e: {  	s30 =	simm.s32 $0x2;
	[tilespmem:v4+s20+$0x0] =	vst.idx.msk $0xffff, v5  }
0x41f: {  	v4 =	vmov s30;
	v5 =	vld [tilespmem:s25+$0x0]  }
0x420: {  	v4 =	vand.u32 $0x7E, v4  }
0x421: {  	v6 =	vadd.s32 v0, v4;
	_ =	sdelay $0x2  }
0x422: {  	v5 =	vmul.f32 $8.000000000e+00, v5;
	_ =	sdelay $0x1  }
0x423: {  	[tilespmem:v6+s20+$0x0] =	vst.idx.msk $0xffff, v5  }
0x424: {  	v5 =	vld [tilespmem:s25+$0x10];
	_ =	sdelay $0x1  }
0x425: {  	v6 =	vadd.s32 v1, v4;
	_ =	sdelay $0x2  }
0x426: {  	v5 =	vmul.f32 $8.000000000e+00, v5;
	_ =	sdelay $0x1  }
0x427: {  	[tilespmem:v6+s20+$0x0] =	vst.idx.msk $0xffff, v5  }
0x428: {  	v5 =	vld [tilespmem:s25+$0x20];
	_ =	sdelay $0x1  }
0x429: {  	v6 =	vadd.s32 v2, v4;
	_ =	sdelay $0x2  }
0x42a: {  	v5 =	vmul.f32 $8.000000000e+00, v5;
	_ =	sdelay $0x1  }
0x42b: {  	[tilespmem:v6+s20+$0x0] =	vst.idx.msk $0xffff, v5  }
0x42c: {  	v5 =	vld [tilespmem:s25+$0x30];
	_ =	sdelay $0x1  }
0x42d: {  	v4 =	vadd.s32 v3, v4;
	_ =	sdelay $0x2  }
0x42e: {  	v5 =	vmul.f32 $8.000000000e+00, v5;
	_ =	sdelay $0x1  }
0x42f: {  	s31 =	simm.s32 $0x3;
	[tilespmem:v4+s20+$0x0] =	vst.idx.msk $0xffff, v5  }
0x430: {  	v4 =	vmov s31;
	v5 =	vld [tilespmem:s25+$0x40]  }
0x431: {  	v4 =	vand.u32 $0x7F, v4  }
0x432: {  	v6 =	vadd.s32 v0, v4;
	_ =	sdelay $0x2  }
0x433: {  	v5 =	vmul.f32 $8.000000000e+00, v5;
	_ =	sdelay $0x1  }
0x434: {  	[tilespmem:v6+s20+$0x0] =	vst.idx.msk $0xffff, v5  }
0x435: {  	v5 =	vld [tilespmem:s25+$0x50];
	_ =	sdelay $0x1  }
0x436: {  	v6 =	vadd.s32 v1, v4;
	_ =	sdelay $0x2  }
0x437: {  	v5 =	vmul.f32 $8.000000000e+00, v5;
	_ =	sdelay $0x1  }
0x438: {  	[tilespmem:v6+s20+$0x0] =	vst.idx.msk $0xffff, v5  }
0x439: {  	v5 =	vld [tilespmem:s25+$0x60];
	_ =	sdelay $0x1  }
0x43a: {  	v6 =	vadd.s32 v2, v4;
	_ =	sdelay $0x2  }
0x43b: {  	v5 =	vmul.f32 $8.000000000e+00, v5;
	_ =	sdelay $0x1  }
0x43c: {  	[tilespmem:v6+s20+$0x0] =	vst.idx.msk $0xffff, v5  }
0x43d: {  	v5 =	vld [tilespmem:s25+$0x70];
	_ =	sdelay $0x1  }
0x43e: {  	v4 =	vadd.s32 v3, v4;
	_ =	sdelay $0x2  }
0x43f: {  	s26 =	simm.s32 $0x4;
	v5 =	vmul.f32 $8.000000000e+00, v5  }
.LBB2_25:
0x440: {  	p0 =	slt.u32 s26, $0x7C  }
0x441: {  	s25 =	sadd.s32 $0x100, s25;
	s28 =	smov.u32 s26;
	s26 =	sadd.s32 $0x4, s26;
	[tilespmem:v4+s20+$0x0] =	vst.idx.msk $0xffff, v5  }
0x442: {  	v4 =	vmov s28;
	v5 =	vld [tilespmem:s25+$0xFFFFFF80]  }
0x443: {  	v4 =	vand.u32 $0x7C, v4  }
0x444: {  	v6 =	vadd.s32 v0, v4;
	_ =	sdelay $0x2  }
0x445: {  	v5 =	vmul.f32 $8.000000000e+00, v5;
	_ =	sdelay $0x1  }
0x446: {  	[tilespmem:v6+s20+$0x0] =	vst.idx.msk $0xffff, v5  }
0x447: {  	v5 =	vld [tilespmem:s25+$0xFFFFFF90];
	_ =	sdelay $0x1  }
0x448: {  	v6 =	vadd.s32 v1, v4;
	_ =	sdelay $0x2  }
0x449: {  	v5 =	vmul.f32 $8.000000000e+00, v5;
	_ =	sdelay $0x1  }
0x44a: {  	[tilespmem:v6+s20+$0x0] =	vst.idx.msk $0xffff, v5  }
0x44b: {  	v5 =	vld [tilespmem:s25+$0xFFFFFFA0];
	_ =	sdelay $0x1  }
0x44c: {  	v6 =	vadd.s32 v2, v4;
	_ =	sdelay $0x2  }
0x44d: {  	v5 =	vmul.f32 $8.000000000e+00, v5;
	_ =	sdelay $0x1  }
0x44e: {  	[tilespmem:v6+s20+$0x0] =	vst.idx.msk $0xffff, v5  }
0x44f: {  	v5 =	vld [tilespmem:s25+$0xFFFFFFB0];
	_ =	sdelay $0x1  }
0x450: {  	v4 =	vadd.s32 v3, v4;
	_ =	sdelay $0x2  }
0x451: {  	v5 =	vmul.f32 $8.000000000e+00, v5;
	_ =	sdelay $0x1  }
0x452: {  	s0 =	sadd.s32 $0x1, s28;
	[tilespmem:v4+s20+$0x0] =	vst.idx.msk $0xffff, v5  }
0x453: {  	v4 =	vmov s0;
	v5 =	vld [tilespmem:s25+$0xFFFFFFC0]  }
0x454: {  	v4 =	vand.u32 $0x7D, v4  }
0x455: {  	v6 =	vadd.s32 v0, v4;
	_ =	sdelay $0x2  }
0x456: {  	v5 =	vmul.f32 $8.000000000e+00, v5;
	_ =	sdelay $0x1  }
0x457: {  	[tilespmem:v6+s20+$0x0] =	vst.idx.msk $0xffff, v5  }
0x458: {  	v5 =	vld [tilespmem:s25+$0xFFFFFFD0];
	_ =	sdelay $0x1  }
0x459: {  	v6 =	vadd.s32 v1, v4;
	_ =	sdelay $0x2  }
0x45a: {  	v5 =	vmul.f32 $8.000000000e+00, v5;
	_ =	sdelay $0x1  }
0x45b: {  	[tilespmem:v6+s20+$0x0] =	vst.idx.msk $0xffff, v5  }
0x45c: {  	v5 =	vld [tilespmem:s25+$0xFFFFFFE0];
	_ =	sdelay $0x1  }
0x45d: {  	v6 =	vadd.s32 v2, v4;
	_ =	sdelay $0x2  }
0x45e: {  	v5 =	vmul.f32 $8.000000000e+00, v5;
	_ =	sdelay $0x1  }
0x45f: {  	[tilespmem:v6+s20+$0x0] =	vst.idx.msk $0xffff, v5  }
0x460: {  	v5 =	vld [tilespmem:s25+$0xFFFFFFF0];
	_ =	sdelay $0x1  }
0x461: {  	v4 =	vadd.s32 v3, v4;
	_ =	sdelay $0x2  }
0x462: {  	v5 =	vmul.f32 $8.000000000e+00, v5;
	_ =	sdelay $0x1  }
0x463: {  	s0 =	sadd.s32 $0x2, s28;
	[tilespmem:v4+s20+$0x0] =	vst.idx.msk $0xffff, v5  }
0x464: {  	v4 =	vmov s0;
	v5 =	vld [tilespmem:s25+$0x0]  }
0x465: {  	v4 =	vand.u32 $0x7E, v4  }
0x466: {  	v6 =	vadd.s32 v0, v4;
	_ =	sdelay $0x2  }
0x467: {  	v5 =	vmul.f32 $8.000000000e+00, v5;
	_ =	sdelay $0x1  }
0x468: {  	[tilespmem:v6+s20+$0x0] =	vst.idx.msk $0xffff, v5  }
0x469: {  	v5 =	vld [tilespmem:s25+$0x10];
	_ =	sdelay $0x1  }
0x46a: {  	v6 =	vadd.s32 v1, v4;
	_ =	sdelay $0x2  }
0x46b: {  	v5 =	vmul.f32 $8.000000000e+00, v5;
	_ =	sdelay $0x1  }
0x46c: {  	[tilespmem:v6+s20+$0x0] =	vst.idx.msk $0xffff, v5  }
0x46d: {  	v5 =	vld [tilespmem:s25+$0x20];
	_ =	sdelay $0x1  }
0x46e: {  	v6 =	vadd.s32 v2, v4;
	_ =	sdelay $0x2  }
0x46f: {  	v5 =	vmul.f32 $8.000000000e+00, v5;
	_ =	sdelay $0x1  }
0x470: {  	[tilespmem:v6+s20+$0x0] =	vst.idx.msk $0xffff, v5  }
0x471: {  	v5 =	vld [tilespmem:s25+$0x30];
	_ =	sdelay $0x1  }
0x472: {  	v4 =	vadd.s32 v3, v4;
	_ =	sdelay $0x2  }
0x473: {  	v5 =	vmul.f32 $8.000000000e+00, v5;
	_ =	sdelay $0x1  }
0x474: {  	s0 =	sadd.s32 $0x3, s28;
	[tilespmem:v4+s20+$0x0] =	vst.idx.msk $0xffff, v5  }
0x475: {  	v4 =	vmov s0;
	v5 =	vld [tilespmem:s25+$0x40]  }
0x476: {  	v4 =	vand.u32 $0x7F, v4  }
0x477: {  	v6 =	vadd.s32 v0, v4;
	_ =	sdelay $0x2  }
0x478: {  	v5 =	vmul.f32 $8.000000000e+00, v5;
	_ =	sdelay $0x1  }
0x479: {  	[tilespmem:v6+s20+$0x0] =	vst.idx.msk $0xffff, v5  }
0x47a: {  	v5 =	vld [tilespmem:s25+$0x50];
	_ =	sdelay $0x1  }
0x47b: {  	v6 =	vadd.s32 v1, v4;
	_ =	sdelay $0x2  }
0x47c: {  	v5 =	vmul.f32 $8.000000000e+00, v5;
	_ =	sdelay $0x1  }
0x47d: {  	[tilespmem:v6+s20+$0x0] =	vst.idx.msk $0xffff, v5  }
0x47e: {  	v5 =	vld [tilespmem:s25+$0x60];
	_ =	sdelay $0x1  }
0x47f: {  	v6 =	vadd.s32 v2, v4;
	_ =	sdelay $0x2  }
0x480: {  	v5 =	vmul.f32 $8.000000000e+00, v5;
	_ =	sdelay $0x1  }
0x481: {  	[tilespmem:v6+s20+$0x0] =	vst.idx.msk $0xffff, v5  }
0x482: {  	v5 =	vld [tilespmem:s25+$0x70]  }
.Ltmp11:
0x483: {  	(pc) =	sbr.rel @p0 .LBB2_25-.Ltmp11, $2  }
0x484: {  	v4 =	vadd.s32 v3, v4;
	_ =	sdelay $0x2  }
0x485: {  	v5 =	vmul.f32 $8.000000000e+00, v5  }
0x486: {  	_ =	sdelay $0x3  }
0x487: {  	s0 =	simm.s32 $0xC600;
	[tilespmem:v4+s20+$0x0] =	vst.idx.msk $0xffff, v5  }
0x488: {  	[hbm4b:s10+s4] =	stream.linear.scatter [tilespmem:s0], [sflag:$0x4], $0x80, $0x38;
	[tilespmem:$0xE800] =	vst v63  }
0x489: {  	s25 =	simm.s32 $0xC688;
	s1 =	sadd.s32 $0x10, s10  }
0x48a: {  	[hbm4b:s1+s4] =	stream.linear.scatter [tilespmem:s25], [sflag:$0x4], $0x80, $0x38;
	[tilespmem:$0xE800] =	vst v63  }
0x48b: {  	s26 =	simm.s32 $0xC710;
	s29 =	sadd.s32 $0x20, s10;
	s30 =	simm.s32 $0xC798  }
0x48c: {  	[hbm4b:s29+s4] =	stream.linear.scatter [tilespmem:s26], [sflag:$0x4], $0x80, $0x38;
	[tilespmem:$0xE800] =	vst v63  }
0x48d: {  	s31 =	sadd.s32 $0x30, s10;
	s18 =	simm.s32 $0xC820;
	s28 =	simm.s32 $0x2200  }
0x48e: {  	[hbm4b:s31+s4] =	stream.linear.scatter [tilespmem:s30], [sflag:$0x4], $0x80, $0x38;
	[tilespmem:$0xE800] =	vst v63  }
0x48f: {  	s0 =	sadd.s32 $0x70, s10;
	s25 =	sadd.s32 $0x40, s10;
	s1 =	simm.s32 $0xC9B8  }
0x490: {  	[hbm4b:s25+s4] =	stream.linear.scatter [tilespmem:s18], [sflag:$0x4], $0x80, $0x38;
	[tilespmem:$0xE800] =	vst v63  }
0x491: {  	s26 =	simm.s32 $0xC8A8;
	s29 =	sadd.s32 $0x50, s10;
	s30 =	simm.s32 $0xC930  }
0x492: {  	[hbm4b:s29+s4] =	stream.linear.scatter [tilespmem:s26], [sflag:$0x4], $0x80, $0x38;
	[tilespmem:$0xE800] =	vst v63  }
0x493: {  	s31 =	sadd.s32 $0x60, s10;
	s25 =	simm.s32 $0x440;
	s26 =	sadd.s32 $0x4000, s10  }
0x494: {  	[hbm4b:s31+s4] =	stream.linear.scatter [tilespmem:s30], [sflag:$0x4], $0x80, $0x38;
	[tilespmem:$0xE800] =	vst v63  }
.LBB2_27:
0x495: {  	[hbm4b:s0+s4] =	stream.linear.scatter [tilespmem:s1], [sflag:$0x4], $0x80, $0x38;
	[tilespmem:$0xE800] =	vst v63  }
0x496: {  	s0 =	smov.u32 s25;
	s1 =	smov.u32 s28  }
0x497: {  	s18 =	sadd.s32 $0x1100, s28;
	s25 =	sshra.s32 s1, $0x2;
	s1 =	sadd.s32 $0xC600, s0  }
0x498: {  	[hbm4b:s26+s4] =	stream.linear.scatter [tilespmem:s1], [sflag:$0x4], $0x80, $0x38;
	[tilespmem:$0xE800] =	vst v63  }
0x499: {  	p0 =	sne.s32 s28, $0x7700;
	s28 =	sadd.s32 $0x10, s26;
	s1 =	sadd.s32 $0xC688, s0  }
0x49a: {  	[hbm4b:s28+s4] =	stream.linear.scatter [tilespmem:s1], [sflag:$0x4], $0x80, $0x38;
	[tilespmem:$0xE800] =	vst v63  }
0x49b: {  	s1 =	sadd.s32 $0xC710, s0;
	s28 =	sadd.s32 $0x20, s26  }
0x49c: {  	[hbm4b:s28+s4] =	stream.linear.scatter [tilespmem:s1], [sflag:$0x4], $0x80, $0x38;
	[tilespmem:$0xE800] =	vst v63  }
0x49d: {  	s1 =	sadd.s32 $0xC798, s0;
	s28 =	sadd.s32 $0x30, s26  }
0x49e: {  	[hbm4b:s28+s4] =	stream.linear.scatter [tilespmem:s1], [sflag:$0x4], $0x80, $0x38;
	[tilespmem:$0xE800] =	vst v63  }
0x49f: {  	s1 =	sadd.s32 $0xC820, s0;
	s28 =	sadd.s32 $0x40, s26  }
0x4a0: {  	[hbm4b:s28+s4] =	stream.linear.scatter [tilespmem:s1], [sflag:$0x4], $0x80, $0x38;
	[tilespmem:$0xE800] =	vst v63  }
0x4a1: {  	s1 =	sadd.s32 $0xC8A8, s0;
	s28 =	sadd.s32 $0x50, s26  }
0x4a2: {  	[hbm4b:s28+s4] =	stream.linear.scatter [tilespmem:s1], [sflag:$0x4], $0x80, $0x38;
	[tilespmem:$0xE800] =	vst v63  }
.Ltmp12:
0x4a3: {  	_ = 	snop;
	(pc) =	sbr.rel @p0 .LBB2_27-.Ltmp12, $4  }
0x4a4: {  	s1 =	sadd.s32 $0xC930, s0;
	s28 =	sadd.s32 $0x60, s26  }
0x4a5: {  	[hbm4b:s28+s4] =	stream.linear.scatter [tilespmem:s1], [sflag:$0x4], $0x80, $0x38;
	[tilespmem:$0xE800] =	vst v63  }
0x4a6: {  	s1 =	sadd.s32 $0xC9B8, s0  }
0x4a7: {  	s0 =	sadd.s32 $0x70, s26;
	s26 =	sadd.s32 $0x4000, s26;
	s28 =	smov.u32 s18  }
0x4a8: {  	[hbm4b:s0+s4] =	stream.linear.scatter [tilespmem:s1], [sflag:$0x4], $0x80, $0x38;
	[tilespmem:$0xE800] =	vst v63  }
0x4a9: {  	s29 =	sadd.s32 $0xC600, s25  }
0x4aa: {  	[hbm4b:s26+s4] =	stream.linear.scatter [tilespmem:s29], [sflag:$0x4], $0x80, $0x38;
	[tilespmem:$0xE800] =	vst v63  }
0x4ab: {  	s30 =	sadd.s32 $0xC688, s25;
	s31 =	sadd.s32 $0x10, s26  }
0x4ac: {  	[hbm4b:s31+s4] =	stream.linear.scatter [tilespmem:s30], [sflag:$0x4], $0x80, $0x38;
	[tilespmem:$0xE800] =	vst v63  }
0x4ad: {  	s1 =	sadd.s32 $0xC710, s25;
	s18 =	sadd.s32 $0x20, s26  }
0x4ae: {  	[hbm4b:s18+s4] =	stream.linear.scatter [tilespmem:s1], [sflag:$0x4], $0x80, $0x38;
	[tilespmem:$0xE800] =	vst v63  }
0x4af: {  	s28 =	sadd.s32 $0xC798, s25;
	s29 =	sadd.s32 $0x30, s26  }
0x4b0: {  	[hbm4b:s29+s4] =	stream.linear.scatter [tilespmem:s28], [sflag:$0x4], $0x80, $0x38;
	[tilespmem:$0xE800] =	vst v63  }
0x4b1: {  	s30 =	sadd.s32 $0xC820, s25;
	s31 =	sadd.s32 $0x40, s26  }
0x4b2: {  	[hbm4b:s31+s4] =	stream.linear.scatter [tilespmem:s30], [sflag:$0x4], $0x80, $0x38;
	[tilespmem:$0xE800] =	vst v63  }
0x4b3: {  	s1 =	sadd.s32 $0xC8A8, s25;
	s18 =	sadd.s32 $0x50, s26  }
0x4b4: {  	[hbm4b:s18+s4] =	stream.linear.scatter [tilespmem:s1], [sflag:$0x4], $0x80, $0x38;
	[tilespmem:$0xE800] =	vst v63  }
0x4b5: {  	s28 =	sadd.s32 $0xC930, s25;
	s29 =	sadd.s32 $0x60, s26  }
0x4b6: {  	[hbm4b:s29+s4] =	stream.linear.scatter [tilespmem:s28], [sflag:$0x4], $0x80, $0x38;
	[tilespmem:$0xE800] =	vst v63  }
0x4b7: {  	s24 =	sadd.s32 $0x1, s24;
	s30 =	sadd.s32 $0xC9B8, s25;
	s31 =	sadd.s32 $0x70, s26  }
0x4b8: {  	[hbm4b:s31+s4] =	stream.linear.scatter [tilespmem:s30], [sflag:$0x4], $0x80, $0x38;
	[tilespmem:$0xE800] =	vst v63  }
0x4b9: {  	p0 =	sne.s32 s24, s11;
	_ =	swait.ge [sflag:s22], $0x2000  }
.Ltmp13:
0x4ba: {  	[sflag:s22] =	ssyncset.done $0x0;
	(pc) =	sbr.rel @p0 .LBB2_1-.Ltmp13, $4  }
0x4bb: {  	[sflag:s22] =	ssyncadd.s32 $0xFFFFE000  }
0x4bc: {  	_ =	swait.ge [sflag:s23], $0x2000  }
0x4bd: {  	[sflag:s23] =	ssyncset.done $0x0  }
0x4be: {  	[sflag:s23] =	ssyncadd.s32 $0xFFFFE000  }
0x4bf: {  	_ =	sfence.sel $0x180000  }
0x4c0: {  	[bflag:$0x0] =	sbarrier.arrive $0xFFFF  }
0x4c1: {  	_ =	strace $0x90000047  }
0x4c2: {  	s0 =	stileid.u32;
	[bflag:$0x2] =	sbarrier.arrive $0xFFFF  }
0x4c3: {  	p0 =	sne.s32 s0, $0x0;
	s0 =	rddreg [dreg:$0x2]  }
0x4c4: {  	s0 =	sadd.s32 @!p0 $0x100000, s0  }
0x4c5: {  	[sflag:s0] =	ssyncadd.tile.s32 @!p0 $0x1;
	_ =	shalt  }
.Lfunc_end2:
_tile_overlayer_lowered:
.L_overlay_start_2:
0x4c6: {  	(tag) =	ssettag $0x2  }
0x4c7: {  	s0 =	rddreg [dreg:$0x0];
	s2 =	stileid.u32  }
0x4c8: {  	s1 =	rddreg [dreg:$0x1];
	p0 =	sne.s32 s2, $0x0  }
0x4c9: {  	s3 =	rddreg [dreg:$0x2];
	[bflag:$0x3] =	sbarrier.arrive $0xFFFF;
	s2 =	simm.s32 @!p0 $0x1C05  }
0x4ca: {  	[timem:s3], [sflag:s2] =	dma.local @!p0 [hbm:s0], s1  }
0x4cb: {  	s0 =	simm.s32 @!p0 $0x5  }
0x4cc: {  	_ =	swait.ge @!p0 [sflag:s0], s1  }
0x4cd: {  	s1 =	ssub.s32 @!p0 $0x0, s1;
	[sflag:s0] =	ssyncset.done @!p0 $0x0  }
0x4ce: {  	[sflag:s0] =	ssyncadd.s32 @!p0 s1  }
0x4cf: {  	[bflag:$0x3] =	sbarrier.arrive $0xFFFF  }
0x4d0: {  	_ =	shalt  }

</sc_bundles>
